<compile_context>
chip_gen: v7x
topology: tpu7x:2x2x1
jax: 0.10.2.dev20260603
libtpu: 0.0.44.dev20260713+nightly
codegen_flags: <defaults>
</compile_context>

<pallas_src>
import functools

import jax
import jax.numpy as jnp
from jax import lax
from jax.experimental import pallas as pl
from jax.experimental.pallas import tpu as pltpu
from jax.experimental.pallas import tpu_sc as plsc

_NC = 2
_NS = 16
_NW = _NC * _NS
_LANES = 16
_N0 = 6
_N1 = 1
_K = 0


@functools.partial(jax.jit, static_argnums=(2, 3, 4))
def _gather_mean(idx_r, features, B, chunk_rows, S):
    N, D = features.shape
    C = chunk_rows
    BP = (idx_r.shape[0] // S)
    inv_s = jnp.float32(1.0 / S)
    tail = B % C

    mesh = plsc.VectorSubcoreMesh(
        core_axis_name="c", subcore_axis_name="s",
        num_cores=_NC, num_subcores=_NS,
    )

    @functools.partial(
        pl.kernel,
        mesh=mesh,
        out_type=jax.ShapeDtypeStruct((B, D), jnp.float32),
        scratch_types=[
            pltpu.VMEM((S * C,), jnp.int32),
            pltpu.VMEM((S * C,), jnp.int32),
            pltpu.VMEM((C, D), jnp.float32),
            pltpu.VMEM((C, D), jnp.float32),
            pltpu.SemaphoreType.DMA,
            pltpu.SemaphoreType.DMA,
            pltpu.SemaphoreType.DMA,
            pltpu.SemaphoreType.DMA,
        ],
    )
    def body(idx_hbm, feat_hbm, out_hbm,
             idx_a, idx_b, acc_a, acc_b, s0a, s0b, sma, smb):
        c = lax.axis_index("c")
        s = lax.axis_index("s")
        n_my = jnp.where(
            c == 0,
            _N0 + jnp.where(s < _K, 1, 0),
            jnp.where(s < _NS - _K, _N1, 0),
        )
        chunk0 = jnp.where(
            c == 0,
            s * _N0 + jnp.minimum(s, _K),
            _NS * _N0 + _K + s * _N1,
        )

        def prep(i_ref, a_ref, s0, gid):
            pltpu.sync_copy(idx_hbm.at[pl.ds(gid * (S * C), S * C)], i_ref)
            pltpu.async_copy(feat_hbm.at[i_ref.at[pl.ds(0, C)]], a_ref, s0)

        def launch_adds(i_ref, a_ref, s0, sm):
            pltpu.make_async_copy(
                feat_hbm.at[i_ref.at[pl.ds(0, C)]], a_ref, s0
            ).wait()
            for j in range(1, S):
                pltpu.async_copy(
                    feat_hbm.at[i_ref.at[pl.ds(j * C, C)]], a_ref, sm,
                    add=True,
                )

        def finish(i_ref, a_ref, sm, gid):
            for j in range(1, S):
                pltpu.make_async_copy(
                    feat_hbm.at[i_ref.at[pl.ds(j * C, C)]], a_ref, sm
                ).wait()

            def scale_row(r, carry2):
                for k in range(D // _LANES):
                    col = pl.ds(k * _LANES, _LANES)
                    a_ref[r, col] = a_ref[r, col] * inv_s
                return carry2

            lax.fori_loop(0, C, scale_row, 0)
            row0 = gid * C

            @pl.when(row0 + C <= B)
            def _full():
                pltpu.sync_copy(a_ref, out_hbm.at[pl.ds(row0, C)])

            if tail:
                @pl.when(row0 == B - tail)
                def _partial():
                    pltpu.sync_copy(
                        a_ref.at[pl.ds(0, tail)],
                        out_hbm.at[pl.ds(B - tail, tail)],
                    )

        @pl.when(n_my > 0)
        def _prologue():
            prep(idx_a, acc_a, s0a, chunk0)

        def pair(i, carry):
            g0 = 2 * i
            launch_adds(idx_a, acc_a, s0a, sma)

            @pl.when(i > 0)
            def _finish_prev():
                finish(idx_b, acc_b, smb, chunk0 + g0 - 1)

            prep(idx_b, acc_b, s0b, chunk0 + g0 + 1)
            launch_adds(idx_b, acc_b, s0b, smb)
            finish(idx_a, acc_a, sma, chunk0 + g0)

            @pl.when(g0 + 2 < n_my)
            def _prep_next():
                prep(idx_a, acc_a, s0a, chunk0 + g0 + 2)

            return carry

        lax.fori_loop(0, n_my // 2, pair, 0)

        @pl.when(n_my % 2 == 1)
        def _epilogue_odd():
            launch_adds(idx_a, acc_a, s0a, sma)

            @pl.when(n_my > 1)
            def _finish_b():
                finish(idx_b, acc_b, smb, chunk0 + n_my - 2)

            finish(idx_a, acc_a, sma, chunk0 + n_my - 1)

        @pl.when((n_my % 2 == 0) & (n_my > 0))
        def _epilogue_even():
            finish(idx_b, acc_b, smb, chunk0 + n_my - 1)

    return body(idx_r, features)


def kernel(nodes, neigh_idx, num_sample, features):
    B, S = neigh_idx.shape
    del nodes, num_sample
    C = 448
    per = _NS * (_N0 + _N1) * C
    BP = ((B + per - 1) // per) * per
    idx = neigh_idx.astype(jnp.int32)
    if BP != B:
        idx = jnp.concatenate([idx, jnp.zeros((BP - B, S), jnp.int32)])
    idx_r = jnp.reshape(
        jnp.transpose(jnp.reshape(idx, (BP // C, C, S)), (0, 2, 1)), (-1,)
    )
    return _gather_mean(idx_r, features, B, C, S)

# --- scband reference (transcript-rebuilt; emitter-appended) ---
"""Pipeline reference for scband-mean-aggregator-61392262529195 (READ-ONLY COPY).

The authoritative reference and input builder live on the scoring server;
editing this copy changes nothing except your own understanding.
"""

import jax, jax.numpy as jnp
import numpy as np

N_NODES = 100000
D_FEAT = 128
B = 50000
NUM_SAMPLE = 10


def setup_inputs(seed: int = 0) -> dict:
    key = jax.random.key(seed)
    k1, k2, k3 = jax.random.split(key, 3)
    nodes = jax.random.randint(k1, (B,), 0, N_NODES, dtype=jnp.int32)
    # Dense tensorized form of the per-node sampled neighbor sets.
    # random.sample draws without replacement, so each row's samples are
    # (with overwhelming probability for N=100k) distinct node ids.
    neigh_idx = jax.random.randint(k2, (B, NUM_SAMPLE), 0, N_NODES, dtype=jnp.int32)
    # The torch module's `features` callable is an embedding lookup; we
    # materialize its table here.
    features = jax.random.normal(k3, (N_NODES, D_FEAT), dtype=jnp.float32)
    return {"nodes": nodes, "neigh_idx": neigh_idx, "num_sample": NUM_SAMPLE, "features": features}


def reference(nodes, neigh_idx, num_sample, features):
    # Original: build a [B, n_unique] row-normalized mask and do mask.mm(embed_matrix)
    # where embed_matrix = features(unique_nodes). Mathematically this is the mean
    # of the (distinct) sampled neighbor embeddings for each target node:
    #   to_feats[i] = (1/|S_i|) * sum_{n in S_i} features[n]
    # We compute the identical quantity directly via gather + mean, which is the
    # same math without the intermediate unique/one-hot materialization.
    # gcn=False, so `nodes` does not enter the aggregation.
    neigh_feats = jnp.take(features, neigh_idx, axis=0)  # [B, num_sample, d]
    to_feats = jnp.mean(neigh_feats, axis=1)             # [B, d]
    return to_feats

if __name__ == "__main__":
    import jax
    _d = setup_inputs()
    print(jax.jit(kernel)(*tuple(_d.values())))

</pallas_src>

<mosaic_0001>
#map = affine_map<(d0, d1) -> (0)>
#map1 = affine_map<(d0, d1) -> (0, 0)>
module attributes {stable_mosaic.version = 14 : i64} {
  func.func @_rewritten_body(%arg0: i32, %arg1: i32, %arg2: memref<501760xi32, #tpu.memory_space<hbm>>, %arg3: memref<100000x128xf32, #tpu.memory_space<hbm>>, %arg4: memref<1xf32, #tpu.memory_space<hbm>>, %arg5: memref<50000x128xf32, #tpu.memory_space<hbm>>, %arg6: memref<4480xi32, #tpu.memory_space<vmem>>, %arg7: memref<4480xi32, #tpu.memory_space<vmem>>, %arg8: memref<448x128xf32, #tpu.memory_space<vmem>>, %arg9: memref<448x128xf32, #tpu.memory_space<vmem>>, %arg10: memref<!tpu.dma_semaphore, #tpu.memory_space<semaphore_mem>>, %arg11: memref<!tpu.dma_semaphore, #tpu.memory_space<semaphore_mem>>, %arg12: memref<!tpu.dma_semaphore, #tpu.memory_space<semaphore_mem>>, %arg13: memref<!tpu.dma_semaphore, #tpu.memory_space<semaphore_mem>>) attributes {dimension_semantics = [#tpu.dimension_semantics<core_parallel>, #tpu.dimension_semantics<subcore_parallel>], iteration_bounds = array<i64: 2, 16>, scalar_prefetch = 0 : i64, scratch_operands = 8 : i64, tpu.core_type = #tpu.core_type<sc_vector_subcore>, window_params = [{transform_indices = #map}, {transform_indices = #map1}, {transform_indices = #map}, {transform_indices = #map1}]} {
    %empty_ref3A = memref.alloca() : memref<16xf32, #tpu.memory_space<vmem>>
    "tpu.region"() ({
      %run_scoped3A = tpu.sem_alloc : memref<!tpu.dma_semaphore, #tpu.memory_space<semaphore_mem>>
      %dma_start3A = arith.constant 0 : i32
      %dma_start3A_96 = tpu.memref_slice %empty_ref3A[%dma_start3A] : memref<16xf32, #tpu.memory_space<vmem>> -> memref<1xf32, #tpu.memory_space<vmem>>
      %dma_start3A_97 = arith.constant 0 : i32
      %dma_start3A_98 = tpu.memref_slice %empty_ref3A[%dma_start3A_97] : memref<16xf32, #tpu.memory_space<vmem>> -> memref<1xf32, #tpu.memory_space<vmem>>
      tpu.enqueue_dma source(%arg4 : memref<1xf32, #tpu.memory_space<hbm>>) target(%dma_start3A_98 : memref<1xf32, #tpu.memory_space<vmem>>) target_semaphore(%run_scoped3A : memref<!tpu.dma_semaphore, #tpu.memory_space<semaphore_mem>>)
      %dma_wait3A = arith.constant 0 : i32
      %dma_wait3A_99 = tpu.memref_slice %empty_ref3A[%dma_wait3A] : memref<16xf32, #tpu.memory_space<vmem>> -> memref<1xf32, #tpu.memory_space<vmem>>
      %dma_wait3A_100 = arith.constant 0 : i32
      %dma_wait3A_101 = tpu.memref_slice %empty_ref3A[%dma_wait3A_100] : memref<16xf32, #tpu.memory_space<vmem>> -> memref<1xf32, #tpu.memory_space<vmem>>
      tpu.wait_dma2 semaphore(%run_scoped3A : memref<!tpu.dma_semaphore, #tpu.memory_space<semaphore_mem>>) src(%arg4 : memref<1xf32, #tpu.memory_space<hbm>>) dst(%dma_wait3A_101 : memref<1xf32, #tpu.memory_space<vmem>>)
      tpu.yield
    }) : () -> ()
    %get3A = arith.constant 0 : index
    %get3A_0 = tpu.vector_load %empty_ref3A[%get3A] {strides = array<i32>} : memref<16xf32, #tpu.memory_space<vmem>>, vector<16xf32>,
    %get3A_1 = vector.shape_cast %get3A_0 : vector<16xf32> to vector<16xf32>
    %slice3A = vector.extract_strided_slice %get3A_1 {offsets = [0], sizes = [1], strides = [1]} : vector<16xf32> to vector<1xf32>
    %squeeze3A = vector.extract %slice3A[0] : f32 from vector<1xf32>
    %eq3A = arith.constant 0 : i32
    %eq3A_2 = arith.cmpi eq, %arg0, %eq3A : i32
    %lt3A = arith.constant 0 : i32
    %lt3A_3 = arith.cmpi slt, %arg1, %lt3A : i32
    %jit3A = arith.constant 1 : i32
    %jit3A_4 = arith.constant 0 : i32
    %select_n3A = arith.select %lt3A_3, %jit3A, %jit3A_4 : i32
    %add3A = arith.constant 6 : i32
    %add3A_5 = arith.addi %add3A, %select_n3A : i32
    %lt3A_6 = arith.constant 16 : i32
    %lt3A_7 = arith.cmpi slt, %arg1, %lt3A_6 : i32
    %jit3A_8 = arith.constant 1 : i32
    %jit3A_9 = arith.constant 0 : i32
    %select_n3A_10 = arith.select %lt3A_7, %jit3A_8, %jit3A_9 : i32
    %select_n3A_11 = arith.select %eq3A_2, %add3A_5, %select_n3A_10 : i32
    %eq3A_12 = arith.constant 0 : i32
    %eq3A_13 = arith.cmpi eq, %arg0, %eq3A_12 : i32
    %mul3A = arith.constant 6 : i32
    %mul3A_14 = arith.muli %arg1, %mul3A : i32
    %min3A = arith.constant 0 : i32
    %min3A_15 = arith.minsi %arg1, %min3A : i32
    %add3A_16 = arith.addi %mul3A_14, %min3A_15 : i32
    %mul3A_17 = arith.constant 1 : i32
    %mul3A_18 = arith.muli %arg1, %mul3A_17 : i32
    %add3A_19 = arith.constant 96 : i32
    %add3A_20 = arith.addi %add3A_19, %mul3A_18 : i32
    %select_n3A_21 = arith.select %eq3A_13, %add3A_16, %add3A_20 : i32
    %gt3A = arith.constant 0 : i32
    %gt3A_22 = arith.cmpi sgt, %select_n3A_11, %gt3A : i32
    %convert_element_type3A = arith.extui %gt3A_22 : i1 to i32
    %cond3A = arith.constant 0 : i32
    %cond3A_23 = arith.cmpi ne, %convert_element_type3A, %cond3A : i32
    scf.if %cond3A_23 {
      %mul3A_96 = arith.constant 4480 : i32
      %mul3A_97 = arith.muli %select_n3A_21, %mul3A_96 : i32
      "tpu.region"() ({
        %run_scoped3A = tpu.sem_alloc : memref<!tpu.dma_semaphore, #tpu.memory_space<semaphore_mem>>
        %dma_start3A_102 = tpu.memref_slice %arg2[%mul3A_97] : memref<501760xi32, #tpu.memory_space<hbm>> -> memref<4480xi32, #tpu.memory_space<hbm>>
        %dma_start3A_103 = tpu.memref_slice %arg2[%mul3A_97] : memref<501760xi32, #tpu.memory_space<hbm>> -> memref<4480xi32, #tpu.memory_space<hbm>>
        tpu.enqueue_dma source(%dma_start3A_103 : memref<4480xi32, #tpu.memory_space<hbm>>) target(%arg6 : memref<4480xi32, #tpu.memory_space<vmem>>) target_semaphore(%run_scoped3A : memref<!tpu.dma_semaphore, #tpu.memory_space<semaphore_mem>>)
        %dma_wait3A = tpu.memref_slice %arg2[%mul3A_97] : memref<501760xi32, #tpu.memory_space<hbm>> -> memref<4480xi32, #tpu.memory_space<hbm>>
        %dma_wait3A_104 = tpu.memref_slice %arg2[%mul3A_97] : memref<501760xi32, #tpu.memory_space<hbm>> -> memref<4480xi32, #tpu.memory_space<hbm>>
        tpu.wait_dma2 semaphore(%run_scoped3A : memref<!tpu.dma_semaphore, #tpu.memory_space<semaphore_mem>>) src(%dma_wait3A_104 : memref<4480xi32, #tpu.memory_space<hbm>>) dst(%arg6 : memref<4480xi32, #tpu.memory_space<vmem>>)
        tpu.yield
      }) : () -> ()
      %dma_start3A = arith.constant 0 : i32
      %dma_start3A_98 = tpu.memref_slice %arg6[%dma_start3A] : memref<4480xi32, #tpu.memory_space<vmem>> -> memref<448xi32, #tpu.memory_space<vmem>>
      %dma_start3A_99 = arith.constant 0 : i32
      %dma_start3A_100 = arith.constant 0 : i32
      %dma_start3A_101 = tpu.memref_slice %arg3[%dma_start3A_99, %dma_start3A_100] : memref<100000x128xf32, #tpu.memory_space<hbm>> -> memref<100000x128xf32, #tpu.memory_space<hbm>>
      tpu.enqueue_indirect_dma source(%dma_start3A_101 : memref<100000x128xf32, #tpu.memory_space<hbm>>) target(%arg8 : memref<448x128xf32, #tpu.memory_space<vmem>>) offsets(%dma_start3A_98 : memref<448xi32, #tpu.memory_space<vmem>>) semaphore(%arg10 : memref<!tpu.dma_semaphore, #tpu.memory_space<semaphore_mem>>)
    } else {
    }
    %jit3A_24 = arith.constant 2 : i32
    %div3A = arith.divsi %select_n3A_11, %jit3A_24 : i32
    %sign3A = arith.constant 0 : i32
    %sign3A_25 = arith.cmpi sgt, %select_n3A_11, %sign3A : i32
    %sign3A_26 = arith.extui %sign3A_25 : i1 to i32
    %sign3A_27 = arith.constant 0 : i32
    %sign3A_28 = arith.cmpi slt, %select_n3A_11, %sign3A_27 : i32
    %sign3A_29 = arith.extui %sign3A_28 : i1 to i32
    %sign3A_30 = arith.subi %sign3A_26, %sign3A_29 : i32
    %sign3A_31 = arith.constant 0 : i32
    %sign3A_32 = arith.cmpi sgt, %jit3A_24, %sign3A_31 : i32
    %sign3A_33 = arith.extui %sign3A_32 : i1 to i32
    %sign3A_34 = arith.constant 0 : i32
    %sign3A_35 = arith.cmpi slt, %jit3A_24, %sign3A_34 : i32
    %sign3A_36 = arith.extui %sign3A_35 : i1 to i32
    %sign3A_37 = arith.subi %sign3A_33, %sign3A_36 : i32
    %ne3A = arith.cmpi ne, %sign3A_30, %sign3A_37 : i32
    %rem3A = arith.remsi %select_n3A_11, %jit3A_24 : i32
    %ne3A_38 = arith.constant 0 : i32
    %ne3A_39 = arith.cmpi ne, %rem3A, %ne3A_38 : i32
    %and3A = arith.andi %ne3A, %ne3A_39 : i1
    %sub3A = arith.constant 1 : i32
    %sub3A_40 = arith.subi %div3A, %sub3A : i32
    %select_n3A_41 = arith.select %and3A, %sub3A_40, %div3A : i32
    %while3A = arith.constant 0 : i32
    %while3A_42 = arith.constant 0 : i32
    %while3A_43 = arith.subi %select_n3A_41, %while3A_42 : i32
    %while3A_44 = arith.addi %while3A_42, %while3A_43 : i32
    %while3A_45 = arith.constant 1 : i32
    %while3A_46 = arith.divsi %while3A_43, %while3A_45 : i32
    %while3A_47 = arith.muli %while3A_46, %while3A_45 : i32
    %while3A_48 = arith.addi %while3A_42, %while3A_47 : i32
    %while3A_49 = arith.constant 1 : i32
    scf.for %while3A_96 = %while3A_42 to %while3A_48 step %while3A_49  : i32 {
      %mul3A_97 = arith.constant 2 : i32
      %mul3A_98 = arith.muli %mul3A_97, %while3A_96 : i32
      %dma_wait3A = arith.constant 0 : i32
      %dma_wait3A_99 = tpu.memref_slice %arg6[%dma_wait3A] : memref<4480xi32, #tpu.memory_space<vmem>> -> memref<448xi32, #tpu.memory_space<vmem>>
      %dma_wait3A_100 = arith.constant 0 : i32
      %dma_wait3A_101 = arith.constant 0 : i32
      %dma_wait3A_102 = tpu.memref_slice %arg3[%dma_wait3A_100, %dma_wait3A_101] : memref<100000x128xf32, #tpu.memory_space<hbm>> -> memref<100000x128xf32, #tpu.memory_space<hbm>>
      tpu.wait_indirect_dma semaphore(%arg10 : memref<!tpu.dma_semaphore, #tpu.memory_space<semaphore_mem>>) src(%dma_wait3A_102 : memref<100000x128xf32, #tpu.memory_space<hbm>>) dst(%arg8 : memref<448x128xf32, #tpu.memory_space<vmem>>)
      %dma_start3A = arith.constant 448 : i32
      %dma_start3A_103 = tpu.memref_slice %arg6[%dma_start3A] : memref<4480xi32, #tpu.memory_space<vmem>> -> memref<448xi32, #tpu.memory_space<vmem>>
      %dma_start3A_104 = arith.constant 0 : i32
      %dma_start3A_105 = arith.constant 0 : i32
      %dma_start3A_106 = tpu.memref_slice %arg3[%dma_start3A_104, %dma_start3A_105] : memref<100000x128xf32, #tpu.memory_space<hbm>> -> memref<100000x128xf32, #tpu.memory_space<hbm>>
      tpu.enqueue_indirect_dma source(%dma_start3A_106 : memref<100000x128xf32, #tpu.memory_space<hbm>>) target(%arg8 : memref<448x128xf32, #tpu.memory_space<vmem>>) offsets(%dma_start3A_103 : memref<448xi32, #tpu.memory_space<vmem>>) semaphore(%arg12 : memref<!tpu.dma_semaphore, #tpu.memory_space<semaphore_mem>>) {add = true}
      %dma_start3A_107 = arith.constant 896 : i32
      %dma_start3A_108 = tpu.memref_slice %arg6[%dma_start3A_107] : memref<4480xi32, #tpu.memory_space<vmem>> -> memref<448xi32, #tpu.memory_space<vmem>>
      %dma_start3A_109 = arith.constant 0 : i32
      %dma_start3A_110 = arith.constant 0 : i32
      %dma_start3A_111 = tpu.memref_slice %arg3[%dma_start3A_109, %dma_start3A_110] : memref<100000x128xf32, #tpu.memory_space<hbm>> -> memref<100000x128xf32, #tpu.memory_space<hbm>>
      tpu.enqueue_indirect_dma source(%dma_start3A_111 : memref<100000x128xf32, #tpu.memory_space<hbm>>) target(%arg8 : memref<448x128xf32, #tpu.memory_space<vmem>>) offsets(%dma_start3A_108 : memref<448xi32, #tpu.memory_space<vmem>>) semaphore(%arg12 : memref<!tpu.dma_semaphore, #tpu.memory_space<semaphore_mem>>) {add = true}
      %dma_start3A_112 = arith.constant 1344 : i32
      %dma_start3A_113 = tpu.memref_slice %arg6[%dma_start3A_112] : memref<4480xi32, #tpu.memory_space<vmem>> -> memref<448xi32, #tpu.memory_space<vmem>>
      %dma_start3A_114 = arith.constant 0 : i32
      %dma_start3A_115 = arith.constant 0 : i32
      %dma_start3A_116 = tpu.memref_slice %arg3[%dma_start3A_114, %dma_start3A_115] : memref<100000x128xf32, #tpu.memory_space<hbm>> -> memref<100000x128xf32, #tpu.memory_space<hbm>>
      tpu.enqueue_indirect_dma source(%dma_start3A_116 : memref<100000x128xf32, #tpu.memory_space<hbm>>) target(%arg8 : memref<448x128xf32, #tpu.memory_space<vmem>>) offsets(%dma_start3A_113 : memref<448xi32, #tpu.memory_space<vmem>>) semaphore(%arg12 : memref<!tpu.dma_semaphore, #tpu.memory_space<semaphore_mem>>) {add = true}
      %dma_start3A_117 = arith.constant 1792 : i32
      %dma_start3A_118 = tpu.memref_slice %arg6[%dma_start3A_117] : memref<4480xi32, #tpu.memory_space<vmem>> -> memref<448xi32, #tpu.memory_space<vmem>>
      %dma_start3A_119 = arith.constant 0 : i32
      %dma_start3A_120 = arith.constant 0 : i32
      %dma_start3A_121 = tpu.memref_slice %arg3[%dma_start3A_119, %dma_start3A_120] : memref<100000x128xf32, #tpu.memory_space<hbm>> -> memref<100000x128xf32, #tpu.memory_space<hbm>>
      tpu.enqueue_indirect_dma source(%dma_start3A_121 : memref<100000x128xf32, #tpu.memory_space<hbm>>) target(%arg8 : memref<448x128xf32, #tpu.memory_space<vmem>>) offsets(%dma_start3A_118 : memref<448xi32, #tpu.memory_space<vmem>>) semaphore(%arg12 : memref<!tpu.dma_semaphore, #tpu.memory_space<semaphore_mem>>) {add = true}
      %dma_start3A_122 = arith.constant 2240 : i32
      %dma_start3A_123 = tpu.memref_slice %arg6[%dma_start3A_122] : memref<4480xi32, #tpu.memory_space<vmem>> -> memref<448xi32, #tpu.memory_space<vmem>>
      %dma_start3A_124 = arith.constant 0 : i32
      %dma_start3A_125 = arith.constant 0 : i32
      %dma_start3A_126 = tpu.memref_slice %arg3[%dma_start3A_124, %dma_start3A_125] : memref<100000x128xf32, #tpu.memory_space<hbm>> -> memref<100000x128xf32, #tpu.memory_space<hbm>>
      tpu.enqueue_indirect_dma source(%dma_start3A_126 : memref<100000x128xf32, #tpu.memory_space<hbm>>) target(%arg8 : memref<448x128xf32, #tpu.memory_space<vmem>>) offsets(%dma_start3A_123 : memref<448xi32, #tpu.memory_space<vmem>>) semaphore(%arg12 : memref<!tpu.dma_semaphore, #tpu.memory_space<semaphore_mem>>) {add = true}
      %dma_start3A_127 = arith.constant 2688 : i32
      %dma_start3A_128 = tpu.memref_slice %arg6[%dma_start3A_127] : memref<4480xi32, #tpu.memory_space<vmem>> -> memref<448xi32, #tpu.memory_space<vmem>>
      %dma_start3A_129 = arith.constant 0 : i32
      %dma_start3A_130 = arith.constant 0 : i32
      %dma_start3A_131 = tpu.memref_slice %arg3[%dma_start3A_129, %dma_start3A_130] : memref<100000x128xf32, #tpu.memory_space<hbm>> -> memref<100000x128xf32, #tpu.memory_space<hbm>>
      tpu.enqueue_indirect_dma source(%dma_start3A_131 : memref<100000x128xf32, #tpu.memory_space<hbm>>) target(%arg8 : memref<448x128xf32, #tpu.memory_space<vmem>>) offsets(%dma_start3A_128 : memref<448xi32, #tpu.memory_space<vmem>>) semaphore(%arg12 : memref<!tpu.dma_semaphore, #tpu.memory_space<semaphore_mem>>) {add = true}
      %dma_start3A_132 = arith.constant 3136 : i32
      %dma_start3A_133 = tpu.memref_slice %arg6[%dma_start3A_132] : memref<4480xi32, #tpu.memory_space<vmem>> -> memref<448xi32, #tpu.memory_space<vmem>>
      %dma_start3A_134 = arith.constant 0 : i32
      %dma_start3A_135 = arith.constant 0 : i32
      %dma_start3A_136 = tpu.memref_slice %arg3[%dma_start3A_134, %dma_start3A_135] : memref<100000x128xf32, #tpu.memory_space<hbm>> -> memref<100000x128xf32, #tpu.memory_space<hbm>>
      tpu.enqueue_indirect_dma source(%dma_start3A_136 : memref<100000x128xf32, #tpu.memory_space<hbm>>) target(%arg8 : memref<448x128xf32, #tpu.memory_space<vmem>>) offsets(%dma_start3A_133 : memref<448xi32, #tpu.memory_space<vmem>>) semaphore(%arg12 : memref<!tpu.dma_semaphore, #tpu.memory_space<semaphore_mem>>) {add = true}
      %dma_start3A_137 = arith.constant 3584 : i32
      %dma_start3A_138 = tpu.memref_slice %arg6[%dma_start3A_137] : memref<4480xi32, #tpu.memory_space<vmem>> -> memref<448xi32, #tpu.memory_space<vmem>>
      %dma_start3A_139 = arith.constant 0 : i32
      %dma_start3A_140 = arith.constant 0 : i32
      %dma_start3A_141 = tpu.memref_slice %arg3[%dma_start3A_139, %dma_start3A_140] : memref<100000x128xf32, #tpu.memory_space<hbm>> -> memref<100000x128xf32, #tpu.memory_space<hbm>>
      tpu.enqueue_indirect_dma source(%dma_start3A_141 : memref<100000x128xf32, #tpu.memory_space<hbm>>) target(%arg8 : memref<448x128xf32, #tpu.memory_space<vmem>>) offsets(%dma_start3A_138 : memref<448xi32, #tpu.memory_space<vmem>>) semaphore(%arg12 : memref<!tpu.dma_semaphore, #tpu.memory_space<semaphore_mem>>) {add = true}
      %dma_start3A_142 = arith.constant 4032 : i32
      %dma_start3A_143 = tpu.memref_slice %arg6[%dma_start3A_142] : memref<4480xi32, #tpu.memory_space<vmem>> -> memref<448xi32, #tpu.memory_space<vmem>>
      %dma_start3A_144 = arith.constant 0 : i32
      %dma_start3A_145 = arith.constant 0 : i32
      %dma_start3A_146 = tpu.memref_slice %arg3[%dma_start3A_144, %dma_start3A_145] : memref<100000x128xf32, #tpu.memory_space<hbm>> -> memref<100000x128xf32, #tpu.memory_space<hbm>>
      tpu.enqueue_indirect_dma source(%dma_start3A_146 : memref<100000x128xf32, #tpu.memory_space<hbm>>) target(%arg8 : memref<448x128xf32, #tpu.memory_space<vmem>>) offsets(%dma_start3A_143 : memref<448xi32, #tpu.memory_space<vmem>>) semaphore(%arg12 : memref<!tpu.dma_semaphore, #tpu.memory_space<semaphore_mem>>) {add = true}
      %gt3A_147 = arith.constant 0 : i32
      %gt3A_148 = arith.cmpi sgt, %while3A_96, %gt3A_147 : i32
      %convert_element_type3A_149 = arith.extui %gt3A_148 : i1 to i32
      %cond3A_150 = arith.constant 0 : i32
      %cond3A_151 = arith.cmpi ne, %convert_element_type3A_149, %cond3A_150 : i32
      scf.if %cond3A_151 {
        %add3A_282 = arith.addi %select_n3A_21, %mul3A_98 : i32
        %sub3A_283 = arith.constant 1 : i32
        %sub3A_284 = arith.subi %add3A_282, %sub3A_283 : i32
        %dma_wait3A_285 = arith.constant 448 : i32
        %dma_wait3A_286 = tpu.memref_slice %arg7[%dma_wait3A_285] : memref<4480xi32, #tpu.memory_space<vmem>> -> memref<448xi32, #tpu.memory_space<vmem>>
        %dma_wait3A_287 = arith.constant 0 : i32
        %dma_wait3A_288 = arith.constant 0 : i32
        %dma_wait3A_289 = tpu.memref_slice %arg3[%dma_wait3A_287, %dma_wait3A_288] : memref<100000x128xf32, #tpu.memory_space<hbm>> -> memref<100000x128xf32, #tpu.memory_space<hbm>>
        tpu.wait_indirect_dma semaphore(%arg13 : memref<!tpu.dma_semaphore, #tpu.memory_space<semaphore_mem>>) src(%dma_wait3A_289 : memref<100000x128xf32, #tpu.memory_space<hbm>>) dst(%arg9 : memref<448x128xf32, #tpu.memory_space<vmem>>)
        %dma_wait3A_290 = arith.constant 896 : i32
        %dma_wait3A_291 = tpu.memref_slice %arg7[%dma_wait3A_290] : memref<4480xi32, #tpu.memory_space<vmem>> -> memref<448xi32, #tpu.memory_space<vmem>>
        %dma_wait3A_292 = arith.constant 0 : i32
        %dma_wait3A_293 = arith.constant 0 : i32
        %dma_wait3A_294 = tpu.memref_slice %arg3[%dma_wait3A_292, %dma_wait3A_293] : memref<100000x128xf32, #tpu.memory_space<hbm>> -> memref<100000x128xf32, #tpu.memory_space<hbm>>
        tpu.wait_indirect_dma semaphore(%arg13 : memref<!tpu.dma_semaphore, #tpu.memory_space<semaphore_mem>>) src(%dma_wait3A_294 : memref<100000x128xf32, #tpu.memory_space<hbm>>) dst(%arg9 : memref<448x128xf32, #tpu.memory_space<vmem>>)
        %dma_wait3A_295 = arith.constant 1344 : i32
        %dma_wait3A_296 = tpu.memref_slice %arg7[%dma_wait3A_295] : memref<4480xi32, #tpu.memory_space<vmem>> -> memref<448xi32, #tpu.memory_space<vmem>>
        %dma_wait3A_297 = arith.constant 0 : i32
        %dma_wait3A_298 = arith.constant 0 : i32
        %dma_wait3A_299 = tpu.memref_slice %arg3[%dma_wait3A_297, %dma_wait3A_298] : memref<100000x128xf32, #tpu.memory_space<hbm>> -> memref<100000x128xf32, #tpu.memory_space<hbm>>
        tpu.wait_indirect_dma semaphore(%arg13 : memref<!tpu.dma_semaphore, #tpu.memory_space<semaphore_mem>>) src(%dma_wait3A_299 : memref<100000x128xf32, #tpu.memory_space<hbm>>) dst(%arg9 : memref<448x128xf32, #tpu.memory_space<vmem>>)
        %dma_wait3A_300 = arith.constant 1792 : i32
        %dma_wait3A_301 = tpu.memref_slice %arg7[%dma_wait3A_300] : memref<4480xi32, #tpu.memory_space<vmem>> -> memref<448xi32, #tpu.memory_space<vmem>>
        %dma_wait3A_302 = arith.constant 0 : i32
        %dma_wait3A_303 = arith.constant 0 : i32
        %dma_wait3A_304 = tpu.memref_slice %arg3[%dma_wait3A_302, %dma_wait3A_303] : memref<100000x128xf32, #tpu.memory_space<hbm>> -> memref<100000x128xf32, #tpu.memory_space<hbm>>
        tpu.wait_indirect_dma semaphore(%arg13 : memref<!tpu.dma_semaphore, #tpu.memory_space<semaphore_mem>>) src(%dma_wait3A_304 : memref<100000x128xf32, #tpu.memory_space<hbm>>) dst(%arg9 : memref<448x128xf32, #tpu.memory_space<vmem>>)
        %dma_wait3A_305 = arith.constant 2240 : i32
        %dma_wait3A_306 = tpu.memref_slice %arg7[%dma_wait3A_305] : memref<4480xi32, #tpu.memory_space<vmem>> -> memref<448xi32, #tpu.memory_space<vmem>>
        %dma_wait3A_307 = arith.constant 0 : i32
        %dma_wait3A_308 = arith.constant 0 : i32
        %dma_wait3A_309 = tpu.memref_slice %arg3[%dma_wait3A_307, %dma_wait3A_308] : memref<100000x128xf32, #tpu.memory_space<hbm>> -> memref<100000x128xf32, #tpu.memory_space<hbm>>
        tpu.wait_indirect_dma semaphore(%arg13 : memref<!tpu.dma_semaphore, #tpu.memory_space<semaphore_mem>>) src(%dma_wait3A_309 : memref<100000x128xf32, #tpu.memory_space<hbm>>) dst(%arg9 : memref<448x128xf32, #tpu.memory_space<vmem>>)
        %dma_wait3A_310 = arith.constant 2688 : i32
        %dma_wait3A_311 = tpu.memref_slice %arg7[%dma_wait3A_310] : memref<4480xi32, #tpu.memory_space<vmem>> -> memref<448xi32, #tpu.memory_space<vmem>>
        %dma_wait3A_312 = arith.constant 0 : i32
        %dma_wait3A_313 = arith.constant 0 : i32
        %dma_wait3A_314 = tpu.memref_slice %arg3[%dma_wait3A_312, %dma_wait3A_313] : memref<100000x128xf32, #tpu.memory_space<hbm>> -> memref<100000x128xf32, #tpu.memory_space<hbm>>
        tpu.wait_indirect_dma semaphore(%arg13 : memref<!tpu.dma_semaphore, #tpu.memory_space<semaphore_mem>>) src(%dma_wait3A_314 : memref<100000x128xf32, #tpu.memory_space<hbm>>) dst(%arg9 : memref<448x128xf32, #tpu.memory_space<vmem>>)
        %dma_wait3A_315 = arith.constant 3136 : i32
        %dma_wait3A_316 = tpu.memref_slice %arg7[%dma_wait3A_315] : memref<4480xi32, #tpu.memory_space<vmem>> -> memref<448xi32, #tpu.memory_space<vmem>>
        %dma_wait3A_317 = arith.constant 0 : i32
        %dma_wait3A_318 = arith.constant 0 : i32
        %dma_wait3A_319 = tpu.memref_slice %arg3[%dma_wait3A_317, %dma_wait3A_318] : memref<100000x128xf32, #tpu.memory_space<hbm>> -> memref<100000x128xf32, #tpu.memory_space<hbm>>
        tpu.wait_indirect_dma semaphore(%arg13 : memref<!tpu.dma_semaphore, #tpu.memory_space<semaphore_mem>>) src(%dma_wait3A_319 : memref<100000x128xf32, #tpu.memory_space<hbm>>) dst(%arg9 : memref<448x128xf32, #tpu.memory_space<vmem>>)
        %dma_wait3A_320 = arith.constant 3584 : i32
        %dma_wait3A_321 = tpu.memref_slice %arg7[%dma_wait3A_320] : memref<4480xi32, #tpu.memory_space<vmem>> -> memref<448xi32, #tpu.memory_space<vmem>>
        %dma_wait3A_322 = arith.constant 0 : i32
        %dma_wait3A_323 = arith.constant 0 : i32
        %dma_wait3A_324 = tpu.memref_slice %arg3[%dma_wait3A_322, %dma_wait3A_323] : memref<100000x128xf32, #tpu.memory_space<hbm>> -> memref<100000x128xf32, #tpu.memory_space<hbm>>
        tpu.wait_indirect_dma semaphore(%arg13 : memref<!tpu.dma_semaphore, #tpu.memory_space<semaphore_mem>>) src(%dma_wait3A_324 : memref<100000x128xf32, #tpu.memory_space<hbm>>) dst(%arg9 : memref<448x128xf32, #tpu.memory_space<vmem>>)
        %dma_wait3A_325 = arith.constant 4032 : i32
        %dma_wait3A_326 = tpu.memref_slice %arg7[%dma_wait3A_325] : memref<4480xi32, #tpu.memory_space<vmem>> -> memref<448xi32, #tpu.memory_space<vmem>>
        %dma_wait3A_327 = arith.constant 0 : i32
        %dma_wait3A_328 = arith.constant 0 : i32
        %dma_wait3A_329 = tpu.memref_slice %arg3[%dma_wait3A_327, %dma_wait3A_328] : memref<100000x128xf32, #tpu.memory_space<hbm>> -> memref<100000x128xf32, #tpu.memory_space<hbm>>
        tpu.wait_indirect_dma semaphore(%arg13 : memref<!tpu.dma_semaphore, #tpu.memory_space<semaphore_mem>>) src(%dma_wait3A_329 : memref<100000x128xf32, #tpu.memory_space<hbm>>) dst(%arg9 : memref<448x128xf32, #tpu.memory_space<vmem>>)
        %scan3A_330 = arith.constant 0 : i32
        %scan3A_331 = arith.constant 0 : i32
        %scan3A_332 = arith.constant 448 : i32
        %scan3A_333 = arith.addi %scan3A_331, %scan3A_332 : i32
        %scan3A_334 = arith.constant 1 : i32
        scf.for %scan3A_350 = %scan3A_331 to %scan3A_333 step %scan3A_334  : i32 {
          %get3A_351 = arith.index_cast %scan3A_350 : i32 to index
          %get3A_352 = arith.constant 0 : index
          %get3A_353 = tpu.vector_load %arg9[%get3A_351, %get3A_352] {strides = array<i32>} : memref<448x128xf32, #tpu.memory_space<vmem>>, vector<1x16xf32>,
          %get3A_354 = vector.shape_cast %get3A_353 : vector<1x16xf32> to vector<16xf32>
          %mul3A_355 = vector.broadcast %squeeze3A : f32 to vector<16xf32>
          %mul3A_356 = arith.mulf %get3A_354, %mul3A_355 : vector<16xf32>
          %swap3A = arith.index_cast %scan3A_350 : i32 to index
          %swap3A_357 = arith.constant 0 : index
          %swap3A_358 = tpu.vector_load %arg9[%swap3A, %swap3A_357] {strides = array<i32>} : memref<448x128xf32, #tpu.memory_space<vmem>>, vector<1x16xf32>,
          %swap3A_359 = vector.shape_cast %swap3A_358 : vector<1x16xf32> to vector<16xf32>
          %swap3A_360 = vector.shape_cast %mul3A_356 : vector<16xf32> to vector<1x16xf32>
          tpu.vector_store %arg9[%swap3A, %swap3A_357], %swap3A_360 {strides = array<i32>} : memref<448x128xf32, #tpu.memory_space<vmem>>, vector<1x16xf32>,
          %get3A_361 = arith.index_cast %scan3A_350 : i32 to index
          %get3A_362 = arith.constant 16 : index
          %get3A_363 = tpu.vector_load %arg9[%get3A_361, %get3A_362] {strides = array<i32>} : memref<448x128xf32, #tpu.memory_space<vmem>>, vector<1x16xf32>,
          %get3A_364 = vector.shape_cast %get3A_363 : vector<1x16xf32> to vector<16xf32>
          %mul3A_365 = vector.broadcast %squeeze3A : f32 to vector<16xf32>
          %mul3A_366 = arith.mulf %get3A_364, %mul3A_365 : vector<16xf32>
          %swap3A_367 = arith.index_cast %scan3A_350 : i32 to index
          %swap3A_368 = arith.constant 16 : index
          %swap3A_369 = tpu.vector_load %arg9[%swap3A_367, %swap3A_368] {strides = array<i32>} : memref<448x128xf32, #tpu.memory_space<vmem>>, vector<1x16xf32>,
          %swap3A_370 = vector.shape_cast %swap3A_369 : vector<1x16xf32> to vector<16xf32>
          %swap3A_371 = vector.shape_cast %mul3A_366 : vector<16xf32> to vector<1x16xf32>
          tpu.vector_store %arg9[%swap3A_367, %swap3A_368], %swap3A_371 {strides = array<i32>} : memref<448x128xf32, #tpu.memory_space<vmem>>, vector<1x16xf32>,
          %get3A_372 = arith.index_cast %scan3A_350 : i32 to index
          %get3A_373 = arith.constant 32 : index
          %get3A_374 = tpu.vector_load %arg9[%get3A_372, %get3A_373] {strides = array<i32>} : memref<448x128xf32, #tpu.memory_space<vmem>>, vector<1x16xf32>,
          %get3A_375 = vector.shape_cast %get3A_374 : vector<1x16xf32> to vector<16xf32>
          %mul3A_376 = vector.broadcast %squeeze3A : f32 to vector<16xf32>
          %mul3A_377 = arith.mulf %get3A_375, %mul3A_376 : vector<16xf32>
          %swap3A_378 = arith.index_cast %scan3A_350 : i32 to index
          %swap3A_379 = arith.constant 32 : index
          %swap3A_380 = tpu.vector_load %arg9[%swap3A_378, %swap3A_379] {strides = array<i32>} : memref<448x128xf32, #tpu.memory_space<vmem>>, vector<1x16xf32>,
          %swap3A_381 = vector.shape_cast %swap3A_380 : vector<1x16xf32> to vector<16xf32>
          %swap3A_382 = vector.shape_cast %mul3A_377 : vector<16xf32> to vector<1x16xf32>
          tpu.vector_store %arg9[%swap3A_378, %swap3A_379], %swap3A_382 {strides = array<i32>} : memref<448x128xf32, #tpu.memory_space<vmem>>, vector<1x16xf32>,
          %get3A_383 = arith.index_cast %scan3A_350 : i32 to index
          %get3A_384 = arith.constant 48 : index
          %get3A_385 = tpu.vector_load %arg9[%get3A_383, %get3A_384] {strides = array<i32>} : memref<448x128xf32, #tpu.memory_space<vmem>>, vector<1x16xf32>,
          %get3A_386 = vector.shape_cast %get3A_385 : vector<1x16xf32> to vector<16xf32>
          %mul3A_387 = vector.broadcast %squeeze3A : f32 to vector<16xf32>
          %mul3A_388 = arith.mulf %get3A_386, %mul3A_387 : vector<16xf32>
          %swap3A_389 = arith.index_cast %scan3A_350 : i32 to index
          %swap3A_390 = arith.constant 48 : index
          %swap3A_391 = tpu.vector_load %arg9[%swap3A_389, %swap3A_390] {strides = array<i32>} : memref<448x128xf32, #tpu.memory_space<vmem>>, vector<1x16xf32>,
          %swap3A_392 = vector.shape_cast %swap3A_391 : vector<1x16xf32> to vector<16xf32>
          %swap3A_393 = vector.shape_cast %mul3A_388 : vector<16xf32> to vector<1x16xf32>
          tpu.vector_store %arg9[%swap3A_389, %swap3A_390], %swap3A_393 {strides = array<i32>} : memref<448x128xf32, #tpu.memory_space<vmem>>, vector<1x16xf32>,
          %get3A_394 = arith.index_cast %scan3A_350 : i32 to index
          %get3A_395 = arith.constant 64 : index
          %get3A_396 = tpu.vector_load %arg9[%get3A_394, %get3A_395] {strides = array<i32>} : memref<448x128xf32, #tpu.memory_space<vmem>>, vector<1x16xf32>,
          %get3A_397 = vector.shape_cast %get3A_396 : vector<1x16xf32> to vector<16xf32>
          %mul3A_398 = vector.broadcast %squeeze3A : f32 to vector<16xf32>
          %mul3A_399 = arith.mulf %get3A_397, %mul3A_398 : vector<16xf32>
          %swap3A_400 = arith.index_cast %scan3A_350 : i32 to index
          %swap3A_401 = arith.constant 64 : index
          %swap3A_402 = tpu.vector_load %arg9[%swap3A_400, %swap3A_401] {strides = array<i32>} : memref<448x128xf32, #tpu.memory_space<vmem>>, vector<1x16xf32>,
          %swap3A_403 = vector.shape_cast %swap3A_402 : vector<1x16xf32> to vector<16xf32>
          %swap3A_404 = vector.shape_cast %mul3A_399 : vector<16xf32> to vector<1x16xf32>
          tpu.vector_store %arg9[%swap3A_400, %swap3A_401], %swap3A_404 {strides = array<i32>} : memref<448x128xf32, #tpu.memory_space<vmem>>, vector<1x16xf32>,
          %get3A_405 = arith.index_cast %scan3A_350 : i32 to index
          %get3A_406 = arith.constant 80 : index
          %get3A_407 = tpu.vector_load %arg9[%get3A_405, %get3A_406] {strides = array<i32>} : memref<448x128xf32, #tpu.memory_space<vmem>>, vector<1x16xf32>,
          %get3A_408 = vector.shape_cast %get3A_407 : vector<1x16xf32> to vector<16xf32>
          %mul3A_409 = vector.broadcast %squeeze3A : f32 to vector<16xf32>
          %mul3A_410 = arith.mulf %get3A_408, %mul3A_409 : vector<16xf32>
          %swap3A_411 = arith.index_cast %scan3A_350 : i32 to index
          %swap3A_412 = arith.constant 80 : index
          %swap3A_413 = tpu.vector_load %arg9[%swap3A_411, %swap3A_412] {strides = array<i32>} : memref<448x128xf32, #tpu.memory_space<vmem>>, vector<1x16xf32>,
          %swap3A_414 = vector.shape_cast %swap3A_413 : vector<1x16xf32> to vector<16xf32>
          %swap3A_415 = vector.shape_cast %mul3A_410 : vector<16xf32> to vector<1x16xf32>
          tpu.vector_store %arg9[%swap3A_411, %swap3A_412], %swap3A_415 {strides = array<i32>} : memref<448x128xf32, #tpu.memory_space<vmem>>, vector<1x16xf32>,
          %get3A_416 = arith.index_cast %scan3A_350 : i32 to index
          %get3A_417 = arith.constant 96 : index
          %get3A_418 = tpu.vector_load %arg9[%get3A_416, %get3A_417] {strides = array<i32>} : memref<448x128xf32, #tpu.memory_space<vmem>>, vector<1x16xf32>,
          %get3A_419 = vector.shape_cast %get3A_418 : vector<1x16xf32> to vector<16xf32>
          %mul3A_420 = vector.broadcast %squeeze3A : f32 to vector<16xf32>
          %mul3A_421 = arith.mulf %get3A_419, %mul3A_420 : vector<16xf32>
          %swap3A_422 = arith.index_cast %scan3A_350 : i32 to index
          %swap3A_423 = arith.constant 96 : index
          %swap3A_424 = tpu.vector_load %arg9[%swap3A_422, %swap3A_423] {strides = array<i32>} : memref<448x128xf32, #tpu.memory_space<vmem>>, vector<1x16xf32>,
          %swap3A_425 = vector.shape_cast %swap3A_424 : vector<1x16xf32> to vector<16xf32>
          %swap3A_426 = vector.shape_cast %mul3A_421 : vector<16xf32> to vector<1x16xf32>
          tpu.vector_store %arg9[%swap3A_422, %swap3A_423], %swap3A_426 {strides = array<i32>} : memref<448x128xf32, #tpu.memory_space<vmem>>, vector<1x16xf32>,
          %get3A_427 = arith.index_cast %scan3A_350 : i32 to index
          %get3A_428 = arith.constant 112 : index
          %get3A_429 = tpu.vector_load %arg9[%get3A_427, %get3A_428] {strides = array<i32>} : memref<448x128xf32, #tpu.memory_space<vmem>>, vector<1x16xf32>,
          %get3A_430 = vector.shape_cast %get3A_429 : vector<1x16xf32> to vector<16xf32>
          %mul3A_431 = vector.broadcast %squeeze3A : f32 to vector<16xf32>
          %mul3A_432 = arith.mulf %get3A_430, %mul3A_431 : vector<16xf32>
          %swap3A_433 = arith.index_cast %scan3A_350 : i32 to index
          %swap3A_434 = arith.constant 112 : index
          %swap3A_435 = tpu.vector_load %arg9[%swap3A_433, %swap3A_434] {strides = array<i32>} : memref<448x128xf32, #tpu.memory_space<vmem>>, vector<1x16xf32>,
          %swap3A_436 = vector.shape_cast %swap3A_435 : vector<1x16xf32> to vector<16xf32>
          %swap3A_437 = vector.shape_cast %mul3A_432 : vector<16xf32> to vector<1x16xf32>
          tpu.vector_store %arg9[%swap3A_433, %swap3A_434], %swap3A_437 {strides = array<i32>} : memref<448x128xf32, #tpu.memory_space<vmem>>, vector<1x16xf32>,
        }
        %scan3A_335 = arith.constant 448 : i32
        %mul3A_336 = arith.constant 448 : i32
        %mul3A_337 = arith.muli %sub3A_284, %mul3A_336 : i32
        %add3A_338 = arith.constant 448 : i32
        %add3A_339 = arith.addi %mul3A_337, %add3A_338 : i32
        %le3A_340 = arith.constant 50000 : i32
        %le3A_341 = arith.cmpi sle, %add3A_339, %le3A_340 : i32
        %convert_element_type3A_342 = arith.extui %le3A_341 : i1 to i32
        %cond3A_343 = arith.constant 0 : i32
        %cond3A_344 = arith.cmpi ne, %convert_element_type3A_342, %cond3A_343 : i32
        scf.if %cond3A_344 {
          "tpu.region"() ({
            %run_scoped3A = tpu.sem_alloc : memref<!tpu.dma_semaphore, #tpu.memory_space<semaphore_mem>>
            %dma_start3A_350 = arith.constant 0 : i32
            %dma_start3A_351 = tpu.memref_slice %arg5[%mul3A_337, %dma_start3A_350] : memref<50000x128xf32, #tpu.memory_space<hbm>> -> memref<448x128xf32, #tpu.memory_space<hbm>>
            %dma_start3A_352 = arith.constant 0 : i32
            %dma_start3A_353 = tpu.memref_slice %arg5[%mul3A_337, %dma_start3A_352] : memref<50000x128xf32, #tpu.memory_space<hbm>> -> memref<448x128xf32, #tpu.memory_space<hbm>>
            tpu.enqueue_dma source(%arg9 : memref<448x128xf32, #tpu.memory_space<vmem>>) target(%dma_start3A_353 : memref<448x128xf32, #tpu.memory_space<hbm>>) target_semaphore(%run_scoped3A : memref<!tpu.dma_semaphore, #tpu.memory_space<semaphore_mem>>)
            %dma_wait3A_354 = arith.constant 0 : i32
            %dma_wait3A_355 = tpu.memref_slice %arg5[%mul3A_337, %dma_wait3A_354] : memref<50000x128xf32, #tpu.memory_space<hbm>> -> memref<448x128xf32, #tpu.memory_space<hbm>>
            %dma_wait3A_356 = arith.constant 0 : i32
            %dma_wait3A_357 = tpu.memref_slice %arg5[%mul3A_337, %dma_wait3A_356] : memref<50000x128xf32, #tpu.memory_space<hbm>> -> memref<448x128xf32, #tpu.memory_space<hbm>>
            tpu.wait_dma2 semaphore(%run_scoped3A : memref<!tpu.dma_semaphore, #tpu.memory_space<semaphore_mem>>) src(%arg9 : memref<448x128xf32, #tpu.memory_space<vmem>>) dst(%dma_wait3A_357 : memref<448x128xf32, #tpu.memory_space<hbm>>)
            tpu.yield
          }) : () -> ()
        } else {
        }
        %eq3A_345 = arith.constant 49728 : i32
        %eq3A_346 = arith.cmpi eq, %mul3A_337, %eq3A_345 : i32
        %convert_element_type3A_347 = arith.extui %eq3A_346 : i1 to i32
        %cond3A_348 = arith.constant 0 : i32
        %cond3A_349 = arith.cmpi ne, %convert_element_type3A_347, %cond3A_348 : i32
        scf.if %cond3A_349 {
          "tpu.region"() ({
            %run_scoped3A = tpu.sem_alloc : memref<!tpu.dma_semaphore, #tpu.memory_space<semaphore_mem>>
            %dma_start3A_350 = arith.constant 0 : i32
            %dma_start3A_351 = arith.constant 0 : i32
            %dma_start3A_352 = tpu.memref_slice %arg9[%dma_start3A_350, %dma_start3A_351] : memref<448x128xf32, #tpu.memory_space<vmem>> -> memref<272x128xf32, #tpu.memory_space<vmem>>
            %dma_start3A_353 = arith.constant 49728 : i32
            %dma_start3A_354 = arith.constant 0 : i32
            %dma_start3A_355 = tpu.memref_slice %arg5[%dma_start3A_353, %dma_start3A_354] : memref<50000x128xf32, #tpu.memory_space<hbm>> -> memref<272x128xf32, #tpu.memory_space<hbm>>
            %dma_start3A_356 = arith.constant 49728 : i32
            %dma_start3A_357 = arith.constant 0 : i32
            %dma_start3A_358 = tpu.memref_slice %arg5[%dma_start3A_356, %dma_start3A_357] : memref<50000x128xf32, #tpu.memory_space<hbm>> -> memref<272x128xf32, #tpu.memory_space<hbm>>
            %dma_start3A_359 = arith.constant 0 : i32
            %dma_start3A_360 = arith.constant 0 : i32
            %dma_start3A_361 = tpu.memref_slice %arg9[%dma_start3A_359, %dma_start3A_360] : memref<448x128xf32, #tpu.memory_space<vmem>> -> memref<272x128xf32, #tpu.memory_space<vmem>>
            tpu.enqueue_dma source(%dma_start3A_361 : memref<272x128xf32, #tpu.memory_space<vmem>>) target(%dma_start3A_358 : memref<272x128xf32, #tpu.memory_space<hbm>>) target_semaphore(%run_scoped3A : memref<!tpu.dma_semaphore, #tpu.memory_space<semaphore_mem>>)
            %dma_wait3A_362 = arith.constant 0 : i32
            %dma_wait3A_363 = arith.constant 0 : i32
            %dma_wait3A_364 = tpu.memref_slice %arg9[%dma_wait3A_362, %dma_wait3A_363] : memref<448x128xf32, #tpu.memory_space<vmem>> -> memref<272x128xf32, #tpu.memory_space<vmem>>
            %dma_wait3A_365 = arith.constant 49728 : i32
            %dma_wait3A_366 = arith.constant 0 : i32
            %dma_wait3A_367 = tpu.memref_slice %arg5[%dma_wait3A_365, %dma_wait3A_366] : memref<50000x128xf32, #tpu.memory_space<hbm>> -> memref<272x128xf32, #tpu.memory_space<hbm>>
            %dma_wait3A_368 = arith.constant 49728 : i32
            %dma_wait3A_369 = arith.constant 0 : i32
            %dma_wait3A_370 = tpu.memref_slice %arg5[%dma_wait3A_368, %dma_wait3A_369] : memref<50000x128xf32, #tpu.memory_space<hbm>> -> memref<272x128xf32, #tpu.memory_space<hbm>>
            %dma_wait3A_371 = arith.constant 0 : i32
            %dma_wait3A_372 = arith.constant 0 : i32
            %dma_wait3A_373 = tpu.memref_slice %arg9[%dma_wait3A_371, %dma_wait3A_372] : memref<448x128xf32, #tpu.memory_space<vmem>> -> memref<272x128xf32, #tpu.memory_space<vmem>>
            tpu.wait_dma2 semaphore(%run_scoped3A : memref<!tpu.dma_semaphore, #tpu.memory_space<semaphore_mem>>) src(%dma_wait3A_373 : memref<272x128xf32, #tpu.memory_space<vmem>>) dst(%dma_wait3A_370 : memref<272x128xf32, #tpu.memory_space<hbm>>)
            tpu.yield
          }) : () -> ()
        } else {
        }
      } else {
      }
      %add3A_152 = arith.addi %select_n3A_21, %mul3A_98 : i32
      %add3A_153 = arith.constant 1 : i32
      %add3A_154 = arith.addi %add3A_152, %add3A_153 : i32
      %mul3A_155 = arith.constant 4480 : i32
      %mul3A_156 = arith.muli %add3A_154, %mul3A_155 : i32
      "tpu.region"() ({
        %run_scoped3A = tpu.sem_alloc : memref<!tpu.dma_semaphore, #tpu.memory_space<semaphore_mem>>
        %dma_start3A_282 = tpu.memref_slice %arg2[%mul3A_156] : memref<501760xi32, #tpu.memory_space<hbm>> -> memref<4480xi32, #tpu.memory_space<hbm>>
        %dma_start3A_283 = tpu.memref_slice %arg2[%mul3A_156] : memref<501760xi32, #tpu.memory_space<hbm>> -> memref<4480xi32, #tpu.memory_space<hbm>>
        tpu.enqueue_dma source(%dma_start3A_283 : memref<4480xi32, #tpu.memory_space<hbm>>) target(%arg7 : memref<4480xi32, #tpu.memory_space<vmem>>) target_semaphore(%run_scoped3A : memref<!tpu.dma_semaphore, #tpu.memory_space<semaphore_mem>>)
        %dma_wait3A_284 = tpu.memref_slice %arg2[%mul3A_156] : memref<501760xi32, #tpu.memory_space<hbm>> -> memref<4480xi32, #tpu.memory_space<hbm>>
        %dma_wait3A_285 = tpu.memref_slice %arg2[%mul3A_156] : memref<501760xi32, #tpu.memory_space<hbm>> -> memref<4480xi32, #tpu.memory_space<hbm>>
        tpu.wait_dma2 semaphore(%run_scoped3A : memref<!tpu.dma_semaphore, #tpu.memory_space<semaphore_mem>>) src(%dma_wait3A_285 : memref<4480xi32, #tpu.memory_space<hbm>>) dst(%arg7 : memref<4480xi32, #tpu.memory_space<vmem>>)
        tpu.yield
      }) : () -> ()
      %dma_start3A_157 = arith.constant 0 : i32
      %dma_start3A_158 = tpu.memref_slice %arg7[%dma_start3A_157] : memref<4480xi32, #tpu.memory_space<vmem>> -> memref<448xi32, #tpu.memory_space<vmem>>
      %dma_start3A_159 = arith.constant 0 : i32
      %dma_start3A_160 = arith.constant 0 : i32
      %dma_start3A_161 = tpu.memref_slice %arg3[%dma_start3A_159, %dma_start3A_160] : memref<100000x128xf32, #tpu.memory_space<hbm>> -> memref<100000x128xf32, #tpu.memory_space<hbm>>
      tpu.enqueue_indirect_dma source(%dma_start3A_161 : memref<100000x128xf32, #tpu.memory_space<hbm>>) target(%arg9 : memref<448x128xf32, #tpu.memory_space<vmem>>) offsets(%dma_start3A_158 : memref<448xi32, #tpu.memory_space<vmem>>) semaphore(%arg11 : memref<!tpu.dma_semaphore, #tpu.memory_space<semaphore_mem>>)
      %dma_wait3A_162 = arith.constant 0 : i32
      %dma_wait3A_163 = tpu.memref_slice %arg7[%dma_wait3A_162] : memref<4480xi32, #tpu.memory_space<vmem>> -> memref<448xi32, #tpu.memory_space<vmem>>
      %dma_wait3A_164 = arith.constant 0 : i32
      %dma_wait3A_165 = arith.constant 0 : i32
      %dma_wait3A_166 = tpu.memref_slice %arg3[%dma_wait3A_164, %dma_wait3A_165] : memref<100000x128xf32, #tpu.memory_space<hbm>> -> memref<100000x128xf32, #tpu.memory_space<hbm>>
      tpu.wait_indirect_dma semaphore(%arg11 : memref<!tpu.dma_semaphore, #tpu.memory_space<semaphore_mem>>) src(%dma_wait3A_166 : memref<100000x128xf32, #tpu.memory_space<hbm>>) dst(%arg9 : memref<448x128xf32, #tpu.memory_space<vmem>>)
      %dma_start3A_167 = arith.constant 448 : i32
      %dma_start3A_168 = tpu.memref_slice %arg7[%dma_start3A_167] : memref<4480xi32, #tpu.memory_space<vmem>> -> memref<448xi32, #tpu.memory_space<vmem>>
      %dma_start3A_169 = arith.constant 0 : i32
      %dma_start3A_170 = arith.constant 0 : i32
      %dma_start3A_171 = tpu.memref_slice %arg3[%dma_start3A_169, %dma_start3A_170] : memref<100000x128xf32, #tpu.memory_space<hbm>> -> memref<100000x128xf32, #tpu.memory_space<hbm>>
      tpu.enqueue_indirect_dma source(%dma_start3A_171 : memref<100000x128xf32, #tpu.memory_space<hbm>>) target(%arg9 : memref<448x128xf32, #tpu.memory_space<vmem>>) offsets(%dma_start3A_168 : memref<448xi32, #tpu.memory_space<vmem>>) semaphore(%arg13 : memref<!tpu.dma_semaphore, #tpu.memory_space<semaphore_mem>>) {add = true}
      %dma_start3A_172 = arith.constant 896 : i32
      %dma_start3A_173 = tpu.memref_slice %arg7[%dma_start3A_172] : memref<4480xi32, #tpu.memory_space<vmem>> -> memref<448xi32, #tpu.memory_space<vmem>>
      %dma_start3A_174 = arith.constant 0 : i32
      %dma_start3A_175 = arith.constant 0 : i32
      %dma_start3A_176 = tpu.memref_slice %arg3[%dma_start3A_174, %dma_start3A_175] : memref<100000x128xf32, #tpu.memory_space<hbm>> -> memref<100000x128xf32, #tpu.memory_space<hbm>>
      tpu.enqueue_indirect_dma source(%dma_start3A_176 : memref<100000x128xf32, #tpu.memory_space<hbm>>) target(%arg9 : memref<448x128xf32, #tpu.memory_space<vmem>>) offsets(%dma_start3A_173 : memref<448xi32, #tpu.memory_space<vmem>>) semaphore(%arg13 : memref<!tpu.dma_semaphore, #tpu.memory_space<semaphore_mem>>) {add = true}
      %dma_start3A_177 = arith.constant 1344 : i32
      %dma_start3A_178 = tpu.memref_slice %arg7[%dma_start3A_177] : memref<4480xi32, #tpu.memory_space<vmem>> -> memref<448xi32, #tpu.memory_space<vmem>>
      %dma_start3A_179 = arith.constant 0 : i32
      %dma_start3A_180 = arith.constant 0 : i32
      %dma_start3A_181 = tpu.memref_slice %arg3[%dma_start3A_179, %dma_start3A_180] : memref<100000x128xf32, #tpu.memory_space<hbm>> -> memref<100000x128xf32, #tpu.memory_space<hbm>>
      tpu.enqueue_indirect_dma source(%dma_start3A_181 : memref<100000x128xf32, #tpu.memory_space<hbm>>) target(%arg9 : memref<448x128xf32, #tpu.memory_space<vmem>>) offsets(%dma_start3A_178 : memref<448xi32, #tpu.memory_space<vmem>>) semaphore(%arg13 : memref<!tpu.dma_semaphore, #tpu.memory_space<semaphore_mem>>) {add = true}
      %dma_start3A_182 = arith.constant 1792 : i32
      %dma_start3A_183 = tpu.memref_slice %arg7[%dma_start3A_182] : memref<4480xi32, #tpu.memory_space<vmem>> -> memref<448xi32, #tpu.memory_space<vmem>>
      %dma_start3A_184 = arith.constant 0 : i32
      %dma_start3A_185 = arith.constant 0 : i32
      %dma_start3A_186 = tpu.memref_slice %arg3[%dma_start3A_184, %dma_start3A_185] : memref<100000x128xf32, #tpu.memory_space<hbm>> -> memref<100000x128xf32, #tpu.memory_space<hbm>>
      tpu.enqueue_indirect_dma source(%dma_start3A_186 : memref<100000x128xf32, #tpu.memory_space<hbm>>) target(%arg9 : memref<448x128xf32, #tpu.memory_space<vmem>>) offsets(%dma_start3A_183 : memref<448xi32, #tpu.memory_space<vmem>>) semaphore(%arg13 : memref<!tpu.dma_semaphore, #tpu.memory_space<semaphore_mem>>) {add = true}
      %dma_start3A_187 = arith.constant 2240 : i32
      %dma_start3A_188 = tpu.memref_slice %arg7[%dma_start3A_187] : memref<4480xi32, #tpu.memory_space<vmem>> -> memref<448xi32, #tpu.memory_space<vmem>>
      %dma_start3A_189 = arith.constant 0 : i32
      %dma_start3A_190 = arith.constant 0 : i32
      %dma_start3A_191 = tpu.memref_slice %arg3[%dma_start3A_189, %dma_start3A_190] : memref<100000x128xf32, #tpu.memory_space<hbm>> -> memref<100000x128xf32, #tpu.memory_space<hbm>>
      tpu.enqueue_indirect_dma source(%dma_start3A_191 : memref<100000x128xf32, #tpu.memory_space<hbm>>) target(%arg9 : memref<448x128xf32, #tpu.memory_space<vmem>>) offsets(%dma_start3A_188 : memref<448xi32, #tpu.memory_space<vmem>>) semaphore(%arg13 : memref<!tpu.dma_semaphore, #tpu.memory_space<semaphore_mem>>) {add = true}
      %dma_start3A_192 = arith.constant 2688 : i32
      %dma_start3A_193 = tpu.memref_slice %arg7[%dma_start3A_192] : memref<4480xi32, #tpu.memory_space<vmem>> -> memref<448xi32, #tpu.memory_space<vmem>>
      %dma_start3A_194 = arith.constant 0 : i32
      %dma_start3A_195 = arith.constant 0 : i32
      %dma_start3A_196 = tpu.memref_slice %arg3[%dma_start3A_194, %dma_start3A_195] : memref<100000x128xf32, #tpu.memory_space<hbm>> -> memref<100000x128xf32, #tpu.memory_space<hbm>>
      tpu.enqueue_indirect_dma source(%dma_start3A_196 : memref<100000x128xf32, #tpu.memory_space<hbm>>) target(%arg9 : memref<448x128xf32, #tpu.memory_space<vmem>>) offsets(%dma_start3A_193 : memref<448xi32, #tpu.memory_space<vmem>>) semaphore(%arg13 : memref<!tpu.dma_semaphore, #tpu.memory_space<semaphore_mem>>) {add = true}
      %dma_start3A_197 = arith.constant 3136 : i32
      %dma_start3A_198 = tpu.memref_slice %arg7[%dma_start3A_197] : memref<4480xi32, #tpu.memory_space<vmem>> -> memref<448xi32, #tpu.memory_space<vmem>>
      %dma_start3A_199 = arith.constant 0 : i32
      %dma_start3A_200 = arith.constant 0 : i32
      %dma_start3A_201 = tpu.memref_slice %arg3[%dma_start3A_199, %dma_start3A_200] : memref<100000x128xf32, #tpu.memory_space<hbm>> -> memref<100000x128xf32, #tpu.memory_space<hbm>>
      tpu.enqueue_indirect_dma source(%dma_start3A_201 : memref<100000x128xf32, #tpu.memory_space<hbm>>) target(%arg9 : memref<448x128xf32, #tpu.memory_space<vmem>>) offsets(%dma_start3A_198 : memref<448xi32, #tpu.memory_space<vmem>>) semaphore(%arg13 : memref<!tpu.dma_semaphore, #tpu.memory_space<semaphore_mem>>) {add = true}
      %dma_start3A_202 = arith.constant 3584 : i32
      %dma_start3A_203 = tpu.memref_slice %arg7[%dma_start3A_202] : memref<4480xi32, #tpu.memory_space<vmem>> -> memref<448xi32, #tpu.memory_space<vmem>>
      %dma_start3A_204 = arith.constant 0 : i32
      %dma_start3A_205 = arith.constant 0 : i32
      %dma_start3A_206 = tpu.memref_slice %arg3[%dma_start3A_204, %dma_start3A_205] : memref<100000x128xf32, #tpu.memory_space<hbm>> -> memref<100000x128xf32, #tpu.memory_space<hbm>>
      tpu.enqueue_indirect_dma source(%dma_start3A_206 : memref<100000x128xf32, #tpu.memory_space<hbm>>) target(%arg9 : memref<448x128xf32, #tpu.memory_space<vmem>>) offsets(%dma_start3A_203 : memref<448xi32, #tpu.memory_space<vmem>>) semaphore(%arg13 : memref<!tpu.dma_semaphore, #tpu.memory_space<semaphore_mem>>) {add = true}
      %dma_start3A_207 = arith.constant 4032 : i32
      %dma_start3A_208 = tpu.memref_slice %arg7[%dma_start3A_207] : memref<4480xi32, #tpu.memory_space<vmem>> -> memref<448xi32, #tpu.memory_space<vmem>>
      %dma_start3A_209 = arith.constant 0 : i32
      %dma_start3A_210 = arith.constant 0 : i32
      %dma_start3A_211 = tpu.memref_slice %arg3[%dma_start3A_209, %dma_start3A_210] : memref<100000x128xf32, #tpu.memory_space<hbm>> -> memref<100000x128xf32, #tpu.memory_space<hbm>>
      tpu.enqueue_indirect_dma source(%dma_start3A_211 : memref<100000x128xf32, #tpu.memory_space<hbm>>) target(%arg9 : memref<448x128xf32, #tpu.memory_space<vmem>>) offsets(%dma_start3A_208 : memref<448xi32, #tpu.memory_space<vmem>>) semaphore(%arg13 : memref<!tpu.dma_semaphore, #tpu.memory_space<semaphore_mem>>) {add = true}
      %add3A_212 = arith.addi %select_n3A_21, %mul3A_98 : i32
      %dma_wait3A_213 = arith.constant 448 : i32
      %dma_wait3A_214 = tpu.memref_slice %arg6[%dma_wait3A_213] : memref<4480xi32, #tpu.memory_space<vmem>> -> memref<448xi32, #tpu.memory_space<vmem>>
      %dma_wait3A_215 = arith.constant 0 : i32
      %dma_wait3A_216 = arith.constant 0 : i32
      %dma_wait3A_217 = tpu.memref_slice %arg3[%dma_wait3A_215, %dma_wait3A_216] : memref<100000x128xf32, #tpu.memory_space<hbm>> -> memref<100000x128xf32, #tpu.memory_space<hbm>>
      tpu.wait_indirect_dma semaphore(%arg12 : memref<!tpu.dma_semaphore, #tpu.memory_space<semaphore_mem>>) src(%dma_wait3A_217 : memref<100000x128xf32, #tpu.memory_space<hbm>>) dst(%arg8 : memref<448x128xf32, #tpu.memory_space<vmem>>)
      %dma_wait3A_218 = arith.constant 896 : i32
      %dma_wait3A_219 = tpu.memref_slice %arg6[%dma_wait3A_218] : memref<4480xi32, #tpu.memory_space<vmem>> -> memref<448xi32, #tpu.memory_space<vmem>>
      %dma_wait3A_220 = arith.constant 0 : i32
      %dma_wait3A_221 = arith.constant 0 : i32
      %dma_wait3A_222 = tpu.memref_slice %arg3[%dma_wait3A_220, %dma_wait3A_221] : memref<100000x128xf32, #tpu.memory_space<hbm>> -> memref<100000x128xf32, #tpu.memory_space<hbm>>
      tpu.wait_indirect_dma semaphore(%arg12 : memref<!tpu.dma_semaphore, #tpu.memory_space<semaphore_mem>>) src(%dma_wait3A_222 : memref<100000x128xf32, #tpu.memory_space<hbm>>) dst(%arg8 : memref<448x128xf32, #tpu.memory_space<vmem>>)
      %dma_wait3A_223 = arith.constant 1344 : i32
      %dma_wait3A_224 = tpu.memref_slice %arg6[%dma_wait3A_223] : memref<4480xi32, #tpu.memory_space<vmem>> -> memref<448xi32, #tpu.memory_space<vmem>>
      %dma_wait3A_225 = arith.constant 0 : i32
      %dma_wait3A_226 = arith.constant 0 : i32
      %dma_wait3A_227 = tpu.memref_slice %arg3[%dma_wait3A_225, %dma_wait3A_226] : memref<100000x128xf32, #tpu.memory_space<hbm>> -> memref<100000x128xf32, #tpu.memory_space<hbm>>
      tpu.wait_indirect_dma semaphore(%arg12 : memref<!tpu.dma_semaphore, #tpu.memory_space<semaphore_mem>>) src(%dma_wait3A_227 : memref<100000x128xf32, #tpu.memory_space<hbm>>) dst(%arg8 : memref<448x128xf32, #tpu.memory_space<vmem>>)
      %dma_wait3A_228 = arith.constant 1792 : i32
      %dma_wait3A_229 = tpu.memref_slice %arg6[%dma_wait3A_228] : memref<4480xi32, #tpu.memory_space<vmem>> -> memref<448xi32, #tpu.memory_space<vmem>>
      %dma_wait3A_230 = arith.constant 0 : i32
      %dma_wait3A_231 = arith.constant 0 : i32
      %dma_wait3A_232 = tpu.memref_slice %arg3[%dma_wait3A_230, %dma_wait3A_231] : memref<100000x128xf32, #tpu.memory_space<hbm>> -> memref<100000x128xf32, #tpu.memory_space<hbm>>
      tpu.wait_indirect_dma semaphore(%arg12 : memref<!tpu.dma_semaphore, #tpu.memory_space<semaphore_mem>>) src(%dma_wait3A_232 : memref<100000x128xf32, #tpu.memory_space<hbm>>) dst(%arg8 : memref<448x128xf32, #tpu.memory_space<vmem>>)
      %dma_wait3A_233 = arith.constant 2240 : i32
      %dma_wait3A_234 = tpu.memref_slice %arg6[%dma_wait3A_233] : memref<4480xi32, #tpu.memory_space<vmem>> -> memref<448xi32, #tpu.memory_space<vmem>>
      %dma_wait3A_235 = arith.constant 0 : i32
      %dma_wait3A_236 = arith.constant 0 : i32
      %dma_wait3A_237 = tpu.memref_slice %arg3[%dma_wait3A_235, %dma_wait3A_236] : memref<100000x128xf32, #tpu.memory_space<hbm>> -> memref<100000x128xf32, #tpu.memory_space<hbm>>
      tpu.wait_indirect_dma semaphore(%arg12 : memref<!tpu.dma_semaphore, #tpu.memory_space<semaphore_mem>>) src(%dma_wait3A_237 : memref<100000x128xf32, #tpu.memory_space<hbm>>) dst(%arg8 : memref<448x128xf32, #tpu.memory_space<vmem>>)
      %dma_wait3A_238 = arith.constant 2688 : i32
      %dma_wait3A_239 = tpu.memref_slice %arg6[%dma_wait3A_238] : memref<4480xi32, #tpu.memory_space<vmem>> -> memref<448xi32, #tpu.memory_space<vmem>>
      %dma_wait3A_240 = arith.constant 0 : i32
      %dma_wait3A_241 = arith.constant 0 : i32
      %dma_wait3A_242 = tpu.memref_slice %arg3[%dma_wait3A_240, %dma_wait3A_241] : memref<100000x128xf32, #tpu.memory_space<hbm>> -> memref<100000x128xf32, #tpu.memory_space<hbm>>
      tpu.wait_indirect_dma semaphore(%arg12 : memref<!tpu.dma_semaphore, #tpu.memory_space<semaphore_mem>>) src(%dma_wait3A_242 : memref<100000x128xf32, #tpu.memory_space<hbm>>) dst(%arg8 : memref<448x128xf32, #tpu.memory_space<vmem>>)
      %dma_wait3A_243 = arith.constant 3136 : i32
      %dma_wait3A_244 = tpu.memref_slice %arg6[%dma_wait3A_243] : memref<4480xi32, #tpu.memory_space<vmem>> -> memref<448xi32, #tpu.memory_space<vmem>>
      %dma_wait3A_245 = arith.constant 0 : i32
      %dma_wait3A_246 = arith.constant 0 : i32
      %dma_wait3A_247 = tpu.memref_slice %arg3[%dma_wait3A_245, %dma_wait3A_246] : memref<100000x128xf32, #tpu.memory_space<hbm>> -> memref<100000x128xf32, #tpu.memory_space<hbm>>
      tpu.wait_indirect_dma semaphore(%arg12 : memref<!tpu.dma_semaphore, #tpu.memory_space<semaphore_mem>>) src(%dma_wait3A_247 : memref<100000x128xf32, #tpu.memory_space<hbm>>) dst(%arg8 : memref<448x128xf32, #tpu.memory_space<vmem>>)
      %dma_wait3A_248 = arith.constant 3584 : i32
      %dma_wait3A_249 = tpu.memref_slice %arg6[%dma_wait3A_248] : memref<4480xi32, #tpu.memory_space<vmem>> -> memref<448xi32, #tpu.memory_space<vmem>>
      %dma_wait3A_250 = arith.constant 0 : i32
      %dma_wait3A_251 = arith.constant 0 : i32
      %dma_wait3A_252 = tpu.memref_slice %arg3[%dma_wait3A_250, %dma_wait3A_251] : memref<100000x128xf32, #tpu.memory_space<hbm>> -> memref<100000x128xf32, #tpu.memory_space<hbm>>
      tpu.wait_indirect_dma semaphore(%arg12 : memref<!tpu.dma_semaphore, #tpu.memory_space<semaphore_mem>>) src(%dma_wait3A_252 : memref<100000x128xf32, #tpu.memory_space<hbm>>) dst(%arg8 : memref<448x128xf32, #tpu.memory_space<vmem>>)
      %dma_wait3A_253 = arith.constant 4032 : i32
      %dma_wait3A_254 = tpu.memref_slice %arg6[%dma_wait3A_253] : memref<4480xi32, #tpu.memory_space<vmem>> -> memref<448xi32, #tpu.memory_space<vmem>>
      %dma_wait3A_255 = arith.constant 0 : i32
      %dma_wait3A_256 = arith.constant 0 : i32
      %dma_wait3A_257 = tpu.memref_slice %arg3[%dma_wait3A_255, %dma_wait3A_256] : memref<100000x128xf32, #tpu.memory_space<hbm>> -> memref<100000x128xf32, #tpu.memory_space<hbm>>
      tpu.wait_indirect_dma semaphore(%arg12 : memref<!tpu.dma_semaphore, #tpu.memory_space<semaphore_mem>>) src(%dma_wait3A_257 : memref<100000x128xf32, #tpu.memory_space<hbm>>) dst(%arg8 : memref<448x128xf32, #tpu.memory_space<vmem>>)
      %scan3A = arith.constant 0 : i32
      %scan3A_258 = arith.constant 0 : i32
      %scan3A_259 = arith.constant 448 : i32
      %scan3A_260 = arith.addi %scan3A_258, %scan3A_259 : i32
      %scan3A_261 = arith.constant 1 : i32
      scf.for %scan3A_282 = %scan3A_258 to %scan3A_260 step %scan3A_261  : i32 {
        %get3A_283 = arith.index_cast %scan3A_282 : i32 to index
        %get3A_284 = arith.constant 0 : index
        %get3A_285 = tpu.vector_load %arg8[%get3A_283, %get3A_284] {strides = array<i32>} : memref<448x128xf32, #tpu.memory_space<vmem>>, vector<1x16xf32>,
        %get3A_286 = vector.shape_cast %get3A_285 : vector<1x16xf32> to vector<16xf32>
        %mul3A_287 = vector.broadcast %squeeze3A : f32 to vector<16xf32>
        %mul3A_288 = arith.mulf %get3A_286, %mul3A_287 : vector<16xf32>
        %swap3A = arith.index_cast %scan3A_282 : i32 to index
        %swap3A_289 = arith.constant 0 : index
        %swap3A_290 = tpu.vector_load %arg8[%swap3A, %swap3A_289] {strides = array<i32>} : memref<448x128xf32, #tpu.memory_space<vmem>>, vector<1x16xf32>,
        %swap3A_291 = vector.shape_cast %swap3A_290 : vector<1x16xf32> to vector<16xf32>
        %swap3A_292 = vector.shape_cast %mul3A_288 : vector<16xf32> to vector<1x16xf32>
        tpu.vector_store %arg8[%swap3A, %swap3A_289], %swap3A_292 {strides = array<i32>} : memref<448x128xf32, #tpu.memory_space<vmem>>, vector<1x16xf32>,
        %get3A_293 = arith.index_cast %scan3A_282 : i32 to index
        %get3A_294 = arith.constant 16 : index
        %get3A_295 = tpu.vector_load %arg8[%get3A_293, %get3A_294] {strides = array<i32>} : memref<448x128xf32, #tpu.memory_space<vmem>>, vector<1x16xf32>,
        %get3A_296 = vector.shape_cast %get3A_295 : vector<1x16xf32> to vector<16xf32>
        %mul3A_297 = vector.broadcast %squeeze3A : f32 to vector<16xf32>
        %mul3A_298 = arith.mulf %get3A_296, %mul3A_297 : vector<16xf32>
        %swap3A_299 = arith.index_cast %scan3A_282 : i32 to index
        %swap3A_300 = arith.constant 16 : index
        %swap3A_301 = tpu.vector_load %arg8[%swap3A_299, %swap3A_300] {strides = array<i32>} : memref<448x128xf32, #tpu.memory_space<vmem>>, vector<1x16xf32>,
        %swap3A_302 = vector.shape_cast %swap3A_301 : vector<1x16xf32> to vector<16xf32>
        %swap3A_303 = vector.shape_cast %mul3A_298 : vector<16xf32> to vector<1x16xf32>
        tpu.vector_store %arg8[%swap3A_299, %swap3A_300], %swap3A_303 {strides = array<i32>} : memref<448x128xf32, #tpu.memory_space<vmem>>, vector<1x16xf32>,
        %get3A_304 = arith.index_cast %scan3A_282 : i32 to index
        %get3A_305 = arith.constant 32 : index
        %get3A_306 = tpu.vector_load %arg8[%get3A_304, %get3A_305] {strides = array<i32>} : memref<448x128xf32, #tpu.memory_space<vmem>>, vector<1x16xf32>,
        %get3A_307 = vector.shape_cast %get3A_306 : vector<1x16xf32> to vector<16xf32>
        %mul3A_308 = vector.broadcast %squeeze3A : f32 to vector<16xf32>
        %mul3A_309 = arith.mulf %get3A_307, %mul3A_308 : vector<16xf32>
        %swap3A_310 = arith.index_cast %scan3A_282 : i32 to index
        %swap3A_311 = arith.constant 32 : index
        %swap3A_312 = tpu.vector_load %arg8[%swap3A_310, %swap3A_311] {strides = array<i32>} : memref<448x128xf32, #tpu.memory_space<vmem>>, vector<1x16xf32>,
        %swap3A_313 = vector.shape_cast %swap3A_312 : vector<1x16xf32> to vector<16xf32>
        %swap3A_314 = vector.shape_cast %mul3A_309 : vector<16xf32> to vector<1x16xf32>
        tpu.vector_store %arg8[%swap3A_310, %swap3A_311], %swap3A_314 {strides = array<i32>} : memref<448x128xf32, #tpu.memory_space<vmem>>, vector<1x16xf32>,
        %get3A_315 = arith.index_cast %scan3A_282 : i32 to index
        %get3A_316 = arith.constant 48 : index
        %get3A_317 = tpu.vector_load %arg8[%get3A_315, %get3A_316] {strides = array<i32>} : memref<448x128xf32, #tpu.memory_space<vmem>>, vector<1x16xf32>,
        %get3A_318 = vector.shape_cast %get3A_317 : vector<1x16xf32> to vector<16xf32>
        %mul3A_319 = vector.broadcast %squeeze3A : f32 to vector<16xf32>
        %mul3A_320 = arith.mulf %get3A_318, %mul3A_319 : vector<16xf32>
        %swap3A_321 = arith.index_cast %scan3A_282 : i32 to index
        %swap3A_322 = arith.constant 48 : index
        %swap3A_323 = tpu.vector_load %arg8[%swap3A_321, %swap3A_322] {strides = array<i32>} : memref<448x128xf32, #tpu.memory_space<vmem>>, vector<1x16xf32>,
        %swap3A_324 = vector.shape_cast %swap3A_323 : vector<1x16xf32> to vector<16xf32>
        %swap3A_325 = vector.shape_cast %mul3A_320 : vector<16xf32> to vector<1x16xf32>
        tpu.vector_store %arg8[%swap3A_321, %swap3A_322], %swap3A_325 {strides = array<i32>} : memref<448x128xf32, #tpu.memory_space<vmem>>, vector<1x16xf32>,
        %get3A_326 = arith.index_cast %scan3A_282 : i32 to index
        %get3A_327 = arith.constant 64 : index
        %get3A_328 = tpu.vector_load %arg8[%get3A_326, %get3A_327] {strides = array<i32>} : memref<448x128xf32, #tpu.memory_space<vmem>>, vector<1x16xf32>,
        %get3A_329 = vector.shape_cast %get3A_328 : vector<1x16xf32> to vector<16xf32>
        %mul3A_330 = vector.broadcast %squeeze3A : f32 to vector<16xf32>
        %mul3A_331 = arith.mulf %get3A_329, %mul3A_330 : vector<16xf32>
        %swap3A_332 = arith.index_cast %scan3A_282 : i32 to index
        %swap3A_333 = arith.constant 64 : index
        %swap3A_334 = tpu.vector_load %arg8[%swap3A_332, %swap3A_333] {strides = array<i32>} : memref<448x128xf32, #tpu.memory_space<vmem>>, vector<1x16xf32>,
        %swap3A_335 = vector.shape_cast %swap3A_334 : vector<1x16xf32> to vector<16xf32>
        %swap3A_336 = vector.shape_cast %mul3A_331 : vector<16xf32> to vector<1x16xf32>
        tpu.vector_store %arg8[%swap3A_332, %swap3A_333], %swap3A_336 {strides = array<i32>} : memref<448x128xf32, #tpu.memory_space<vmem>>, vector<1x16xf32>,
        %get3A_337 = arith.index_cast %scan3A_282 : i32 to index
        %get3A_338 = arith.constant 80 : index
        %get3A_339 = tpu.vector_load %arg8[%get3A_337, %get3A_338] {strides = array<i32>} : memref<448x128xf32, #tpu.memory_space<vmem>>, vector<1x16xf32>,
        %get3A_340 = vector.shape_cast %get3A_339 : vector<1x16xf32> to vector<16xf32>
        %mul3A_341 = vector.broadcast %squeeze3A : f32 to vector<16xf32>
        %mul3A_342 = arith.mulf %get3A_340, %mul3A_341 : vector<16xf32>
        %swap3A_343 = arith.index_cast %scan3A_282 : i32 to index
        %swap3A_344 = arith.constant 80 : index
        %swap3A_345 = tpu.vector_load %arg8[%swap3A_343, %swap3A_344] {strides = array<i32>} : memref<448x128xf32, #tpu.memory_space<vmem>>, vector<1x16xf32>,
        %swap3A_346 = vector.shape_cast %swap3A_345 : vector<1x16xf32> to vector<16xf32>
        %swap3A_347 = vector.shape_cast %mul3A_342 : vector<16xf32> to vector<1x16xf32>
        tpu.vector_store %arg8[%swap3A_343, %swap3A_344], %swap3A_347 {strides = array<i32>} : memref<448x128xf32, #tpu.memory_space<vmem>>, vector<1x16xf32>,
        %get3A_348 = arith.index_cast %scan3A_282 : i32 to index
        %get3A_349 = arith.constant 96 : index
        %get3A_350 = tpu.vector_load %arg8[%get3A_348, %get3A_349] {strides = array<i32>} : memref<448x128xf32, #tpu.memory_space<vmem>>, vector<1x16xf32>,
        %get3A_351 = vector.shape_cast %get3A_350 : vector<1x16xf32> to vector<16xf32>
        %mul3A_352 = vector.broadcast %squeeze3A : f32 to vector<16xf32>
        %mul3A_353 = arith.mulf %get3A_351, %mul3A_352 : vector<16xf32>
        %swap3A_354 = arith.index_cast %scan3A_282 : i32 to index
        %swap3A_355 = arith.constant 96 : index
        %swap3A_356 = tpu.vector_load %arg8[%swap3A_354, %swap3A_355] {strides = array<i32>} : memref<448x128xf32, #tpu.memory_space<vmem>>, vector<1x16xf32>,
        %swap3A_357 = vector.shape_cast %swap3A_356 : vector<1x16xf32> to vector<16xf32>
        %swap3A_358 = vector.shape_cast %mul3A_353 : vector<16xf32> to vector<1x16xf32>
        tpu.vector_store %arg8[%swap3A_354, %swap3A_355], %swap3A_358 {strides = array<i32>} : memref<448x128xf32, #tpu.memory_space<vmem>>, vector<1x16xf32>,
        %get3A_359 = arith.index_cast %scan3A_282 : i32 to index
        %get3A_360 = arith.constant 112 : index
        %get3A_361 = tpu.vector_load %arg8[%get3A_359, %get3A_360] {strides = array<i32>} : memref<448x128xf32, #tpu.memory_space<vmem>>, vector<1x16xf32>,
        %get3A_362 = vector.shape_cast %get3A_361 : vector<1x16xf32> to vector<16xf32>
        %mul3A_363 = vector.broadcast %squeeze3A : f32 to vector<16xf32>
        %mul3A_364 = arith.mulf %get3A_362, %mul3A_363 : vector<16xf32>
        %swap3A_365 = arith.index_cast %scan3A_282 : i32 to index
        %swap3A_366 = arith.constant 112 : index
        %swap3A_367 = tpu.vector_load %arg8[%swap3A_365, %swap3A_366] {strides = array<i32>} : memref<448x128xf32, #tpu.memory_space<vmem>>, vector<1x16xf32>,
        %swap3A_368 = vector.shape_cast %swap3A_367 : vector<1x16xf32> to vector<16xf32>
        %swap3A_369 = vector.shape_cast %mul3A_364 : vector<16xf32> to vector<1x16xf32>
        tpu.vector_store %arg8[%swap3A_365, %swap3A_366], %swap3A_369 {strides = array<i32>} : memref<448x128xf32, #tpu.memory_space<vmem>>, vector<1x16xf32>,
      }
      %scan3A_262 = arith.constant 448 : i32
      %mul3A_263 = arith.constant 448 : i32
      %mul3A_264 = arith.muli %add3A_212, %mul3A_263 : i32
      %add3A_265 = arith.constant 448 : i32
      %add3A_266 = arith.addi %mul3A_264, %add3A_265 : i32
      %le3A = arith.constant 50000 : i32
      %le3A_267 = arith.cmpi sle, %add3A_266, %le3A : i32
      %convert_element_type3A_268 = arith.extui %le3A_267 : i1 to i32
      %cond3A_269 = arith.constant 0 : i32
      %cond3A_270 = arith.cmpi ne, %convert_element_type3A_268, %cond3A_269 : i32
      scf.if %cond3A_270 {
        "tpu.region"() ({
          %run_scoped3A = tpu.sem_alloc : memref<!tpu.dma_semaphore, #tpu.memory_space<semaphore_mem>>
          %dma_start3A_282 = arith.constant 0 : i32
          %dma_start3A_283 = tpu.memref_slice %arg5[%mul3A_264, %dma_start3A_282] : memref<50000x128xf32, #tpu.memory_space<hbm>> -> memref<448x128xf32, #tpu.memory_space<hbm>>
          %dma_start3A_284 = arith.constant 0 : i32
          %dma_start3A_285 = tpu.memref_slice %arg5[%mul3A_264, %dma_start3A_284] : memref<50000x128xf32, #tpu.memory_space<hbm>> -> memref<448x128xf32, #tpu.memory_space<hbm>>
          tpu.enqueue_dma source(%arg8 : memref<448x128xf32, #tpu.memory_space<vmem>>) target(%dma_start3A_285 : memref<448x128xf32, #tpu.memory_space<hbm>>) target_semaphore(%run_scoped3A : memref<!tpu.dma_semaphore, #tpu.memory_space<semaphore_mem>>)
          %dma_wait3A_286 = arith.constant 0 : i32
          %dma_wait3A_287 = tpu.memref_slice %arg5[%mul3A_264, %dma_wait3A_286] : memref<50000x128xf32, #tpu.memory_space<hbm>> -> memref<448x128xf32, #tpu.memory_space<hbm>>
          %dma_wait3A_288 = arith.constant 0 : i32
          %dma_wait3A_289 = tpu.memref_slice %arg5[%mul3A_264, %dma_wait3A_288] : memref<50000x128xf32, #tpu.memory_space<hbm>> -> memref<448x128xf32, #tpu.memory_space<hbm>>
          tpu.wait_dma2 semaphore(%run_scoped3A : memref<!tpu.dma_semaphore, #tpu.memory_space<semaphore_mem>>) src(%arg8 : memref<448x128xf32, #tpu.memory_space<vmem>>) dst(%dma_wait3A_289 : memref<448x128xf32, #tpu.memory_space<hbm>>)
          tpu.yield
        }) : () -> ()
      } else {
      }
      %eq3A_271 = arith.constant 49728 : i32
      %eq3A_272 = arith.cmpi eq, %mul3A_264, %eq3A_271 : i32
      %convert_element_type3A_273 = arith.extui %eq3A_272 : i1 to i32
      %cond3A_274 = arith.constant 0 : i32
      %cond3A_275 = arith.cmpi ne, %convert_element_type3A_273, %cond3A_274 : i32
      scf.if %cond3A_275 {
        "tpu.region"() ({
          %run_scoped3A = tpu.sem_alloc : memref<!tpu.dma_semaphore, #tpu.memory_space<semaphore_mem>>
          %dma_start3A_282 = arith.constant 0 : i32
          %dma_start3A_283 = arith.constant 0 : i32
          %dma_start3A_284 = tpu.memref_slice %arg8[%dma_start3A_282, %dma_start3A_283] : memref<448x128xf32, #tpu.memory_space<vmem>> -> memref<272x128xf32, #tpu.memory_space<vmem>>
          %dma_start3A_285 = arith.constant 49728 : i32
          %dma_start3A_286 = arith.constant 0 : i32
          %dma_start3A_287 = tpu.memref_slice %arg5[%dma_start3A_285, %dma_start3A_286] : memref<50000x128xf32, #tpu.memory_space<hbm>> -> memref<272x128xf32, #tpu.memory_space<hbm>>
          %dma_start3A_288 = arith.constant 49728 : i32
          %dma_start3A_289 = arith.constant 0 : i32
          %dma_start3A_290 = tpu.memref_slice %arg5[%dma_start3A_288, %dma_start3A_289] : memref<50000x128xf32, #tpu.memory_space<hbm>> -> memref<272x128xf32, #tpu.memory_space<hbm>>
          %dma_start3A_291 = arith.constant 0 : i32
          %dma_start3A_292 = arith.constant 0 : i32
          %dma_start3A_293 = tpu.memref_slice %arg8[%dma_start3A_291, %dma_start3A_292] : memref<448x128xf32, #tpu.memory_space<vmem>> -> memref<272x128xf32, #tpu.memory_space<vmem>>
          tpu.enqueue_dma source(%dma_start3A_293 : memref<272x128xf32, #tpu.memory_space<vmem>>) target(%dma_start3A_290 : memref<272x128xf32, #tpu.memory_space<hbm>>) target_semaphore(%run_scoped3A : memref<!tpu.dma_semaphore, #tpu.memory_space<semaphore_mem>>)
          %dma_wait3A_294 = arith.constant 0 : i32
          %dma_wait3A_295 = arith.constant 0 : i32
          %dma_wait3A_296 = tpu.memref_slice %arg8[%dma_wait3A_294, %dma_wait3A_295] : memref<448x128xf32, #tpu.memory_space<vmem>> -> memref<272x128xf32, #tpu.memory_space<vmem>>
          %dma_wait3A_297 = arith.constant 49728 : i32
          %dma_wait3A_298 = arith.constant 0 : i32
          %dma_wait3A_299 = tpu.memref_slice %arg5[%dma_wait3A_297, %dma_wait3A_298] : memref<50000x128xf32, #tpu.memory_space<hbm>> -> memref<272x128xf32, #tpu.memory_space<hbm>>
          %dma_wait3A_300 = arith.constant 49728 : i32
          %dma_wait3A_301 = arith.constant 0 : i32
          %dma_wait3A_302 = tpu.memref_slice %arg5[%dma_wait3A_300, %dma_wait3A_301] : memref<50000x128xf32, #tpu.memory_space<hbm>> -> memref<272x128xf32, #tpu.memory_space<hbm>>
          %dma_wait3A_303 = arith.constant 0 : i32
          %dma_wait3A_304 = arith.constant 0 : i32
          %dma_wait3A_305 = tpu.memref_slice %arg8[%dma_wait3A_303, %dma_wait3A_304] : memref<448x128xf32, #tpu.memory_space<vmem>> -> memref<272x128xf32, #tpu.memory_space<vmem>>
          tpu.wait_dma2 semaphore(%run_scoped3A : memref<!tpu.dma_semaphore, #tpu.memory_space<semaphore_mem>>) src(%dma_wait3A_305 : memref<272x128xf32, #tpu.memory_space<vmem>>) dst(%dma_wait3A_302 : memref<272x128xf32, #tpu.memory_space<hbm>>)
          tpu.yield
        }) : () -> ()
      } else {
      }
      %add3A_276 = arith.constant 2 : i32
      %add3A_277 = arith.addi %mul3A_98, %add3A_276 : i32
      %lt3A_278 = arith.cmpi slt, %add3A_277, %select_n3A_11 : i32
      %convert_element_type3A_279 = arith.extui %lt3A_278 : i1 to i32
      %cond3A_280 = arith.constant 0 : i32
      %cond3A_281 = arith.cmpi ne, %convert_element_type3A_279, %cond3A_280 : i32
      scf.if %cond3A_281 {
        %add3A_282 = arith.addi %select_n3A_21, %mul3A_98 : i32
        %add3A_283 = arith.constant 2 : i32
        %add3A_284 = arith.addi %add3A_282, %add3A_283 : i32
        %mul3A_285 = arith.constant 4480 : i32
        %mul3A_286 = arith.muli %add3A_284, %mul3A_285 : i32
        "tpu.region"() ({
          %run_scoped3A = tpu.sem_alloc : memref<!tpu.dma_semaphore, #tpu.memory_space<semaphore_mem>>
          %dma_start3A_292 = tpu.memref_slice %arg2[%mul3A_286] : memref<501760xi32, #tpu.memory_space<hbm>> -> memref<4480xi32, #tpu.memory_space<hbm>>
          %dma_start3A_293 = tpu.memref_slice %arg2[%mul3A_286] : memref<501760xi32, #tpu.memory_space<hbm>> -> memref<4480xi32, #tpu.memory_space<hbm>>
          tpu.enqueue_dma source(%dma_start3A_293 : memref<4480xi32, #tpu.memory_space<hbm>>) target(%arg6 : memref<4480xi32, #tpu.memory_space<vmem>>) target_semaphore(%run_scoped3A : memref<!tpu.dma_semaphore, #tpu.memory_space<semaphore_mem>>)
          %dma_wait3A_294 = tpu.memref_slice %arg2[%mul3A_286] : memref<501760xi32, #tpu.memory_space<hbm>> -> memref<4480xi32, #tpu.memory_space<hbm>>
          %dma_wait3A_295 = tpu.memref_slice %arg2[%mul3A_286] : memref<501760xi32, #tpu.memory_space<hbm>> -> memref<4480xi32, #tpu.memory_space<hbm>>
          tpu.wait_dma2 semaphore(%run_scoped3A : memref<!tpu.dma_semaphore, #tpu.memory_space<semaphore_mem>>) src(%dma_wait3A_295 : memref<4480xi32, #tpu.memory_space<hbm>>) dst(%arg6 : memref<4480xi32, #tpu.memory_space<vmem>>)
          tpu.yield
        }) : () -> ()
        %dma_start3A_287 = arith.constant 0 : i32
        %dma_start3A_288 = tpu.memref_slice %arg6[%dma_start3A_287] : memref<4480xi32, #tpu.memory_space<vmem>> -> memref<448xi32, #tpu.memory_space<vmem>>
        %dma_start3A_289 = arith.constant 0 : i32
        %dma_start3A_290 = arith.constant 0 : i32
        %dma_start3A_291 = tpu.memref_slice %arg3[%dma_start3A_289, %dma_start3A_290] : memref<100000x128xf32, #tpu.memory_space<hbm>> -> memref<100000x128xf32, #tpu.memory_space<hbm>>
        tpu.enqueue_indirect_dma source(%dma_start3A_291 : memref<100000x128xf32, #tpu.memory_space<hbm>>) target(%arg8 : memref<448x128xf32, #tpu.memory_space<vmem>>) offsets(%dma_start3A_288 : memref<448xi32, #tpu.memory_space<vmem>>) semaphore(%arg10 : memref<!tpu.dma_semaphore, #tpu.memory_space<semaphore_mem>>)
      } else {
      }
    }
    %while3A_50 = arith.constant 1 : i32
    scf.for %while3A_96 = %while3A_48 to %while3A_44 step %while3A_50  : i32 {
      %mul3A_97 = arith.constant 2 : i32
      %mul3A_98 = arith.muli %mul3A_97, %while3A_96 : i32
      %dma_wait3A = arith.constant 0 : i32
      %dma_wait3A_99 = tpu.memref_slice %arg6[%dma_wait3A] : memref<4480xi32, #tpu.memory_space<vmem>> -> memref<448xi32, #tpu.memory_space<vmem>>
      %dma_wait3A_100 = arith.constant 0 : i32
      %dma_wait3A_101 = arith.constant 0 : i32
      %dma_wait3A_102 = tpu.memref_slice %arg3[%dma_wait3A_100, %dma_wait3A_101] : memref<100000x128xf32, #tpu.memory_space<hbm>> -> memref<100000x128xf32, #tpu.memory_space<hbm>>
      tpu.wait_indirect_dma semaphore(%arg10 : memref<!tpu.dma_semaphore, #tpu.memory_space<semaphore_mem>>) src(%dma_wait3A_102 : memref<100000x128xf32, #tpu.memory_space<hbm>>) dst(%arg8 : memref<448x128xf32, #tpu.memory_space<vmem>>)
      %dma_start3A = arith.constant 448 : i32
      %dma_start3A_103 = tpu.memref_slice %arg6[%dma_start3A] : memref<4480xi32, #tpu.memory_space<vmem>> -> memref<448xi32, #tpu.memory_space<vmem>>
      %dma_start3A_104 = arith.constant 0 : i32
      %dma_start3A_105 = arith.constant 0 : i32
      %dma_start3A_106 = tpu.memref_slice %arg3[%dma_start3A_104, %dma_start3A_105] : memref<100000x128xf32, #tpu.memory_space<hbm>> -> memref<100000x128xf32, #tpu.memory_space<hbm>>
      tpu.enqueue_indirect_dma source(%dma_start3A_106 : memref<100000x128xf32, #tpu.memory_space<hbm>>) target(%arg8 : memref<448x128xf32, #tpu.memory_space<vmem>>) offsets(%dma_start3A_103 : memref<448xi32, #tpu.memory_space<vmem>>) semaphore(%arg12 : memref<!tpu.dma_semaphore, #tpu.memory_space<semaphore_mem>>) {add = true}
      %dma_start3A_107 = arith.constant 896 : i32
      %dma_start3A_108 = tpu.memref_slice %arg6[%dma_start3A_107] : memref<4480xi32, #tpu.memory_space<vmem>> -> memref<448xi32, #tpu.memory_space<vmem>>
      %dma_start3A_109 = arith.constant 0 : i32
      %dma_start3A_110 = arith.constant 0 : i32
      %dma_start3A_111 = tpu.memref_slice %arg3[%dma_start3A_109, %dma_start3A_110] : memref<100000x128xf32, #tpu.memory_space<hbm>> -> memref<100000x128xf32, #tpu.memory_space<hbm>>
      tpu.enqueue_indirect_dma source(%dma_start3A_111 : memref<100000x128xf32, #tpu.memory_space<hbm>>) target(%arg8 : memref<448x128xf32, #tpu.memory_space<vmem>>) offsets(%dma_start3A_108 : memref<448xi32, #tpu.memory_space<vmem>>) semaphore(%arg12 : memref<!tpu.dma_semaphore, #tpu.memory_space<semaphore_mem>>) {add = true}
      %dma_start3A_112 = arith.constant 1344 : i32
      %dma_start3A_113 = tpu.memref_slice %arg6[%dma_start3A_112] : memref<4480xi32, #tpu.memory_space<vmem>> -> memref<448xi32, #tpu.memory_space<vmem>>
      %dma_start3A_114 = arith.constant 0 : i32
      %dma_start3A_115 = arith.constant 0 : i32
      %dma_start3A_116 = tpu.memref_slice %arg3[%dma_start3A_114, %dma_start3A_115] : memref<100000x128xf32, #tpu.memory_space<hbm>> -> memref<100000x128xf32, #tpu.memory_space<hbm>>
      tpu.enqueue_indirect_dma source(%dma_start3A_116 : memref<100000x128xf32, #tpu.memory_space<hbm>>) target(%arg8 : memref<448x128xf32, #tpu.memory_space<vmem>>) offsets(%dma_start3A_113 : memref<448xi32, #tpu.memory_space<vmem>>) semaphore(%arg12 : memref<!tpu.dma_semaphore, #tpu.memory_space<semaphore_mem>>) {add = true}
      %dma_start3A_117 = arith.constant 1792 : i32
      %dma_start3A_118 = tpu.memref_slice %arg6[%dma_start3A_117] : memref<4480xi32, #tpu.memory_space<vmem>> -> memref<448xi32, #tpu.memory_space<vmem>>
      %dma_start3A_119 = arith.constant 0 : i32
      %dma_start3A_120 = arith.constant 0 : i32
      %dma_start3A_121 = tpu.memref_slice %arg3[%dma_start3A_119, %dma_start3A_120] : memref<100000x128xf32, #tpu.memory_space<hbm>> -> memref<100000x128xf32, #tpu.memory_space<hbm>>
      tpu.enqueue_indirect_dma source(%dma_start3A_121 : memref<100000x128xf32, #tpu.memory_space<hbm>>) target(%arg8 : memref<448x128xf32, #tpu.memory_space<vmem>>) offsets(%dma_start3A_118 : memref<448xi32, #tpu.memory_space<vmem>>) semaphore(%arg12 : memref<!tpu.dma_semaphore, #tpu.memory_space<semaphore_mem>>) {add = true}
      %dma_start3A_122 = arith.constant 2240 : i32
      %dma_start3A_123 = tpu.memref_slice %arg6[%dma_start3A_122] : memref<4480xi32, #tpu.memory_space<vmem>> -> memref<448xi32, #tpu.memory_space<vmem>>
      %dma_start3A_124 = arith.constant 0 : i32
      %dma_start3A_125 = arith.constant 0 : i32
      %dma_start3A_126 = tpu.memref_slice %arg3[%dma_start3A_124, %dma_start3A_125] : memref<100000x128xf32, #tpu.memory_space<hbm>> -> memref<100000x128xf32, #tpu.memory_space<hbm>>
      tpu.enqueue_indirect_dma source(%dma_start3A_126 : memref<100000x128xf32, #tpu.memory_space<hbm>>) target(%arg8 : memref<448x128xf32, #tpu.memory_space<vmem>>) offsets(%dma_start3A_123 : memref<448xi32, #tpu.memory_space<vmem>>) semaphore(%arg12 : memref<!tpu.dma_semaphore, #tpu.memory_space<semaphore_mem>>) {add = true}
      %dma_start3A_127 = arith.constant 2688 : i32
      %dma_start3A_128 = tpu.memref_slice %arg6[%dma_start3A_127] : memref<4480xi32, #tpu.memory_space<vmem>> -> memref<448xi32, #tpu.memory_space<vmem>>
      %dma_start3A_129 = arith.constant 0 : i32
      %dma_start3A_130 = arith.constant 0 : i32
      %dma_start3A_131 = tpu.memref_slice %arg3[%dma_start3A_129, %dma_start3A_130] : memref<100000x128xf32, #tpu.memory_space<hbm>> -> memref<100000x128xf32, #tpu.memory_space<hbm>>
      tpu.enqueue_indirect_dma source(%dma_start3A_131 : memref<100000x128xf32, #tpu.memory_space<hbm>>) target(%arg8 : memref<448x128xf32, #tpu.memory_space<vmem>>) offsets(%dma_start3A_128 : memref<448xi32, #tpu.memory_space<vmem>>) semaphore(%arg12 : memref<!tpu.dma_semaphore, #tpu.memory_space<semaphore_mem>>) {add = true}
      %dma_start3A_132 = arith.constant 3136 : i32
      %dma_start3A_133 = tpu.memref_slice %arg6[%dma_start3A_132] : memref<4480xi32, #tpu.memory_space<vmem>> -> memref<448xi32, #tpu.memory_space<vmem>>
      %dma_start3A_134 = arith.constant 0 : i32
      %dma_start3A_135 = arith.constant 0 : i32
      %dma_start3A_136 = tpu.memref_slice %arg3[%dma_start3A_134, %dma_start3A_135] : memref<100000x128xf32, #tpu.memory_space<hbm>> -> memref<100000x128xf32, #tpu.memory_space<hbm>>
      tpu.enqueue_indirect_dma source(%dma_start3A_136 : memref<100000x128xf32, #tpu.memory_space<hbm>>) target(%arg8 : memref<448x128xf32, #tpu.memory_space<vmem>>) offsets(%dma_start3A_133 : memref<448xi32, #tpu.memory_space<vmem>>) semaphore(%arg12 : memref<!tpu.dma_semaphore, #tpu.memory_space<semaphore_mem>>) {add = true}
      %dma_start3A_137 = arith.constant 3584 : i32
      %dma_start3A_138 = tpu.memref_slice %arg6[%dma_start3A_137] : memref<4480xi32, #tpu.memory_space<vmem>> -> memref<448xi32, #tpu.memory_space<vmem>>
      %dma_start3A_139 = arith.constant 0 : i32
      %dma_start3A_140 = arith.constant 0 : i32
      %dma_start3A_141 = tpu.memref_slice %arg3[%dma_start3A_139, %dma_start3A_140] : memref<100000x128xf32, #tpu.memory_space<hbm>> -> memref<100000x128xf32, #tpu.memory_space<hbm>>
      tpu.enqueue_indirect_dma source(%dma_start3A_141 : memref<100000x128xf32, #tpu.memory_space<hbm>>) target(%arg8 : memref<448x128xf32, #tpu.memory_space<vmem>>) offsets(%dma_start3A_138 : memref<448xi32, #tpu.memory_space<vmem>>) semaphore(%arg12 : memref<!tpu.dma_semaphore, #tpu.memory_space<semaphore_mem>>) {add = true}
      %dma_start3A_142 = arith.constant 4032 : i32
      %dma_start3A_143 = tpu.memref_slice %arg6[%dma_start3A_142] : memref<4480xi32, #tpu.memory_space<vmem>> -> memref<448xi32, #tpu.memory_space<vmem>>
      %dma_start3A_144 = arith.constant 0 : i32
      %dma_start3A_145 = arith.constant 0 : i32
      %dma_start3A_146 = tpu.memref_slice %arg3[%dma_start3A_144, %dma_start3A_145] : memref<100000x128xf32, #tpu.memory_space<hbm>> -> memref<100000x128xf32, #tpu.memory_space<hbm>>
      tpu.enqueue_indirect_dma source(%dma_start3A_146 : memref<100000x128xf32, #tpu.memory_space<hbm>>) target(%arg8 : memref<448x128xf32, #tpu.memory_space<vmem>>) offsets(%dma_start3A_143 : memref<448xi32, #tpu.memory_space<vmem>>) semaphore(%arg12 : memref<!tpu.dma_semaphore, #tpu.memory_space<semaphore_mem>>) {add = true}
      %gt3A_147 = arith.constant 0 : i32
      %gt3A_148 = arith.cmpi sgt, %while3A_96, %gt3A_147 : i32
      %convert_element_type3A_149 = arith.extui %gt3A_148 : i1 to i32
      %cond3A_150 = arith.constant 0 : i32
      %cond3A_151 = arith.cmpi ne, %convert_element_type3A_149, %cond3A_150 : i32
      scf.if %cond3A_151 {
        %add3A_282 = arith.addi %select_n3A_21, %mul3A_98 : i32
        %sub3A_283 = arith.constant 1 : i32
        %sub3A_284 = arith.subi %add3A_282, %sub3A_283 : i32
        %dma_wait3A_285 = arith.constant 448 : i32
        %dma_wait3A_286 = tpu.memref_slice %arg7[%dma_wait3A_285] : memref<4480xi32, #tpu.memory_space<vmem>> -> memref<448xi32, #tpu.memory_space<vmem>>
        %dma_wait3A_287 = arith.constant 0 : i32
        %dma_wait3A_288 = arith.constant 0 : i32
        %dma_wait3A_289 = tpu.memref_slice %arg3[%dma_wait3A_287, %dma_wait3A_288] : memref<100000x128xf32, #tpu.memory_space<hbm>> -> memref<100000x128xf32, #tpu.memory_space<hbm>>
        tpu.wait_indirect_dma semaphore(%arg13 : memref<!tpu.dma_semaphore, #tpu.memory_space<semaphore_mem>>) src(%dma_wait3A_289 : memref<100000x128xf32, #tpu.memory_space<hbm>>) dst(%arg9 : memref<448x128xf32, #tpu.memory_space<vmem>>)
        %dma_wait3A_290 = arith.constant 896 : i32
        %dma_wait3A_291 = tpu.memref_slice %arg7[%dma_wait3A_290] : memref<4480xi32, #tpu.memory_space<vmem>> -> memref<448xi32, #tpu.memory_space<vmem>>
        %dma_wait3A_292 = arith.constant 0 : i32
        %dma_wait3A_293 = arith.constant 0 : i32
        %dma_wait3A_294 = tpu.memref_slice %arg3[%dma_wait3A_292, %dma_wait3A_293] : memref<100000x128xf32, #tpu.memory_space<hbm>> -> memref<100000x128xf32, #tpu.memory_space<hbm>>
        tpu.wait_indirect_dma semaphore(%arg13 : memref<!tpu.dma_semaphore, #tpu.memory_space<semaphore_mem>>) src(%dma_wait3A_294 : memref<100000x128xf32, #tpu.memory_space<hbm>>) dst(%arg9 : memref<448x128xf32, #tpu.memory_space<vmem>>)
        %dma_wait3A_295 = arith.constant 1344 : i32
        %dma_wait3A_296 = tpu.memref_slice %arg7[%dma_wait3A_295] : memref<4480xi32, #tpu.memory_space<vmem>> -> memref<448xi32, #tpu.memory_space<vmem>>
        %dma_wait3A_297 = arith.constant 0 : i32
        %dma_wait3A_298 = arith.constant 0 : i32
        %dma_wait3A_299 = tpu.memref_slice %arg3[%dma_wait3A_297, %dma_wait3A_298] : memref<100000x128xf32, #tpu.memory_space<hbm>> -> memref<100000x128xf32, #tpu.memory_space<hbm>>
        tpu.wait_indirect_dma semaphore(%arg13 : memref<!tpu.dma_semaphore, #tpu.memory_space<semaphore_mem>>) src(%dma_wait3A_299 : memref<100000x128xf32, #tpu.memory_space<hbm>>) dst(%arg9 : memref<448x128xf32, #tpu.memory_space<vmem>>)
        %dma_wait3A_300 = arith.constant 1792 : i32
        %dma_wait3A_301 = tpu.memref_slice %arg7[%dma_wait3A_300] : memref<4480xi32, #tpu.memory_space<vmem>> -> memref<448xi32, #tpu.memory_space<vmem>>
        %dma_wait3A_302 = arith.constant 0 : i32
        %dma_wait3A_303 = arith.constant 0 : i32
        %dma_wait3A_304 = tpu.memref_slice %arg3[%dma_wait3A_302, %dma_wait3A_303] : memref<100000x128xf32, #tpu.memory_space<hbm>> -> memref<100000x128xf32, #tpu.memory_space<hbm>>
        tpu.wait_indirect_dma semaphore(%arg13 : memref<!tpu.dma_semaphore, #tpu.memory_space<semaphore_mem>>) src(%dma_wait3A_304 : memref<100000x128xf32, #tpu.memory_space<hbm>>) dst(%arg9 : memref<448x128xf32, #tpu.memory_space<vmem>>)
        %dma_wait3A_305 = arith.constant 2240 : i32
        %dma_wait3A_306 = tpu.memref_slice %arg7[%dma_wait3A_305] : memref<4480xi32, #tpu.memory_space<vmem>> -> memref<448xi32, #tpu.memory_space<vmem>>
        %dma_wait3A_307 = arith.constant 0 : i32
        %dma_wait3A_308 = arith.constant 0 : i32
        %dma_wait3A_309 = tpu.memref_slice %arg3[%dma_wait3A_307, %dma_wait3A_308] : memref<100000x128xf32, #tpu.memory_space<hbm>> -> memref<100000x128xf32, #tpu.memory_space<hbm>>
        tpu.wait_indirect_dma semaphore(%arg13 : memref<!tpu.dma_semaphore, #tpu.memory_space<semaphore_mem>>) src(%dma_wait3A_309 : memref<100000x128xf32, #tpu.memory_space<hbm>>) dst(%arg9 : memref<448x128xf32, #tpu.memory_space<vmem>>)
        %dma_wait3A_310 = arith.constant 2688 : i32
        %dma_wait3A_311 = tpu.memref_slice %arg7[%dma_wait3A_310] : memref<4480xi32, #tpu.memory_space<vmem>> -> memref<448xi32, #tpu.memory_space<vmem>>
        %dma_wait3A_312 = arith.constant 0 : i32
        %dma_wait3A_313 = arith.constant 0 : i32
        %dma_wait3A_314 = tpu.memref_slice %arg3[%dma_wait3A_312, %dma_wait3A_313] : memref<100000x128xf32, #tpu.memory_space<hbm>> -> memref<100000x128xf32, #tpu.memory_space<hbm>>
        tpu.wait_indirect_dma semaphore(%arg13 : memref<!tpu.dma_semaphore, #tpu.memory_space<semaphore_mem>>) src(%dma_wait3A_314 : memref<100000x128xf32, #tpu.memory_space<hbm>>) dst(%arg9 : memref<448x128xf32, #tpu.memory_space<vmem>>)
        %dma_wait3A_315 = arith.constant 3136 : i32
        %dma_wait3A_316 = tpu.memref_slice %arg7[%dma_wait3A_315] : memref<4480xi32, #tpu.memory_space<vmem>> -> memref<448xi32, #tpu.memory_space<vmem>>
        %dma_wait3A_317 = arith.constant 0 : i32
        %dma_wait3A_318 = arith.constant 0 : i32
        %dma_wait3A_319 = tpu.memref_slice %arg3[%dma_wait3A_317, %dma_wait3A_318] : memref<100000x128xf32, #tpu.memory_space<hbm>> -> memref<100000x128xf32, #tpu.memory_space<hbm>>
        tpu.wait_indirect_dma semaphore(%arg13 : memref<!tpu.dma_semaphore, #tpu.memory_space<semaphore_mem>>) src(%dma_wait3A_319 : memref<100000x128xf32, #tpu.memory_space<hbm>>) dst(%arg9 : memref<448x128xf32, #tpu.memory_space<vmem>>)
        %dma_wait3A_320 = arith.constant 3584 : i32
        %dma_wait3A_321 = tpu.memref_slice %arg7[%dma_wait3A_320] : memref<4480xi32, #tpu.memory_space<vmem>> -> memref<448xi32, #tpu.memory_space<vmem>>
        %dma_wait3A_322 = arith.constant 0 : i32
        %dma_wait3A_323 = arith.constant 0 : i32
        %dma_wait3A_324 = tpu.memref_slice %arg3[%dma_wait3A_322, %dma_wait3A_323] : memref<100000x128xf32, #tpu.memory_space<hbm>> -> memref<100000x128xf32, #tpu.memory_space<hbm>>
        tpu.wait_indirect_dma semaphore(%arg13 : memref<!tpu.dma_semaphore, #tpu.memory_space<semaphore_mem>>) src(%dma_wait3A_324 : memref<100000x128xf32, #tpu.memory_space<hbm>>) dst(%arg9 : memref<448x128xf32, #tpu.memory_space<vmem>>)
        %dma_wait3A_325 = arith.constant 4032 : i32
        %dma_wait3A_326 = tpu.memref_slice %arg7[%dma_wait3A_325] : memref<4480xi32, #tpu.memory_space<vmem>> -> memref<448xi32, #tpu.memory_space<vmem>>
        %dma_wait3A_327 = arith.constant 0 : i32
        %dma_wait3A_328 = arith.constant 0 : i32
        %dma_wait3A_329 = tpu.memref_slice %arg3[%dma_wait3A_327, %dma_wait3A_328] : memref<100000x128xf32, #tpu.memory_space<hbm>> -> memref<100000x128xf32, #tpu.memory_space<hbm>>
        tpu.wait_indirect_dma semaphore(%arg13 : memref<!tpu.dma_semaphore, #tpu.memory_space<semaphore_mem>>) src(%dma_wait3A_329 : memref<100000x128xf32, #tpu.memory_space<hbm>>) dst(%arg9 : memref<448x128xf32, #tpu.memory_space<vmem>>)
        %scan3A_330 = arith.constant 0 : i32
        %scan3A_331 = arith.constant 0 : i32
        %scan3A_332 = arith.constant 448 : i32
        %scan3A_333 = arith.addi %scan3A_331, %scan3A_332 : i32
        %scan3A_334 = arith.constant 1 : i32
        scf.for %scan3A_350 = %scan3A_331 to %scan3A_333 step %scan3A_334  : i32 {
          %get3A_351 = arith.index_cast %scan3A_350 : i32 to index
          %get3A_352 = arith.constant 0 : index
          %get3A_353 = tpu.vector_load %arg9[%get3A_351, %get3A_352] {strides = array<i32>} : memref<448x128xf32, #tpu.memory_space<vmem>>, vector<1x16xf32>,
          %get3A_354 = vector.shape_cast %get3A_353 : vector<1x16xf32> to vector<16xf32>
          %mul3A_355 = vector.broadcast %squeeze3A : f32 to vector<16xf32>
          %mul3A_356 = arith.mulf %get3A_354, %mul3A_355 : vector<16xf32>
          %swap3A = arith.index_cast %scan3A_350 : i32 to index
          %swap3A_357 = arith.constant 0 : index
          %swap3A_358 = tpu.vector_load %arg9[%swap3A, %swap3A_357] {strides = array<i32>} : memref<448x128xf32, #tpu.memory_space<vmem>>, vector<1x16xf32>,
          %swap3A_359 = vector.shape_cast %swap3A_358 : vector<1x16xf32> to vector<16xf32>
          %swap3A_360 = vector.shape_cast %mul3A_356 : vector<16xf32> to vector<1x16xf32>
          tpu.vector_store %arg9[%swap3A, %swap3A_357], %swap3A_360 {strides = array<i32>} : memref<448x128xf32, #tpu.memory_space<vmem>>, vector<1x16xf32>,
          %get3A_361 = arith.index_cast %scan3A_350 : i32 to index
          %get3A_362 = arith.constant 16 : index
          %get3A_363 = tpu.vector_load %arg9[%get3A_361, %get3A_362] {strides = array<i32>} : memref<448x128xf32, #tpu.memory_space<vmem>>, vector<1x16xf32>,
          %get3A_364 = vector.shape_cast %get3A_363 : vector<1x16xf32> to vector<16xf32>
          %mul3A_365 = vector.broadcast %squeeze3A : f32 to vector<16xf32>
          %mul3A_366 = arith.mulf %get3A_364, %mul3A_365 : vector<16xf32>
          %swap3A_367 = arith.index_cast %scan3A_350 : i32 to index
          %swap3A_368 = arith.constant 16 : index
          %swap3A_369 = tpu.vector_load %arg9[%swap3A_367, %swap3A_368] {strides = array<i32>} : memref<448x128xf32, #tpu.memory_space<vmem>>, vector<1x16xf32>,
          %swap3A_370 = vector.shape_cast %swap3A_369 : vector<1x16xf32> to vector<16xf32>
          %swap3A_371 = vector.shape_cast %mul3A_366 : vector<16xf32> to vector<1x16xf32>
          tpu.vector_store %arg9[%swap3A_367, %swap3A_368], %swap3A_371 {strides = array<i32>} : memref<448x128xf32, #tpu.memory_space<vmem>>, vector<1x16xf32>,
          %get3A_372 = arith.index_cast %scan3A_350 : i32 to index
          %get3A_373 = arith.constant 32 : index
          %get3A_374 = tpu.vector_load %arg9[%get3A_372, %get3A_373] {strides = array<i32>} : memref<448x128xf32, #tpu.memory_space<vmem>>, vector<1x16xf32>,
          %get3A_375 = vector.shape_cast %get3A_374 : vector<1x16xf32> to vector<16xf32>
          %mul3A_376 = vector.broadcast %squeeze3A : f32 to vector<16xf32>
          %mul3A_377 = arith.mulf %get3A_375, %mul3A_376 : vector<16xf32>
          %swap3A_378 = arith.index_cast %scan3A_350 : i32 to index
          %swap3A_379 = arith.constant 32 : index
          %swap3A_380 = tpu.vector_load %arg9[%swap3A_378, %swap3A_379] {strides = array<i32>} : memref<448x128xf32, #tpu.memory_space<vmem>>, vector<1x16xf32>,
          %swap3A_381 = vector.shape_cast %swap3A_380 : vector<1x16xf32> to vector<16xf32>
          %swap3A_382 = vector.shape_cast %mul3A_377 : vector<16xf32> to vector<1x16xf32>
          tpu.vector_store %arg9[%swap3A_378, %swap3A_379], %swap3A_382 {strides = array<i32>} : memref<448x128xf32, #tpu.memory_space<vmem>>, vector<1x16xf32>,
          %get3A_383 = arith.index_cast %scan3A_350 : i32 to index
          %get3A_384 = arith.constant 48 : index
          %get3A_385 = tpu.vector_load %arg9[%get3A_383, %get3A_384] {strides = array<i32>} : memref<448x128xf32, #tpu.memory_space<vmem>>, vector<1x16xf32>,
          %get3A_386 = vector.shape_cast %get3A_385 : vector<1x16xf32> to vector<16xf32>
          %mul3A_387 = vector.broadcast %squeeze3A : f32 to vector<16xf32>
          %mul3A_388 = arith.mulf %get3A_386, %mul3A_387 : vector<16xf32>
          %swap3A_389 = arith.index_cast %scan3A_350 : i32 to index
          %swap3A_390 = arith.constant 48 : index
          %swap3A_391 = tpu.vector_load %arg9[%swap3A_389, %swap3A_390] {strides = array<i32>} : memref<448x128xf32, #tpu.memory_space<vmem>>, vector<1x16xf32>,
          %swap3A_392 = vector.shape_cast %swap3A_391 : vector<1x16xf32> to vector<16xf32>
          %swap3A_393 = vector.shape_cast %mul3A_388 : vector<16xf32> to vector<1x16xf32>
          tpu.vector_store %arg9[%swap3A_389, %swap3A_390], %swap3A_393 {strides = array<i32>} : memref<448x128xf32, #tpu.memory_space<vmem>>, vector<1x16xf32>,
          %get3A_394 = arith.index_cast %scan3A_350 : i32 to index
          %get3A_395 = arith.constant 64 : index
          %get3A_396 = tpu.vector_load %arg9[%get3A_394, %get3A_395] {strides = array<i32>} : memref<448x128xf32, #tpu.memory_space<vmem>>, vector<1x16xf32>,
          %get3A_397 = vector.shape_cast %get3A_396 : vector<1x16xf32> to vector<16xf32>
          %mul3A_398 = vector.broadcast %squeeze3A : f32 to vector<16xf32>
          %mul3A_399 = arith.mulf %get3A_397, %mul3A_398 : vector<16xf32>
          %swap3A_400 = arith.index_cast %scan3A_350 : i32 to index
          %swap3A_401 = arith.constant 64 : index
          %swap3A_402 = tpu.vector_load %arg9[%swap3A_400, %swap3A_401] {strides = array<i32>} : memref<448x128xf32, #tpu.memory_space<vmem>>, vector<1x16xf32>,
          %swap3A_403 = vector.shape_cast %swap3A_402 : vector<1x16xf32> to vector<16xf32>
          %swap3A_404 = vector.shape_cast %mul3A_399 : vector<16xf32> to vector<1x16xf32>
          tpu.vector_store %arg9[%swap3A_400, %swap3A_401], %swap3A_404 {strides = array<i32>} : memref<448x128xf32, #tpu.memory_space<vmem>>, vector<1x16xf32>,
          %get3A_405 = arith.index_cast %scan3A_350 : i32 to index
          %get3A_406 = arith.constant 80 : index
          %get3A_407 = tpu.vector_load %arg9[%get3A_405, %get3A_406] {strides = array<i32>} : memref<448x128xf32, #tpu.memory_space<vmem>>, vector<1x16xf32>,
          %get3A_408 = vector.shape_cast %get3A_407 : vector<1x16xf32> to vector<16xf32>
          %mul3A_409 = vector.broadcast %squeeze3A : f32 to vector<16xf32>
          %mul3A_410 = arith.mulf %get3A_408, %mul3A_409 : vector<16xf32>
          %swap3A_411 = arith.index_cast %scan3A_350 : i32 to index
          %swap3A_412 = arith.constant 80 : index
          %swap3A_413 = tpu.vector_load %arg9[%swap3A_411, %swap3A_412] {strides = array<i32>} : memref<448x128xf32, #tpu.memory_space<vmem>>, vector<1x16xf32>,
          %swap3A_414 = vector.shape_cast %swap3A_413 : vector<1x16xf32> to vector<16xf32>
          %swap3A_415 = vector.shape_cast %mul3A_410 : vector<16xf32> to vector<1x16xf32>
          tpu.vector_store %arg9[%swap3A_411, %swap3A_412], %swap3A_415 {strides = array<i32>} : memref<448x128xf32, #tpu.memory_space<vmem>>, vector<1x16xf32>,
          %get3A_416 = arith.index_cast %scan3A_350 : i32 to index
          %get3A_417 = arith.constant 96 : index
          %get3A_418 = tpu.vector_load %arg9[%get3A_416, %get3A_417] {strides = array<i32>} : memref<448x128xf32, #tpu.memory_space<vmem>>, vector<1x16xf32>,
          %get3A_419 = vector.shape_cast %get3A_418 : vector<1x16xf32> to vector<16xf32>
          %mul3A_420 = vector.broadcast %squeeze3A : f32 to vector<16xf32>
          %mul3A_421 = arith.mulf %get3A_419, %mul3A_420 : vector<16xf32>
          %swap3A_422 = arith.index_cast %scan3A_350 : i32 to index
          %swap3A_423 = arith.constant 96 : index
          %swap3A_424 = tpu.vector_load %arg9[%swap3A_422, %swap3A_423] {strides = array<i32>} : memref<448x128xf32, #tpu.memory_space<vmem>>, vector<1x16xf32>,
          %swap3A_425 = vector.shape_cast %swap3A_424 : vector<1x16xf32> to vector<16xf32>
          %swap3A_426 = vector.shape_cast %mul3A_421 : vector<16xf32> to vector<1x16xf32>
          tpu.vector_store %arg9[%swap3A_422, %swap3A_423], %swap3A_426 {strides = array<i32>} : memref<448x128xf32, #tpu.memory_space<vmem>>, vector<1x16xf32>,
          %get3A_427 = arith.index_cast %scan3A_350 : i32 to index
          %get3A_428 = arith.constant 112 : index
          %get3A_429 = tpu.vector_load %arg9[%get3A_427, %get3A_428] {strides = array<i32>} : memref<448x128xf32, #tpu.memory_space<vmem>>, vector<1x16xf32>,
          %get3A_430 = vector.shape_cast %get3A_429 : vector<1x16xf32> to vector<16xf32>
          %mul3A_431 = vector.broadcast %squeeze3A : f32 to vector<16xf32>
          %mul3A_432 = arith.mulf %get3A_430, %mul3A_431 : vector<16xf32>
          %swap3A_433 = arith.index_cast %scan3A_350 : i32 to index
          %swap3A_434 = arith.constant 112 : index
          %swap3A_435 = tpu.vector_load %arg9[%swap3A_433, %swap3A_434] {strides = array<i32>} : memref<448x128xf32, #tpu.memory_space<vmem>>, vector<1x16xf32>,
          %swap3A_436 = vector.shape_cast %swap3A_435 : vector<1x16xf32> to vector<16xf32>
          %swap3A_437 = vector.shape_cast %mul3A_432 : vector<16xf32> to vector<1x16xf32>
          tpu.vector_store %arg9[%swap3A_433, %swap3A_434], %swap3A_437 {strides = array<i32>} : memref<448x128xf32, #tpu.memory_space<vmem>>, vector<1x16xf32>,
        }
        %scan3A_335 = arith.constant 448 : i32
        %mul3A_336 = arith.constant 448 : i32
        %mul3A_337 = arith.muli %sub3A_284, %mul3A_336 : i32
        %add3A_338 = arith.constant 448 : i32
        %add3A_339 = arith.addi %mul3A_337, %add3A_338 : i32
        %le3A_340 = arith.constant 50000 : i32
        %le3A_341 = arith.cmpi sle, %add3A_339, %le3A_340 : i32
        %convert_element_type3A_342 = arith.extui %le3A_341 : i1 to i32
        %cond3A_343 = arith.constant 0 : i32
        %cond3A_344 = arith.cmpi ne, %convert_element_type3A_342, %cond3A_343 : i32
        scf.if %cond3A_344 {
          "tpu.region"() ({
            %run_scoped3A = tpu.sem_alloc : memref<!tpu.dma_semaphore, #tpu.memory_space<semaphore_mem>>
            %dma_start3A_350 = arith.constant 0 : i32
            %dma_start3A_351 = tpu.memref_slice %arg5[%mul3A_337, %dma_start3A_350] : memref<50000x128xf32, #tpu.memory_space<hbm>> -> memref<448x128xf32, #tpu.memory_space<hbm>>
            %dma_start3A_352 = arith.constant 0 : i32
            %dma_start3A_353 = tpu.memref_slice %arg5[%mul3A_337, %dma_start3A_352] : memref<50000x128xf32, #tpu.memory_space<hbm>> -> memref<448x128xf32, #tpu.memory_space<hbm>>
            tpu.enqueue_dma source(%arg9 : memref<448x128xf32, #tpu.memory_space<vmem>>) target(%dma_start3A_353 : memref<448x128xf32, #tpu.memory_space<hbm>>) target_semaphore(%run_scoped3A : memref<!tpu.dma_semaphore, #tpu.memory_space<semaphore_mem>>)
            %dma_wait3A_354 = arith.constant 0 : i32
            %dma_wait3A_355 = tpu.memref_slice %arg5[%mul3A_337, %dma_wait3A_354] : memref<50000x128xf32, #tpu.memory_space<hbm>> -> memref<448x128xf32, #tpu.memory_space<hbm>>
            %dma_wait3A_356 = arith.constant 0 : i32
            %dma_wait3A_357 = tpu.memref_slice %arg5[%mul3A_337, %dma_wait3A_356] : memref<50000x128xf32, #tpu.memory_space<hbm>> -> memref<448x128xf32, #tpu.memory_space<hbm>>
            tpu.wait_dma2 semaphore(%run_scoped3A : memref<!tpu.dma_semaphore, #tpu.memory_space<semaphore_mem>>) src(%arg9 : memref<448x128xf32, #tpu.memory_space<vmem>>) dst(%dma_wait3A_357 : memref<448x128xf32, #tpu.memory_space<hbm>>)
            tpu.yield
          }) : () -> ()
        } else {
        }
        %eq3A_345 = arith.constant 49728 : i32
        %eq3A_346 = arith.cmpi eq, %mul3A_337, %eq3A_345 : i32
        %convert_element_type3A_347 = arith.extui %eq3A_346 : i1 to i32
        %cond3A_348 = arith.constant 0 : i32
        %cond3A_349 = arith.cmpi ne, %convert_element_type3A_347, %cond3A_348 : i32
        scf.if %cond3A_349 {
          "tpu.region"() ({
            %run_scoped3A = tpu.sem_alloc : memref<!tpu.dma_semaphore, #tpu.memory_space<semaphore_mem>>
            %dma_start3A_350 = arith.constant 0 : i32
            %dma_start3A_351 = arith.constant 0 : i32
            %dma_start3A_352 = tpu.memref_slice %arg9[%dma_start3A_350, %dma_start3A_351] : memref<448x128xf32, #tpu.memory_space<vmem>> -> memref<272x128xf32, #tpu.memory_space<vmem>>
            %dma_start3A_353 = arith.constant 49728 : i32
            %dma_start3A_354 = arith.constant 0 : i32
            %dma_start3A_355 = tpu.memref_slice %arg5[%dma_start3A_353, %dma_start3A_354] : memref<50000x128xf32, #tpu.memory_space<hbm>> -> memref<272x128xf32, #tpu.memory_space<hbm>>
            %dma_start3A_356 = arith.constant 49728 : i32
            %dma_start3A_357 = arith.constant 0 : i32
            %dma_start3A_358 = tpu.memref_slice %arg5[%dma_start3A_356, %dma_start3A_357] : memref<50000x128xf32, #tpu.memory_space<hbm>> -> memref<272x128xf32, #tpu.memory_space<hbm>>
            %dma_start3A_359 = arith.constant 0 : i32
            %dma_start3A_360 = arith.constant 0 : i32
            %dma_start3A_361 = tpu.memref_slice %arg9[%dma_start3A_359, %dma_start3A_360] : memref<448x128xf32, #tpu.memory_space<vmem>> -> memref<272x128xf32, #tpu.memory_space<vmem>>
            tpu.enqueue_dma source(%dma_start3A_361 : memref<272x128xf32, #tpu.memory_space<vmem>>) target(%dma_start3A_358 : memref<272x128xf32, #tpu.memory_space<hbm>>) target_semaphore(%run_scoped3A : memref<!tpu.dma_semaphore, #tpu.memory_space<semaphore_mem>>)
            %dma_wait3A_362 = arith.constant 0 : i32
            %dma_wait3A_363 = arith.constant 0 : i32
            %dma_wait3A_364 = tpu.memref_slice %arg9[%dma_wait3A_362, %dma_wait3A_363] : memref<448x128xf32, #tpu.memory_space<vmem>> -> memref<272x128xf32, #tpu.memory_space<vmem>>
            %dma_wait3A_365 = arith.constant 49728 : i32
            %dma_wait3A_366 = arith.constant 0 : i32
            %dma_wait3A_367 = tpu.memref_slice %arg5[%dma_wait3A_365, %dma_wait3A_366] : memref<50000x128xf32, #tpu.memory_space<hbm>> -> memref<272x128xf32, #tpu.memory_space<hbm>>
            %dma_wait3A_368 = arith.constant 49728 : i32
            %dma_wait3A_369 = arith.constant 0 : i32
            %dma_wait3A_370 = tpu.memref_slice %arg5[%dma_wait3A_368, %dma_wait3A_369] : memref<50000x128xf32, #tpu.memory_space<hbm>> -> memref<272x128xf32, #tpu.memory_space<hbm>>
            %dma_wait3A_371 = arith.constant 0 : i32
            %dma_wait3A_372 = arith.constant 0 : i32
            %dma_wait3A_373 = tpu.memref_slice %arg9[%dma_wait3A_371, %dma_wait3A_372] : memref<448x128xf32, #tpu.memory_space<vmem>> -> memref<272x128xf32, #tpu.memory_space<vmem>>
            tpu.wait_dma2 semaphore(%run_scoped3A : memref<!tpu.dma_semaphore, #tpu.memory_space<semaphore_mem>>) src(%dma_wait3A_373 : memref<272x128xf32, #tpu.memory_space<vmem>>) dst(%dma_wait3A_370 : memref<272x128xf32, #tpu.memory_space<hbm>>)
            tpu.yield
          }) : () -> ()
        } else {
        }
      } else {
      }
      %add3A_152 = arith.addi %select_n3A_21, %mul3A_98 : i32
      %add3A_153 = arith.constant 1 : i32
      %add3A_154 = arith.addi %add3A_152, %add3A_153 : i32
      %mul3A_155 = arith.constant 4480 : i32
      %mul3A_156 = arith.muli %add3A_154, %mul3A_155 : i32
      "tpu.region"() ({
        %run_scoped3A = tpu.sem_alloc : memref<!tpu.dma_semaphore, #tpu.memory_space<semaphore_mem>>
        %dma_start3A_282 = tpu.memref_slice %arg2[%mul3A_156] : memref<501760xi32, #tpu.memory_space<hbm>> -> memref<4480xi32, #tpu.memory_space<hbm>>
        %dma_start3A_283 = tpu.memref_slice %arg2[%mul3A_156] : memref<501760xi32, #tpu.memory_space<hbm>> -> memref<4480xi32, #tpu.memory_space<hbm>>
        tpu.enqueue_dma source(%dma_start3A_283 : memref<4480xi32, #tpu.memory_space<hbm>>) target(%arg7 : memref<4480xi32, #tpu.memory_space<vmem>>) target_semaphore(%run_scoped3A : memref<!tpu.dma_semaphore, #tpu.memory_space<semaphore_mem>>)
        %dma_wait3A_284 = tpu.memref_slice %arg2[%mul3A_156] : memref<501760xi32, #tpu.memory_space<hbm>> -> memref<4480xi32, #tpu.memory_space<hbm>>
        %dma_wait3A_285 = tpu.memref_slice %arg2[%mul3A_156] : memref<501760xi32, #tpu.memory_space<hbm>> -> memref<4480xi32, #tpu.memory_space<hbm>>
        tpu.wait_dma2 semaphore(%run_scoped3A : memref<!tpu.dma_semaphore, #tpu.memory_space<semaphore_mem>>) src(%dma_wait3A_285 : memref<4480xi32, #tpu.memory_space<hbm>>) dst(%arg7 : memref<4480xi32, #tpu.memory_space<vmem>>)
        tpu.yield
      }) : () -> ()
      %dma_start3A_157 = arith.constant 0 : i32
      %dma_start3A_158 = tpu.memref_slice %arg7[%dma_start3A_157] : memref<4480xi32, #tpu.memory_space<vmem>> -> memref<448xi32, #tpu.memory_space<vmem>>
      %dma_start3A_159 = arith.constant 0 : i32
      %dma_start3A_160 = arith.constant 0 : i32
      %dma_start3A_161 = tpu.memref_slice %arg3[%dma_start3A_159, %dma_start3A_160] : memref<100000x128xf32, #tpu.memory_space<hbm>> -> memref<100000x128xf32, #tpu.memory_space<hbm>>
      tpu.enqueue_indirect_dma source(%dma_start3A_161 : memref<100000x128xf32, #tpu.memory_space<hbm>>) target(%arg9 : memref<448x128xf32, #tpu.memory_space<vmem>>) offsets(%dma_start3A_158 : memref<448xi32, #tpu.memory_space<vmem>>) semaphore(%arg11 : memref<!tpu.dma_semaphore, #tpu.memory_space<semaphore_mem>>)
      %dma_wait3A_162 = arith.constant 0 : i32
      %dma_wait3A_163 = tpu.memref_slice %arg7[%dma_wait3A_162] : memref<4480xi32, #tpu.memory_space<vmem>> -> memref<448xi32, #tpu.memory_space<vmem>>
      %dma_wait3A_164 = arith.constant 0 : i32
      %dma_wait3A_165 = arith.constant 0 : i32
      %dma_wait3A_166 = tpu.memref_slice %arg3[%dma_wait3A_164, %dma_wait3A_165] : memref<100000x128xf32, #tpu.memory_space<hbm>> -> memref<100000x128xf32, #tpu.memory_space<hbm>>
      tpu.wait_indirect_dma semaphore(%arg11 : memref<!tpu.dma_semaphore, #tpu.memory_space<semaphore_mem>>) src(%dma_wait3A_166 : memref<100000x128xf32, #tpu.memory_space<hbm>>) dst(%arg9 : memref<448x128xf32, #tpu.memory_space<vmem>>)
      %dma_start3A_167 = arith.constant 448 : i32
      %dma_start3A_168 = tpu.memref_slice %arg7[%dma_start3A_167] : memref<4480xi32, #tpu.memory_space<vmem>> -> memref<448xi32, #tpu.memory_space<vmem>>
      %dma_start3A_169 = arith.constant 0 : i32
      %dma_start3A_170 = arith.constant 0 : i32
      %dma_start3A_171 = tpu.memref_slice %arg3[%dma_start3A_169, %dma_start3A_170] : memref<100000x128xf32, #tpu.memory_space<hbm>> -> memref<100000x128xf32, #tpu.memory_space<hbm>>
      tpu.enqueue_indirect_dma source(%dma_start3A_171 : memref<100000x128xf32, #tpu.memory_space<hbm>>) target(%arg9 : memref<448x128xf32, #tpu.memory_space<vmem>>) offsets(%dma_start3A_168 : memref<448xi32, #tpu.memory_space<vmem>>) semaphore(%arg13 : memref<!tpu.dma_semaphore, #tpu.memory_space<semaphore_mem>>) {add = true}
      %dma_start3A_172 = arith.constant 896 : i32
      %dma_start3A_173 = tpu.memref_slice %arg7[%dma_start3A_172] : memref<4480xi32, #tpu.memory_space<vmem>> -> memref<448xi32, #tpu.memory_space<vmem>>
      %dma_start3A_174 = arith.constant 0 : i32
      %dma_start3A_175 = arith.constant 0 : i32
      %dma_start3A_176 = tpu.memref_slice %arg3[%dma_start3A_174, %dma_start3A_175] : memref<100000x128xf32, #tpu.memory_space<hbm>> -> memref<100000x128xf32, #tpu.memory_space<hbm>>
      tpu.enqueue_indirect_dma source(%dma_start3A_176 : memref<100000x128xf32, #tpu.memory_space<hbm>>) target(%arg9 : memref<448x128xf32, #tpu.memory_space<vmem>>) offsets(%dma_start3A_173 : memref<448xi32, #tpu.memory_space<vmem>>) semaphore(%arg13 : memref<!tpu.dma_semaphore, #tpu.memory_space<semaphore_mem>>) {add = true}
      %dma_start3A_177 = arith.constant 1344 : i32
      %dma_start3A_178 = tpu.memref_slice %arg7[%dma_start3A_177] : memref<4480xi32, #tpu.memory_space<vmem>> -> memref<448xi32, #tpu.memory_space<vmem>>
      %dma_start3A_179 = arith.constant 0 : i32
      %dma_start3A_180 = arith.constant 0 : i32
      %dma_start3A_181 = tpu.memref_slice %arg3[%dma_start3A_179, %dma_start3A_180] : memref<100000x128xf32, #tpu.memory_space<hbm>> -> memref<100000x128xf32, #tpu.memory_space<hbm>>
      tpu.enqueue_indirect_dma source(%dma_start3A_181 : memref<100000x128xf32, #tpu.memory_space<hbm>>) target(%arg9 : memref<448x128xf32, #tpu.memory_space<vmem>>) offsets(%dma_start3A_178 : memref<448xi32, #tpu.memory_space<vmem>>) semaphore(%arg13 : memref<!tpu.dma_semaphore, #tpu.memory_space<semaphore_mem>>) {add = true}
      %dma_start3A_182 = arith.constant 1792 : i32
      %dma_start3A_183 = tpu.memref_slice %arg7[%dma_start3A_182] : memref<4480xi32, #tpu.memory_space<vmem>> -> memref<448xi32, #tpu.memory_space<vmem>>
      %dma_start3A_184 = arith.constant 0 : i32
      %dma_start3A_185 = arith.constant 0 : i32
      %dma_start3A_186 = tpu.memref_slice %arg3[%dma_start3A_184, %dma_start3A_185] : memref<100000x128xf32, #tpu.memory_space<hbm>> -> memref<100000x128xf32, #tpu.memory_space<hbm>>
      tpu.enqueue_indirect_dma source(%dma_start3A_186 : memref<100000x128xf32, #tpu.memory_space<hbm>>) target(%arg9 : memref<448x128xf32, #tpu.memory_space<vmem>>) offsets(%dma_start3A_183 : memref<448xi32, #tpu.memory_space<vmem>>) semaphore(%arg13 : memref<!tpu.dma_semaphore, #tpu.memory_space<semaphore_mem>>) {add = true}
      %dma_start3A_187 = arith.constant 2240 : i32
      %dma_start3A_188 = tpu.memref_slice %arg7[%dma_start3A_187] : memref<4480xi32, #tpu.memory_space<vmem>> -> memref<448xi32, #tpu.memory_space<vmem>>
      %dma_start3A_189 = arith.constant 0 : i32
      %dma_start3A_190 = arith.constant 0 : i32
      %dma_start3A_191 = tpu.memref_slice %arg3[%dma_start3A_189, %dma_start3A_190] : memref<100000x128xf32, #tpu.memory_space<hbm>> -> memref<100000x128xf32, #tpu.memory_space<hbm>>
      tpu.enqueue_indirect_dma source(%dma_start3A_191 : memref<100000x128xf32, #tpu.memory_space<hbm>>) target(%arg9 : memref<448x128xf32, #tpu.memory_space<vmem>>) offsets(%dma_start3A_188 : memref<448xi32, #tpu.memory_space<vmem>>) semaphore(%arg13 : memref<!tpu.dma_semaphore, #tpu.memory_space<semaphore_mem>>) {add = true}
      %dma_start3A_192 = arith.constant 2688 : i32
      %dma_start3A_193 = tpu.memref_slice %arg7[%dma_start3A_192] : memref<4480xi32, #tpu.memory_space<vmem>> -> memref<448xi32, #tpu.memory_space<vmem>>
      %dma_start3A_194 = arith.constant 0 : i32
      %dma_start3A_195 = arith.constant 0 : i32
      %dma_start3A_196 = tpu.memref_slice %arg3[%dma_start3A_194, %dma_start3A_195] : memref<100000x128xf32, #tpu.memory_space<hbm>> -> memref<100000x128xf32, #tpu.memory_space<hbm>>
      tpu.enqueue_indirect_dma source(%dma_start3A_196 : memref<100000x128xf32, #tpu.memory_space<hbm>>) target(%arg9 : memref<448x128xf32, #tpu.memory_space<vmem>>) offsets(%dma_start3A_193 : memref<448xi32, #tpu.memory_space<vmem>>) semaphore(%arg13 : memref<!tpu.dma_semaphore, #tpu.memory_space<semaphore_mem>>) {add = true}
      %dma_start3A_197 = arith.constant 3136 : i32
      %dma_start3A_198 = tpu.memref_slice %arg7[%dma_start3A_197] : memref<4480xi32, #tpu.memory_space<vmem>> -> memref<448xi32, #tpu.memory_space<vmem>>
      %dma_start3A_199 = arith.constant 0 : i32
      %dma_start3A_200 = arith.constant 0 : i32
      %dma_start3A_201 = tpu.memref_slice %arg3[%dma_start3A_199, %dma_start3A_200] : memref<100000x128xf32, #tpu.memory_space<hbm>> -> memref<100000x128xf32, #tpu.memory_space<hbm>>
      tpu.enqueue_indirect_dma source(%dma_start3A_201 : memref<100000x128xf32, #tpu.memory_space<hbm>>) target(%arg9 : memref<448x128xf32, #tpu.memory_space<vmem>>) offsets(%dma_start3A_198 : memref<448xi32, #tpu.memory_space<vmem>>) semaphore(%arg13 : memref<!tpu.dma_semaphore, #tpu.memory_space<semaphore_mem>>) {add = true}
      %dma_start3A_202 = arith.constant 3584 : i32
      %dma_start3A_203 = tpu.memref_slice %arg7[%dma_start3A_202] : memref<4480xi32, #tpu.memory_space<vmem>> -> memref<448xi32, #tpu.memory_space<vmem>>
      %dma_start3A_204 = arith.constant 0 : i32
      %dma_start3A_205 = arith.constant 0 : i32
      %dma_start3A_206 = tpu.memref_slice %arg3[%dma_start3A_204, %dma_start3A_205] : memref<100000x128xf32, #tpu.memory_space<hbm>> -> memref<100000x128xf32, #tpu.memory_space<hbm>>
      tpu.enqueue_indirect_dma source(%dma_start3A_206 : memref<100000x128xf32, #tpu.memory_space<hbm>>) target(%arg9 : memref<448x128xf32, #tpu.memory_space<vmem>>) offsets(%dma_start3A_203 : memref<448xi32, #tpu.memory_space<vmem>>) semaphore(%arg13 : memref<!tpu.dma_semaphore, #tpu.memory_space<semaphore_mem>>) {add = true}
      %dma_start3A_207 = arith.constant 4032 : i32
      %dma_start3A_208 = tpu.memref_slice %arg7[%dma_start3A_207] : memref<4480xi32, #tpu.memory_space<vmem>> -> memref<448xi32, #tpu.memory_space<vmem>>
      %dma_start3A_209 = arith.constant 0 : i32
      %dma_start3A_210 = arith.constant 0 : i32
      %dma_start3A_211 = tpu.memref_slice %arg3[%dma_start3A_209, %dma_start3A_210] : memref<100000x128xf32, #tpu.memory_space<hbm>> -> memref<100000x128xf32, #tpu.memory_space<hbm>>
      tpu.enqueue_indirect_dma source(%dma_start3A_211 : memref<100000x128xf32, #tpu.memory_space<hbm>>) target(%arg9 : memref<448x128xf32, #tpu.memory_space<vmem>>) offsets(%dma_start3A_208 : memref<448xi32, #tpu.memory_space<vmem>>) semaphore(%arg13 : memref<!tpu.dma_semaphore, #tpu.memory_space<semaphore_mem>>) {add = true}
      %add3A_212 = arith.addi %select_n3A_21, %mul3A_98 : i32
      %dma_wait3A_213 = arith.constant 448 : i32
      %dma_wait3A_214 = tpu.memref_slice %arg6[%dma_wait3A_213] : memref<4480xi32, #tpu.memory_space<vmem>> -> memref<448xi32, #tpu.memory_space<vmem>>
      %dma_wait3A_215 = arith.constant 0 : i32
      %dma_wait3A_216 = arith.constant 0 : i32
      %dma_wait3A_217 = tpu.memref_slice %arg3[%dma_wait3A_215, %dma_wait3A_216] : memref<100000x128xf32, #tpu.memory_space<hbm>> -> memref<100000x128xf32, #tpu.memory_space<hbm>>
      tpu.wait_indirect_dma semaphore(%arg12 : memref<!tpu.dma_semaphore, #tpu.memory_space<semaphore_mem>>) src(%dma_wait3A_217 : memref<100000x128xf32, #tpu.memory_space<hbm>>) dst(%arg8 : memref<448x128xf32, #tpu.memory_space<vmem>>)
      %dma_wait3A_218 = arith.constant 896 : i32
      %dma_wait3A_219 = tpu.memref_slice %arg6[%dma_wait3A_218] : memref<4480xi32, #tpu.memory_space<vmem>> -> memref<448xi32, #tpu.memory_space<vmem>>
      %dma_wait3A_220 = arith.constant 0 : i32
      %dma_wait3A_221 = arith.constant 0 : i32
      %dma_wait3A_222 = tpu.memref_slice %arg3[%dma_wait3A_220, %dma_wait3A_221] : memref<100000x128xf32, #tpu.memory_space<hbm>> -> memref<100000x128xf32, #tpu.memory_space<hbm>>
      tpu.wait_indirect_dma semaphore(%arg12 : memref<!tpu.dma_semaphore, #tpu.memory_space<semaphore_mem>>) src(%dma_wait3A_222 : memref<100000x128xf32, #tpu.memory_space<hbm>>) dst(%arg8 : memref<448x128xf32, #tpu.memory_space<vmem>>)
      %dma_wait3A_223 = arith.constant 1344 : i32
      %dma_wait3A_224 = tpu.memref_slice %arg6[%dma_wait3A_223] : memref<4480xi32, #tpu.memory_space<vmem>> -> memref<448xi32, #tpu.memory_space<vmem>>
      %dma_wait3A_225 = arith.constant 0 : i32
      %dma_wait3A_226 = arith.constant 0 : i32
      %dma_wait3A_227 = tpu.memref_slice %arg3[%dma_wait3A_225, %dma_wait3A_226] : memref<100000x128xf32, #tpu.memory_space<hbm>> -> memref<100000x128xf32, #tpu.memory_space<hbm>>
      tpu.wait_indirect_dma semaphore(%arg12 : memref<!tpu.dma_semaphore, #tpu.memory_space<semaphore_mem>>) src(%dma_wait3A_227 : memref<100000x128xf32, #tpu.memory_space<hbm>>) dst(%arg8 : memref<448x128xf32, #tpu.memory_space<vmem>>)
      %dma_wait3A_228 = arith.constant 1792 : i32
      %dma_wait3A_229 = tpu.memref_slice %arg6[%dma_wait3A_228] : memref<4480xi32, #tpu.memory_space<vmem>> -> memref<448xi32, #tpu.memory_space<vmem>>
      %dma_wait3A_230 = arith.constant 0 : i32
      %dma_wait3A_231 = arith.constant 0 : i32
      %dma_wait3A_232 = tpu.memref_slice %arg3[%dma_wait3A_230, %dma_wait3A_231] : memref<100000x128xf32, #tpu.memory_space<hbm>> -> memref<100000x128xf32, #tpu.memory_space<hbm>>
      tpu.wait_indirect_dma semaphore(%arg12 : memref<!tpu.dma_semaphore, #tpu.memory_space<semaphore_mem>>) src(%dma_wait3A_232 : memref<100000x128xf32, #tpu.memory_space<hbm>>) dst(%arg8 : memref<448x128xf32, #tpu.memory_space<vmem>>)
      %dma_wait3A_233 = arith.constant 2240 : i32
      %dma_wait3A_234 = tpu.memref_slice %arg6[%dma_wait3A_233] : memref<4480xi32, #tpu.memory_space<vmem>> -> memref<448xi32, #tpu.memory_space<vmem>>
      %dma_wait3A_235 = arith.constant 0 : i32
      %dma_wait3A_236 = arith.constant 0 : i32
      %dma_wait3A_237 = tpu.memref_slice %arg3[%dma_wait3A_235, %dma_wait3A_236] : memref<100000x128xf32, #tpu.memory_space<hbm>> -> memref<100000x128xf32, #tpu.memory_space<hbm>>
      tpu.wait_indirect_dma semaphore(%arg12 : memref<!tpu.dma_semaphore, #tpu.memory_space<semaphore_mem>>) src(%dma_wait3A_237 : memref<100000x128xf32, #tpu.memory_space<hbm>>) dst(%arg8 : memref<448x128xf32, #tpu.memory_space<vmem>>)
      %dma_wait3A_238 = arith.constant 2688 : i32
      %dma_wait3A_239 = tpu.memref_slice %arg6[%dma_wait3A_238] : memref<4480xi32, #tpu.memory_space<vmem>> -> memref<448xi32, #tpu.memory_space<vmem>>
      %dma_wait3A_240 = arith.constant 0 : i32
      %dma_wait3A_241 = arith.constant 0 : i32
      %dma_wait3A_242 = tpu.memref_slice %arg3[%dma_wait3A_240, %dma_wait3A_241] : memref<100000x128xf32, #tpu.memory_space<hbm>> -> memref<100000x128xf32, #tpu.memory_space<hbm>>
      tpu.wait_indirect_dma semaphore(%arg12 : memref<!tpu.dma_semaphore, #tpu.memory_space<semaphore_mem>>) src(%dma_wait3A_242 : memref<100000x128xf32, #tpu.memory_space<hbm>>) dst(%arg8 : memref<448x128xf32, #tpu.memory_space<vmem>>)
      %dma_wait3A_243 = arith.constant 3136 : i32
      %dma_wait3A_244 = tpu.memref_slice %arg6[%dma_wait3A_243] : memref<4480xi32, #tpu.memory_space<vmem>> -> memref<448xi32, #tpu.memory_space<vmem>>
      %dma_wait3A_245 = arith.constant 0 : i32
      %dma_wait3A_246 = arith.constant 0 : i32
      %dma_wait3A_247 = tpu.memref_slice %arg3[%dma_wait3A_245, %dma_wait3A_246] : memref<100000x128xf32, #tpu.memory_space<hbm>> -> memref<100000x128xf32, #tpu.memory_space<hbm>>
      tpu.wait_indirect_dma semaphore(%arg12 : memref<!tpu.dma_semaphore, #tpu.memory_space<semaphore_mem>>) src(%dma_wait3A_247 : memref<100000x128xf32, #tpu.memory_space<hbm>>) dst(%arg8 : memref<448x128xf32, #tpu.memory_space<vmem>>)
      %dma_wait3A_248 = arith.constant 3584 : i32
      %dma_wait3A_249 = tpu.memref_slice %arg6[%dma_wait3A_248] : memref<4480xi32, #tpu.memory_space<vmem>> -> memref<448xi32, #tpu.memory_space<vmem>>
      %dma_wait3A_250 = arith.constant 0 : i32
      %dma_wait3A_251 = arith.constant 0 : i32
      %dma_wait3A_252 = tpu.memref_slice %arg3[%dma_wait3A_250, %dma_wait3A_251] : memref<100000x128xf32, #tpu.memory_space<hbm>> -> memref<100000x128xf32, #tpu.memory_space<hbm>>
      tpu.wait_indirect_dma semaphore(%arg12 : memref<!tpu.dma_semaphore, #tpu.memory_space<semaphore_mem>>) src(%dma_wait3A_252 : memref<100000x128xf32, #tpu.memory_space<hbm>>) dst(%arg8 : memref<448x128xf32, #tpu.memory_space<vmem>>)
      %dma_wait3A_253 = arith.constant 4032 : i32
      %dma_wait3A_254 = tpu.memref_slice %arg6[%dma_wait3A_253] : memref<4480xi32, #tpu.memory_space<vmem>> -> memref<448xi32, #tpu.memory_space<vmem>>
      %dma_wait3A_255 = arith.constant 0 : i32
      %dma_wait3A_256 = arith.constant 0 : i32
      %dma_wait3A_257 = tpu.memref_slice %arg3[%dma_wait3A_255, %dma_wait3A_256] : memref<100000x128xf32, #tpu.memory_space<hbm>> -> memref<100000x128xf32, #tpu.memory_space<hbm>>
      tpu.wait_indirect_dma semaphore(%arg12 : memref<!tpu.dma_semaphore, #tpu.memory_space<semaphore_mem>>) src(%dma_wait3A_257 : memref<100000x128xf32, #tpu.memory_space<hbm>>) dst(%arg8 : memref<448x128xf32, #tpu.memory_space<vmem>>)
      %scan3A = arith.constant 0 : i32
      %scan3A_258 = arith.constant 0 : i32
      %scan3A_259 = arith.constant 448 : i32
      %scan3A_260 = arith.addi %scan3A_258, %scan3A_259 : i32
      %scan3A_261 = arith.constant 1 : i32
      scf.for %scan3A_282 = %scan3A_258 to %scan3A_260 step %scan3A_261  : i32 {
        %get3A_283 = arith.index_cast %scan3A_282 : i32 to index
        %get3A_284 = arith.constant 0 : index
        %get3A_285 = tpu.vector_load %arg8[%get3A_283, %get3A_284] {strides = array<i32>} : memref<448x128xf32, #tpu.memory_space<vmem>>, vector<1x16xf32>,
        %get3A_286 = vector.shape_cast %get3A_285 : vector<1x16xf32> to vector<16xf32>
        %mul3A_287 = vector.broadcast %squeeze3A : f32 to vector<16xf32>
        %mul3A_288 = arith.mulf %get3A_286, %mul3A_287 : vector<16xf32>
        %swap3A = arith.index_cast %scan3A_282 : i32 to index
        %swap3A_289 = arith.constant 0 : index
        %swap3A_290 = tpu.vector_load %arg8[%swap3A, %swap3A_289] {strides = array<i32>} : memref<448x128xf32, #tpu.memory_space<vmem>>, vector<1x16xf32>,
        %swap3A_291 = vector.shape_cast %swap3A_290 : vector<1x16xf32> to vector<16xf32>
        %swap3A_292 = vector.shape_cast %mul3A_288 : vector<16xf32> to vector<1x16xf32>
        tpu.vector_store %arg8[%swap3A, %swap3A_289], %swap3A_292 {strides = array<i32>} : memref<448x128xf32, #tpu.memory_space<vmem>>, vector<1x16xf32>,
        %get3A_293 = arith.index_cast %scan3A_282 : i32 to index
        %get3A_294 = arith.constant 16 : index
        %get3A_295 = tpu.vector_load %arg8[%get3A_293, %get3A_294] {strides = array<i32>} : memref<448x128xf32, #tpu.memory_space<vmem>>, vector<1x16xf32>,
        %get3A_296 = vector.shape_cast %get3A_295 : vector<1x16xf32> to vector<16xf32>
        %mul3A_297 = vector.broadcast %squeeze3A : f32 to vector<16xf32>
        %mul3A_298 = arith.mulf %get3A_296, %mul3A_297 : vector<16xf32>
        %swap3A_299 = arith.index_cast %scan3A_282 : i32 to index
        %swap3A_300 = arith.constant 16 : index
        %swap3A_301 = tpu.vector_load %arg8[%swap3A_299, %swap3A_300] {strides = array<i32>} : memref<448x128xf32, #tpu.memory_space<vmem>>, vector<1x16xf32>,
        %swap3A_302 = vector.shape_cast %swap3A_301 : vector<1x16xf32> to vector<16xf32>
        %swap3A_303 = vector.shape_cast %mul3A_298 : vector<16xf32> to vector<1x16xf32>
        tpu.vector_store %arg8[%swap3A_299, %swap3A_300], %swap3A_303 {strides = array<i32>} : memref<448x128xf32, #tpu.memory_space<vmem>>, vector<1x16xf32>,
        %get3A_304 = arith.index_cast %scan3A_282 : i32 to index
        %get3A_305 = arith.constant 32 : index
        %get3A_306 = tpu.vector_load %arg8[%get3A_304, %get3A_305] {strides = array<i32>} : memref<448x128xf32, #tpu.memory_space<vmem>>, vector<1x16xf32>,
        %get3A_307 = vector.shape_cast %get3A_306 : vector<1x16xf32> to vector<16xf32>
        %mul3A_308 = vector.broadcast %squeeze3A : f32 to vector<16xf32>
        %mul3A_309 = arith.mulf %get3A_307, %mul3A_308 : vector<16xf32>
        %swap3A_310 = arith.index_cast %scan3A_282 : i32 to index
        %swap3A_311 = arith.constant 32 : index
        %swap3A_312 = tpu.vector_load %arg8[%swap3A_310, %swap3A_311] {strides = array<i32>} : memref<448x128xf32, #tpu.memory_space<vmem>>, vector<1x16xf32>,
        %swap3A_313 = vector.shape_cast %swap3A_312 : vector<1x16xf32> to vector<16xf32>
        %swap3A_314 = vector.shape_cast %mul3A_309 : vector<16xf32> to vector<1x16xf32>
        tpu.vector_store %arg8[%swap3A_310, %swap3A_311], %swap3A_314 {strides = array<i32>} : memref<448x128xf32, #tpu.memory_space<vmem>>, vector<1x16xf32>,
        %get3A_315 = arith.index_cast %scan3A_282 : i32 to index
        %get3A_316 = arith.constant 48 : index
        %get3A_317 = tpu.vector_load %arg8[%get3A_315, %get3A_316] {strides = array<i32>} : memref<448x128xf32, #tpu.memory_space<vmem>>, vector<1x16xf32>,
        %get3A_318 = vector.shape_cast %get3A_317 : vector<1x16xf32> to vector<16xf32>
        %mul3A_319 = vector.broadcast %squeeze3A : f32 to vector<16xf32>
        %mul3A_320 = arith.mulf %get3A_318, %mul3A_319 : vector<16xf32>
        %swap3A_321 = arith.index_cast %scan3A_282 : i32 to index
        %swap3A_322 = arith.constant 48 : index
        %swap3A_323 = tpu.vector_load %arg8[%swap3A_321, %swap3A_322] {strides = array<i32>} : memref<448x128xf32, #tpu.memory_space<vmem>>, vector<1x16xf32>,
        %swap3A_324 = vector.shape_cast %swap3A_323 : vector<1x16xf32> to vector<16xf32>
        %swap3A_325 = vector.shape_cast %mul3A_320 : vector<16xf32> to vector<1x16xf32>
        tpu.vector_store %arg8[%swap3A_321, %swap3A_322], %swap3A_325 {strides = array<i32>} : memref<448x128xf32, #tpu.memory_space<vmem>>, vector<1x16xf32>,
        %get3A_326 = arith.index_cast %scan3A_282 : i32 to index
        %get3A_327 = arith.constant 64 : index
        %get3A_328 = tpu.vector_load %arg8[%get3A_326, %get3A_327] {strides = array<i32>} : memref<448x128xf32, #tpu.memory_space<vmem>>, vector<1x16xf32>,
        %get3A_329 = vector.shape_cast %get3A_328 : vector<1x16xf32> to vector<16xf32>
        %mul3A_330 = vector.broadcast %squeeze3A : f32 to vector<16xf32>
        %mul3A_331 = arith.mulf %get3A_329, %mul3A_330 : vector<16xf32>
        %swap3A_332 = arith.index_cast %scan3A_282 : i32 to index
        %swap3A_333 = arith.constant 64 : index
        %swap3A_334 = tpu.vector_load %arg8[%swap3A_332, %swap3A_333] {strides = array<i32>} : memref<448x128xf32, #tpu.memory_space<vmem>>, vector<1x16xf32>,
        %swap3A_335 = vector.shape_cast %swap3A_334 : vector<1x16xf32> to vector<16xf32>
        %swap3A_336 = vector.shape_cast %mul3A_331 : vector<16xf32> to vector<1x16xf32>
        tpu.vector_store %arg8[%swap3A_332, %swap3A_333], %swap3A_336 {strides = array<i32>} : memref<448x128xf32, #tpu.memory_space<vmem>>, vector<1x16xf32>,
        %get3A_337 = arith.index_cast %scan3A_282 : i32 to index
        %get3A_338 = arith.constant 80 : index
        %get3A_339 = tpu.vector_load %arg8[%get3A_337, %get3A_338] {strides = array<i32>} : memref<448x128xf32, #tpu.memory_space<vmem>>, vector<1x16xf32>,
        %get3A_340 = vector.shape_cast %get3A_339 : vector<1x16xf32> to vector<16xf32>
        %mul3A_341 = vector.broadcast %squeeze3A : f32 to vector<16xf32>
        %mul3A_342 = arith.mulf %get3A_340, %mul3A_341 : vector<16xf32>
        %swap3A_343 = arith.index_cast %scan3A_282 : i32 to index
        %swap3A_344 = arith.constant 80 : index
        %swap3A_345 = tpu.vector_load %arg8[%swap3A_343, %swap3A_344] {strides = array<i32>} : memref<448x128xf32, #tpu.memory_space<vmem>>, vector<1x16xf32>,
        %swap3A_346 = vector.shape_cast %swap3A_345 : vector<1x16xf32> to vector<16xf32>
        %swap3A_347 = vector.shape_cast %mul3A_342 : vector<16xf32> to vector<1x16xf32>
        tpu.vector_store %arg8[%swap3A_343, %swap3A_344], %swap3A_347 {strides = array<i32>} : memref<448x128xf32, #tpu.memory_space<vmem>>, vector<1x16xf32>,
        %get3A_348 = arith.index_cast %scan3A_282 : i32 to index
        %get3A_349 = arith.constant 96 : index
        %get3A_350 = tpu.vector_load %arg8[%get3A_348, %get3A_349] {strides = array<i32>} : memref<448x128xf32, #tpu.memory_space<vmem>>, vector<1x16xf32>,
        %get3A_351 = vector.shape_cast %get3A_350 : vector<1x16xf32> to vector<16xf32>
        %mul3A_352 = vector.broadcast %squeeze3A : f32 to vector<16xf32>
        %mul3A_353 = arith.mulf %get3A_351, %mul3A_352 : vector<16xf32>
        %swap3A_354 = arith.index_cast %scan3A_282 : i32 to index
        %swap3A_355 = arith.constant 96 : index
        %swap3A_356 = tpu.vector_load %arg8[%swap3A_354, %swap3A_355] {strides = array<i32>} : memref<448x128xf32, #tpu.memory_space<vmem>>, vector<1x16xf32>,
        %swap3A_357 = vector.shape_cast %swap3A_356 : vector<1x16xf32> to vector<16xf32>
        %swap3A_358 = vector.shape_cast %mul3A_353 : vector<16xf32> to vector<1x16xf32>
        tpu.vector_store %arg8[%swap3A_354, %swap3A_355], %swap3A_358 {strides = array<i32>} : memref<448x128xf32, #tpu.memory_space<vmem>>, vector<1x16xf32>,
        %get3A_359 = arith.index_cast %scan3A_282 : i32 to index
        %get3A_360 = arith.constant 112 : index
        %get3A_361 = tpu.vector_load %arg8[%get3A_359, %get3A_360] {strides = array<i32>} : memref<448x128xf32, #tpu.memory_space<vmem>>, vector<1x16xf32>,
        %get3A_362 = vector.shape_cast %get3A_361 : vector<1x16xf32> to vector<16xf32>
        %mul3A_363 = vector.broadcast %squeeze3A : f32 to vector<16xf32>
        %mul3A_364 = arith.mulf %get3A_362, %mul3A_363 : vector<16xf32>
        %swap3A_365 = arith.index_cast %scan3A_282 : i32 to index
        %swap3A_366 = arith.constant 112 : index
        %swap3A_367 = tpu.vector_load %arg8[%swap3A_365, %swap3A_366] {strides = array<i32>} : memref<448x128xf32, #tpu.memory_space<vmem>>, vector<1x16xf32>,
        %swap3A_368 = vector.shape_cast %swap3A_367 : vector<1x16xf32> to vector<16xf32>
        %swap3A_369 = vector.shape_cast %mul3A_364 : vector<16xf32> to vector<1x16xf32>
        tpu.vector_store %arg8[%swap3A_365, %swap3A_366], %swap3A_369 {strides = array<i32>} : memref<448x128xf32, #tpu.memory_space<vmem>>, vector<1x16xf32>,
      }
      %scan3A_262 = arith.constant 448 : i32
      %mul3A_263 = arith.constant 448 : i32
      %mul3A_264 = arith.muli %add3A_212, %mul3A_263 : i32
      %add3A_265 = arith.constant 448 : i32
      %add3A_266 = arith.addi %mul3A_264, %add3A_265 : i32
      %le3A = arith.constant 50000 : i32
      %le3A_267 = arith.cmpi sle, %add3A_266, %le3A : i32
      %convert_element_type3A_268 = arith.extui %le3A_267 : i1 to i32
      %cond3A_269 = arith.constant 0 : i32
      %cond3A_270 = arith.cmpi ne, %convert_element_type3A_268, %cond3A_269 : i32
      scf.if %cond3A_270 {
        "tpu.region"() ({
          %run_scoped3A = tpu.sem_alloc : memref<!tpu.dma_semaphore, #tpu.memory_space<semaphore_mem>>
          %dma_start3A_282 = arith.constant 0 : i32
          %dma_start3A_283 = tpu.memref_slice %arg5[%mul3A_264, %dma_start3A_282] : memref<50000x128xf32, #tpu.memory_space<hbm>> -> memref<448x128xf32, #tpu.memory_space<hbm>>
          %dma_start3A_284 = arith.constant 0 : i32
          %dma_start3A_285 = tpu.memref_slice %arg5[%mul3A_264, %dma_start3A_284] : memref<50000x128xf32, #tpu.memory_space<hbm>> -> memref<448x128xf32, #tpu.memory_space<hbm>>
          tpu.enqueue_dma source(%arg8 : memref<448x128xf32, #tpu.memory_space<vmem>>) target(%dma_start3A_285 : memref<448x128xf32, #tpu.memory_space<hbm>>) target_semaphore(%run_scoped3A : memref<!tpu.dma_semaphore, #tpu.memory_space<semaphore_mem>>)
          %dma_wait3A_286 = arith.constant 0 : i32
          %dma_wait3A_287 = tpu.memref_slice %arg5[%mul3A_264, %dma_wait3A_286] : memref<50000x128xf32, #tpu.memory_space<hbm>> -> memref<448x128xf32, #tpu.memory_space<hbm>>
          %dma_wait3A_288 = arith.constant 0 : i32
          %dma_wait3A_289 = tpu.memref_slice %arg5[%mul3A_264, %dma_wait3A_288] : memref<50000x128xf32, #tpu.memory_space<hbm>> -> memref<448x128xf32, #tpu.memory_space<hbm>>
          tpu.wait_dma2 semaphore(%run_scoped3A : memref<!tpu.dma_semaphore, #tpu.memory_space<semaphore_mem>>) src(%arg8 : memref<448x128xf32, #tpu.memory_space<vmem>>) dst(%dma_wait3A_289 : memref<448x128xf32, #tpu.memory_space<hbm>>)
          tpu.yield
        }) : () -> ()
      } else {
      }
      %eq3A_271 = arith.constant 49728 : i32
      %eq3A_272 = arith.cmpi eq, %mul3A_264, %eq3A_271 : i32
      %convert_element_type3A_273 = arith.extui %eq3A_272 : i1 to i32
      %cond3A_274 = arith.constant 0 : i32
      %cond3A_275 = arith.cmpi ne, %convert_element_type3A_273, %cond3A_274 : i32
      scf.if %cond3A_275 {
        "tpu.region"() ({
          %run_scoped3A = tpu.sem_alloc : memref<!tpu.dma_semaphore, #tpu.memory_space<semaphore_mem>>
          %dma_start3A_282 = arith.constant 0 : i32
          %dma_start3A_283 = arith.constant 0 : i32
          %dma_start3A_284 = tpu.memref_slice %arg8[%dma_start3A_282, %dma_start3A_283] : memref<448x128xf32, #tpu.memory_space<vmem>> -> memref<272x128xf32, #tpu.memory_space<vmem>>
          %dma_start3A_285 = arith.constant 49728 : i32
          %dma_start3A_286 = arith.constant 0 : i32
          %dma_start3A_287 = tpu.memref_slice %arg5[%dma_start3A_285, %dma_start3A_286] : memref<50000x128xf32, #tpu.memory_space<hbm>> -> memref<272x128xf32, #tpu.memory_space<hbm>>
          %dma_start3A_288 = arith.constant 49728 : i32
          %dma_start3A_289 = arith.constant 0 : i32
          %dma_start3A_290 = tpu.memref_slice %arg5[%dma_start3A_288, %dma_start3A_289] : memref<50000x128xf32, #tpu.memory_space<hbm>> -> memref<272x128xf32, #tpu.memory_space<hbm>>
          %dma_start3A_291 = arith.constant 0 : i32
          %dma_start3A_292 = arith.constant 0 : i32
          %dma_start3A_293 = tpu.memref_slice %arg8[%dma_start3A_291, %dma_start3A_292] : memref<448x128xf32, #tpu.memory_space<vmem>> -> memref<272x128xf32, #tpu.memory_space<vmem>>
          tpu.enqueue_dma source(%dma_start3A_293 : memref<272x128xf32, #tpu.memory_space<vmem>>) target(%dma_start3A_290 : memref<272x128xf32, #tpu.memory_space<hbm>>) target_semaphore(%run_scoped3A : memref<!tpu.dma_semaphore, #tpu.memory_space<semaphore_mem>>)
          %dma_wait3A_294 = arith.constant 0 : i32
          %dma_wait3A_295 = arith.constant 0 : i32
          %dma_wait3A_296 = tpu.memref_slice %arg8[%dma_wait3A_294, %dma_wait3A_295] : memref<448x128xf32, #tpu.memory_space<vmem>> -> memref<272x128xf32, #tpu.memory_space<vmem>>
          %dma_wait3A_297 = arith.constant 49728 : i32
          %dma_wait3A_298 = arith.constant 0 : i32
          %dma_wait3A_299 = tpu.memref_slice %arg5[%dma_wait3A_297, %dma_wait3A_298] : memref<50000x128xf32, #tpu.memory_space<hbm>> -> memref<272x128xf32, #tpu.memory_space<hbm>>
          %dma_wait3A_300 = arith.constant 49728 : i32
          %dma_wait3A_301 = arith.constant 0 : i32
          %dma_wait3A_302 = tpu.memref_slice %arg5[%dma_wait3A_300, %dma_wait3A_301] : memref<50000x128xf32, #tpu.memory_space<hbm>> -> memref<272x128xf32, #tpu.memory_space<hbm>>
          %dma_wait3A_303 = arith.constant 0 : i32
          %dma_wait3A_304 = arith.constant 0 : i32
          %dma_wait3A_305 = tpu.memref_slice %arg8[%dma_wait3A_303, %dma_wait3A_304] : memref<448x128xf32, #tpu.memory_space<vmem>> -> memref<272x128xf32, #tpu.memory_space<vmem>>
          tpu.wait_dma2 semaphore(%run_scoped3A : memref<!tpu.dma_semaphore, #tpu.memory_space<semaphore_mem>>) src(%dma_wait3A_305 : memref<272x128xf32, #tpu.memory_space<vmem>>) dst(%dma_wait3A_302 : memref<272x128xf32, #tpu.memory_space<hbm>>)
          tpu.yield
        }) : () -> ()
      } else {
      }
      %add3A_276 = arith.constant 2 : i32
      %add3A_277 = arith.addi %mul3A_98, %add3A_276 : i32
      %lt3A_278 = arith.cmpi slt, %add3A_277, %select_n3A_11 : i32
      %convert_element_type3A_279 = arith.extui %lt3A_278 : i1 to i32
      %cond3A_280 = arith.constant 0 : i32
      %cond3A_281 = arith.cmpi ne, %convert_element_type3A_279, %cond3A_280 : i32
      scf.if %cond3A_281 {
        %add3A_282 = arith.addi %select_n3A_21, %mul3A_98 : i32
        %add3A_283 = arith.constant 2 : i32
        %add3A_284 = arith.addi %add3A_282, %add3A_283 : i32
        %mul3A_285 = arith.constant 4480 : i32
        %mul3A_286 = arith.muli %add3A_284, %mul3A_285 : i32
        "tpu.region"() ({
          %run_scoped3A = tpu.sem_alloc : memref<!tpu.dma_semaphore, #tpu.memory_space<semaphore_mem>>
          %dma_start3A_292 = tpu.memref_slice %arg2[%mul3A_286] : memref<501760xi32, #tpu.memory_space<hbm>> -> memref<4480xi32, #tpu.memory_space<hbm>>
          %dma_start3A_293 = tpu.memref_slice %arg2[%mul3A_286] : memref<501760xi32, #tpu.memory_space<hbm>> -> memref<4480xi32, #tpu.memory_space<hbm>>
          tpu.enqueue_dma source(%dma_start3A_293 : memref<4480xi32, #tpu.memory_space<hbm>>) target(%arg6 : memref<4480xi32, #tpu.memory_space<vmem>>) target_semaphore(%run_scoped3A : memref<!tpu.dma_semaphore, #tpu.memory_space<semaphore_mem>>)
          %dma_wait3A_294 = tpu.memref_slice %arg2[%mul3A_286] : memref<501760xi32, #tpu.memory_space<hbm>> -> memref<4480xi32, #tpu.memory_space<hbm>>
          %dma_wait3A_295 = tpu.memref_slice %arg2[%mul3A_286] : memref<501760xi32, #tpu.memory_space<hbm>> -> memref<4480xi32, #tpu.memory_space<hbm>>
          tpu.wait_dma2 semaphore(%run_scoped3A : memref<!tpu.dma_semaphore, #tpu.memory_space<semaphore_mem>>) src(%dma_wait3A_295 : memref<4480xi32, #tpu.memory_space<hbm>>) dst(%arg6 : memref<4480xi32, #tpu.memory_space<vmem>>)
          tpu.yield
        }) : () -> ()
        %dma_start3A_287 = arith.constant 0 : i32
        %dma_start3A_288 = tpu.memref_slice %arg6[%dma_start3A_287] : memref<4480xi32, #tpu.memory_space<vmem>> -> memref<448xi32, #tpu.memory_space<vmem>>
        %dma_start3A_289 = arith.constant 0 : i32
        %dma_start3A_290 = arith.constant 0 : i32
        %dma_start3A_291 = tpu.memref_slice %arg3[%dma_start3A_289, %dma_start3A_290] : memref<100000x128xf32, #tpu.memory_space<hbm>> -> memref<100000x128xf32, #tpu.memory_space<hbm>>
        tpu.enqueue_indirect_dma source(%dma_start3A_291 : memref<100000x128xf32, #tpu.memory_space<hbm>>) target(%arg8 : memref<448x128xf32, #tpu.memory_space<vmem>>) offsets(%dma_start3A_288 : memref<448xi32, #tpu.memory_space<vmem>>) semaphore(%arg10 : memref<!tpu.dma_semaphore, #tpu.memory_space<semaphore_mem>>)
      } else {
      }
    }
    %jit3A_51 = arith.constant 2 : i32
    %eq3A_52 = arith.constant 0 : i32
    %eq3A_53 = arith.cmpi eq, %jit3A_51, %eq3A_52 : i32
    %jit3A_54 = arith.constant 1 : i32
    %select_n3A_55 = arith.select %eq3A_53, %jit3A_54, %jit3A_51 : i32
    %rem3A_56 = arith.remsi %select_n3A_11, %select_n3A_55 : i32
    %ne3A_57 = arith.constant 0 : i32
    %ne3A_58 = arith.cmpi ne, %rem3A_56, %ne3A_57 : i32
    %lt3A_59 = arith.constant 0 : i32
    %lt3A_60 = arith.cmpi slt, %rem3A_56, %lt3A_59 : i32
    %lt3A_61 = arith.constant 0 : i32
    %lt3A_62 = arith.cmpi slt, %select_n3A_55, %lt3A_61 : i32
    %ne3A_63 = arith.xori %lt3A_60, %lt3A_62 : i1
    %and3A_64 = arith.andi %ne3A_63, %ne3A_58 : i1
    %add3A_65 = arith.addi %rem3A_56, %select_n3A_55 : i32
    %select_n3A_66 = arith.select %and3A_64, %add3A_65, %rem3A_56 : i32
    %eq3A_67 = arith.constant 1 : i32
    %eq3A_68 = arith.cmpi eq, %select_n3A_66, %eq3A_67 : i32
    %convert_element_type3A_69 = arith.extui %eq3A_68 : i1 to i32
    %cond3A_70 = arith.constant 0 : i32
    %cond3A_71 = arith.cmpi ne, %convert_element_type3A_69, %cond3A_70 : i32
    scf.if %cond3A_71 {
      %dma_wait3A = arith.constant 0 : i32
      %dma_wait3A_96 = tpu.memref_slice %arg6[%dma_wait3A] : memref<4480xi32, #tpu.memory_space<vmem>> -> memref<448xi32, #tpu.memory_space<vmem>>
      %dma_wait3A_97 = arith.constant 0 : i32
      %dma_wait3A_98 = arith.constant 0 : i32
      %dma_wait3A_99 = tpu.memref_slice %arg3[%dma_wait3A_97, %dma_wait3A_98] : memref<100000x128xf32, #tpu.memory_space<hbm>> -> memref<100000x128xf32, #tpu.memory_space<hbm>>
      tpu.wait_indirect_dma semaphore(%arg10 : memref<!tpu.dma_semaphore, #tpu.memory_space<semaphore_mem>>) src(%dma_wait3A_99 : memref<100000x128xf32, #tpu.memory_space<hbm>>) dst(%arg8 : memref<448x128xf32, #tpu.memory_space<vmem>>)
      %dma_start3A = arith.constant 448 : i32
      %dma_start3A_100 = tpu.memref_slice %arg6[%dma_start3A] : memref<4480xi32, #tpu.memory_space<vmem>> -> memref<448xi32, #tpu.memory_space<vmem>>
      %dma_start3A_101 = arith.constant 0 : i32
      %dma_start3A_102 = arith.constant 0 : i32
      %dma_start3A_103 = tpu.memref_slice %arg3[%dma_start3A_101, %dma_start3A_102] : memref<100000x128xf32, #tpu.memory_space<hbm>> -> memref<100000x128xf32, #tpu.memory_space<hbm>>
      tpu.enqueue_indirect_dma source(%dma_start3A_103 : memref<100000x128xf32, #tpu.memory_space<hbm>>) target(%arg8 : memref<448x128xf32, #tpu.memory_space<vmem>>) offsets(%dma_start3A_100 : memref<448xi32, #tpu.memory_space<vmem>>) semaphore(%arg12 : memref<!tpu.dma_semaphore, #tpu.memory_space<semaphore_mem>>) {add = true}
      %dma_start3A_104 = arith.constant 896 : i32
      %dma_start3A_105 = tpu.memref_slice %arg6[%dma_start3A_104] : memref<4480xi32, #tpu.memory_space<vmem>> -> memref<448xi32, #tpu.memory_space<vmem>>
      %dma_start3A_106 = arith.constant 0 : i32
      %dma_start3A_107 = arith.constant 0 : i32
      %dma_start3A_108 = tpu.memref_slice %arg3[%dma_start3A_106, %dma_start3A_107] : memref<100000x128xf32, #tpu.memory_space<hbm>> -> memref<100000x128xf32, #tpu.memory_space<hbm>>
      tpu.enqueue_indirect_dma source(%dma_start3A_108 : memref<100000x128xf32, #tpu.memory_space<hbm>>) target(%arg8 : memref<448x128xf32, #tpu.memory_space<vmem>>) offsets(%dma_start3A_105 : memref<448xi32, #tpu.memory_space<vmem>>) semaphore(%arg12 : memref<!tpu.dma_semaphore, #tpu.memory_space<semaphore_mem>>) {add = true}
      %dma_start3A_109 = arith.constant 1344 : i32
      %dma_start3A_110 = tpu.memref_slice %arg6[%dma_start3A_109] : memref<4480xi32, #tpu.memory_space<vmem>> -> memref<448xi32, #tpu.memory_space<vmem>>
      %dma_start3A_111 = arith.constant 0 : i32
      %dma_start3A_112 = arith.constant 0 : i32
      %dma_start3A_113 = tpu.memref_slice %arg3[%dma_start3A_111, %dma_start3A_112] : memref<100000x128xf32, #tpu.memory_space<hbm>> -> memref<100000x128xf32, #tpu.memory_space<hbm>>
      tpu.enqueue_indirect_dma source(%dma_start3A_113 : memref<100000x128xf32, #tpu.memory_space<hbm>>) target(%arg8 : memref<448x128xf32, #tpu.memory_space<vmem>>) offsets(%dma_start3A_110 : memref<448xi32, #tpu.memory_space<vmem>>) semaphore(%arg12 : memref<!tpu.dma_semaphore, #tpu.memory_space<semaphore_mem>>) {add = true}
      %dma_start3A_114 = arith.constant 1792 : i32
      %dma_start3A_115 = tpu.memref_slice %arg6[%dma_start3A_114] : memref<4480xi32, #tpu.memory_space<vmem>> -> memref<448xi32, #tpu.memory_space<vmem>>
      %dma_start3A_116 = arith.constant 0 : i32
      %dma_start3A_117 = arith.constant 0 : i32
      %dma_start3A_118 = tpu.memref_slice %arg3[%dma_start3A_116, %dma_start3A_117] : memref<100000x128xf32, #tpu.memory_space<hbm>> -> memref<100000x128xf32, #tpu.memory_space<hbm>>
      tpu.enqueue_indirect_dma source(%dma_start3A_118 : memref<100000x128xf32, #tpu.memory_space<hbm>>) target(%arg8 : memref<448x128xf32, #tpu.memory_space<vmem>>) offsets(%dma_start3A_115 : memref<448xi32, #tpu.memory_space<vmem>>) semaphore(%arg12 : memref<!tpu.dma_semaphore, #tpu.memory_space<semaphore_mem>>) {add = true}
      %dma_start3A_119 = arith.constant 2240 : i32
      %dma_start3A_120 = tpu.memref_slice %arg6[%dma_start3A_119] : memref<4480xi32, #tpu.memory_space<vmem>> -> memref<448xi32, #tpu.memory_space<vmem>>
      %dma_start3A_121 = arith.constant 0 : i32
      %dma_start3A_122 = arith.constant 0 : i32
      %dma_start3A_123 = tpu.memref_slice %arg3[%dma_start3A_121, %dma_start3A_122] : memref<100000x128xf32, #tpu.memory_space<hbm>> -> memref<100000x128xf32, #tpu.memory_space<hbm>>
      tpu.enqueue_indirect_dma source(%dma_start3A_123 : memref<100000x128xf32, #tpu.memory_space<hbm>>) target(%arg8 : memref<448x128xf32, #tpu.memory_space<vmem>>) offsets(%dma_start3A_120 : memref<448xi32, #tpu.memory_space<vmem>>) semaphore(%arg12 : memref<!tpu.dma_semaphore, #tpu.memory_space<semaphore_mem>>) {add = true}
      %dma_start3A_124 = arith.constant 2688 : i32
      %dma_start3A_125 = tpu.memref_slice %arg6[%dma_start3A_124] : memref<4480xi32, #tpu.memory_space<vmem>> -> memref<448xi32, #tpu.memory_space<vmem>>
      %dma_start3A_126 = arith.constant 0 : i32
      %dma_start3A_127 = arith.constant 0 : i32
      %dma_start3A_128 = tpu.memref_slice %arg3[%dma_start3A_126, %dma_start3A_127] : memref<100000x128xf32, #tpu.memory_space<hbm>> -> memref<100000x128xf32, #tpu.memory_space<hbm>>
      tpu.enqueue_indirect_dma source(%dma_start3A_128 : memref<100000x128xf32, #tpu.memory_space<hbm>>) target(%arg8 : memref<448x128xf32, #tpu.memory_space<vmem>>) offsets(%dma_start3A_125 : memref<448xi32, #tpu.memory_space<vmem>>) semaphore(%arg12 : memref<!tpu.dma_semaphore, #tpu.memory_space<semaphore_mem>>) {add = true}
      %dma_start3A_129 = arith.constant 3136 : i32
      %dma_start3A_130 = tpu.memref_slice %arg6[%dma_start3A_129] : memref<4480xi32, #tpu.memory_space<vmem>> -> memref<448xi32, #tpu.memory_space<vmem>>
      %dma_start3A_131 = arith.constant 0 : i32
      %dma_start3A_132 = arith.constant 0 : i32
      %dma_start3A_133 = tpu.memref_slice %arg3[%dma_start3A_131, %dma_start3A_132] : memref<100000x128xf32, #tpu.memory_space<hbm>> -> memref<100000x128xf32, #tpu.memory_space<hbm>>
      tpu.enqueue_indirect_dma source(%dma_start3A_133 : memref<100000x128xf32, #tpu.memory_space<hbm>>) target(%arg8 : memref<448x128xf32, #tpu.memory_space<vmem>>) offsets(%dma_start3A_130 : memref<448xi32, #tpu.memory_space<vmem>>) semaphore(%arg12 : memref<!tpu.dma_semaphore, #tpu.memory_space<semaphore_mem>>) {add = true}
      %dma_start3A_134 = arith.constant 3584 : i32
      %dma_start3A_135 = tpu.memref_slice %arg6[%dma_start3A_134] : memref<4480xi32, #tpu.memory_space<vmem>> -> memref<448xi32, #tpu.memory_space<vmem>>
      %dma_start3A_136 = arith.constant 0 : i32
      %dma_start3A_137 = arith.constant 0 : i32
      %dma_start3A_138 = tpu.memref_slice %arg3[%dma_start3A_136, %dma_start3A_137] : memref<100000x128xf32, #tpu.memory_space<hbm>> -> memref<100000x128xf32, #tpu.memory_space<hbm>>
      tpu.enqueue_indirect_dma source(%dma_start3A_138 : memref<100000x128xf32, #tpu.memory_space<hbm>>) target(%arg8 : memref<448x128xf32, #tpu.memory_space<vmem>>) offsets(%dma_start3A_135 : memref<448xi32, #tpu.memory_space<vmem>>) semaphore(%arg12 : memref<!tpu.dma_semaphore, #tpu.memory_space<semaphore_mem>>) {add = true}
      %dma_start3A_139 = arith.constant 4032 : i32
      %dma_start3A_140 = tpu.memref_slice %arg6[%dma_start3A_139] : memref<4480xi32, #tpu.memory_space<vmem>> -> memref<448xi32, #tpu.memory_space<vmem>>
      %dma_start3A_141 = arith.constant 0 : i32
      %dma_start3A_142 = arith.constant 0 : i32
      %dma_start3A_143 = tpu.memref_slice %arg3[%dma_start3A_141, %dma_start3A_142] : memref<100000x128xf32, #tpu.memory_space<hbm>> -> memref<100000x128xf32, #tpu.memory_space<hbm>>
      tpu.enqueue_indirect_dma source(%dma_start3A_143 : memref<100000x128xf32, #tpu.memory_space<hbm>>) target(%arg8 : memref<448x128xf32, #tpu.memory_space<vmem>>) offsets(%dma_start3A_140 : memref<448xi32, #tpu.memory_space<vmem>>) semaphore(%arg12 : memref<!tpu.dma_semaphore, #tpu.memory_space<semaphore_mem>>) {add = true}
      %gt3A_144 = arith.constant 1 : i32
      %gt3A_145 = arith.cmpi sgt, %select_n3A_11, %gt3A_144 : i32
      %convert_element_type3A_146 = arith.extui %gt3A_145 : i1 to i32
      %cond3A_147 = arith.constant 0 : i32
      %cond3A_148 = arith.cmpi ne, %convert_element_type3A_146, %cond3A_147 : i32
      scf.if %cond3A_148 {
        %add3A_215 = arith.addi %select_n3A_21, %select_n3A_11 : i32
        %sub3A_216 = arith.constant 2 : i32
        %sub3A_217 = arith.subi %add3A_215, %sub3A_216 : i32
        %dma_wait3A_218 = arith.constant 448 : i32
        %dma_wait3A_219 = tpu.memref_slice %arg7[%dma_wait3A_218] : memref<4480xi32, #tpu.memory_space<vmem>> -> memref<448xi32, #tpu.memory_space<vmem>>
        %dma_wait3A_220 = arith.constant 0 : i32
        %dma_wait3A_221 = arith.constant 0 : i32
        %dma_wait3A_222 = tpu.memref_slice %arg3[%dma_wait3A_220, %dma_wait3A_221] : memref<100000x128xf32, #tpu.memory_space<hbm>> -> memref<100000x128xf32, #tpu.memory_space<hbm>>
        tpu.wait_indirect_dma semaphore(%arg13 : memref<!tpu.dma_semaphore, #tpu.memory_space<semaphore_mem>>) src(%dma_wait3A_222 : memref<100000x128xf32, #tpu.memory_space<hbm>>) dst(%arg9 : memref<448x128xf32, #tpu.memory_space<vmem>>)
        %dma_wait3A_223 = arith.constant 896 : i32
        %dma_wait3A_224 = tpu.memref_slice %arg7[%dma_wait3A_223] : memref<4480xi32, #tpu.memory_space<vmem>> -> memref<448xi32, #tpu.memory_space<vmem>>
        %dma_wait3A_225 = arith.constant 0 : i32
        %dma_wait3A_226 = arith.constant 0 : i32
        %dma_wait3A_227 = tpu.memref_slice %arg3[%dma_wait3A_225, %dma_wait3A_226] : memref<100000x128xf32, #tpu.memory_space<hbm>> -> memref<100000x128xf32, #tpu.memory_space<hbm>>
        tpu.wait_indirect_dma semaphore(%arg13 : memref<!tpu.dma_semaphore, #tpu.memory_space<semaphore_mem>>) src(%dma_wait3A_227 : memref<100000x128xf32, #tpu.memory_space<hbm>>) dst(%arg9 : memref<448x128xf32, #tpu.memory_space<vmem>>)
        %dma_wait3A_228 = arith.constant 1344 : i32
        %dma_wait3A_229 = tpu.memref_slice %arg7[%dma_wait3A_228] : memref<4480xi32, #tpu.memory_space<vmem>> -> memref<448xi32, #tpu.memory_space<vmem>>
        %dma_wait3A_230 = arith.constant 0 : i32
        %dma_wait3A_231 = arith.constant 0 : i32
        %dma_wait3A_232 = tpu.memref_slice %arg3[%dma_wait3A_230, %dma_wait3A_231] : memref<100000x128xf32, #tpu.memory_space<hbm>> -> memref<100000x128xf32, #tpu.memory_space<hbm>>
        tpu.wait_indirect_dma semaphore(%arg13 : memref<!tpu.dma_semaphore, #tpu.memory_space<semaphore_mem>>) src(%dma_wait3A_232 : memref<100000x128xf32, #tpu.memory_space<hbm>>) dst(%arg9 : memref<448x128xf32, #tpu.memory_space<vmem>>)
        %dma_wait3A_233 = arith.constant 1792 : i32
        %dma_wait3A_234 = tpu.memref_slice %arg7[%dma_wait3A_233] : memref<4480xi32, #tpu.memory_space<vmem>> -> memref<448xi32, #tpu.memory_space<vmem>>
        %dma_wait3A_235 = arith.constant 0 : i32
        %dma_wait3A_236 = arith.constant 0 : i32
        %dma_wait3A_237 = tpu.memref_slice %arg3[%dma_wait3A_235, %dma_wait3A_236] : memref<100000x128xf32, #tpu.memory_space<hbm>> -> memref<100000x128xf32, #tpu.memory_space<hbm>>
        tpu.wait_indirect_dma semaphore(%arg13 : memref<!tpu.dma_semaphore, #tpu.memory_space<semaphore_mem>>) src(%dma_wait3A_237 : memref<100000x128xf32, #tpu.memory_space<hbm>>) dst(%arg9 : memref<448x128xf32, #tpu.memory_space<vmem>>)
        %dma_wait3A_238 = arith.constant 2240 : i32
        %dma_wait3A_239 = tpu.memref_slice %arg7[%dma_wait3A_238] : memref<4480xi32, #tpu.memory_space<vmem>> -> memref<448xi32, #tpu.memory_space<vmem>>
        %dma_wait3A_240 = arith.constant 0 : i32
        %dma_wait3A_241 = arith.constant 0 : i32
        %dma_wait3A_242 = tpu.memref_slice %arg3[%dma_wait3A_240, %dma_wait3A_241] : memref<100000x128xf32, #tpu.memory_space<hbm>> -> memref<100000x128xf32, #tpu.memory_space<hbm>>
        tpu.wait_indirect_dma semaphore(%arg13 : memref<!tpu.dma_semaphore, #tpu.memory_space<semaphore_mem>>) src(%dma_wait3A_242 : memref<100000x128xf32, #tpu.memory_space<hbm>>) dst(%arg9 : memref<448x128xf32, #tpu.memory_space<vmem>>)
        %dma_wait3A_243 = arith.constant 2688 : i32
        %dma_wait3A_244 = tpu.memref_slice %arg7[%dma_wait3A_243] : memref<4480xi32, #tpu.memory_space<vmem>> -> memref<448xi32, #tpu.memory_space<vmem>>
        %dma_wait3A_245 = arith.constant 0 : i32
        %dma_wait3A_246 = arith.constant 0 : i32
        %dma_wait3A_247 = tpu.memref_slice %arg3[%dma_wait3A_245, %dma_wait3A_246] : memref<100000x128xf32, #tpu.memory_space<hbm>> -> memref<100000x128xf32, #tpu.memory_space<hbm>>
        tpu.wait_indirect_dma semaphore(%arg13 : memref<!tpu.dma_semaphore, #tpu.memory_space<semaphore_mem>>) src(%dma_wait3A_247 : memref<100000x128xf32, #tpu.memory_space<hbm>>) dst(%arg9 : memref<448x128xf32, #tpu.memory_space<vmem>>)
        %dma_wait3A_248 = arith.constant 3136 : i32
        %dma_wait3A_249 = tpu.memref_slice %arg7[%dma_wait3A_248] : memref<4480xi32, #tpu.memory_space<vmem>> -> memref<448xi32, #tpu.memory_space<vmem>>
        %dma_wait3A_250 = arith.constant 0 : i32
        %dma_wait3A_251 = arith.constant 0 : i32
        %dma_wait3A_252 = tpu.memref_slice %arg3[%dma_wait3A_250, %dma_wait3A_251] : memref<100000x128xf32, #tpu.memory_space<hbm>> -> memref<100000x128xf32, #tpu.memory_space<hbm>>
        tpu.wait_indirect_dma semaphore(%arg13 : memref<!tpu.dma_semaphore, #tpu.memory_space<semaphore_mem>>) src(%dma_wait3A_252 : memref<100000x128xf32, #tpu.memory_space<hbm>>) dst(%arg9 : memref<448x128xf32, #tpu.memory_space<vmem>>)
        %dma_wait3A_253 = arith.constant 3584 : i32
        %dma_wait3A_254 = tpu.memref_slice %arg7[%dma_wait3A_253] : memref<4480xi32, #tpu.memory_space<vmem>> -> memref<448xi32, #tpu.memory_space<vmem>>
        %dma_wait3A_255 = arith.constant 0 : i32
        %dma_wait3A_256 = arith.constant 0 : i32
        %dma_wait3A_257 = tpu.memref_slice %arg3[%dma_wait3A_255, %dma_wait3A_256] : memref<100000x128xf32, #tpu.memory_space<hbm>> -> memref<100000x128xf32, #tpu.memory_space<hbm>>
        tpu.wait_indirect_dma semaphore(%arg13 : memref<!tpu.dma_semaphore, #tpu.memory_space<semaphore_mem>>) src(%dma_wait3A_257 : memref<100000x128xf32, #tpu.memory_space<hbm>>) dst(%arg9 : memref<448x128xf32, #tpu.memory_space<vmem>>)
        %dma_wait3A_258 = arith.constant 4032 : i32
        %dma_wait3A_259 = tpu.memref_slice %arg7[%dma_wait3A_258] : memref<4480xi32, #tpu.memory_space<vmem>> -> memref<448xi32, #tpu.memory_space<vmem>>
        %dma_wait3A_260 = arith.constant 0 : i32
        %dma_wait3A_261 = arith.constant 0 : i32
        %dma_wait3A_262 = tpu.memref_slice %arg3[%dma_wait3A_260, %dma_wait3A_261] : memref<100000x128xf32, #tpu.memory_space<hbm>> -> memref<100000x128xf32, #tpu.memory_space<hbm>>
        tpu.wait_indirect_dma semaphore(%arg13 : memref<!tpu.dma_semaphore, #tpu.memory_space<semaphore_mem>>) src(%dma_wait3A_262 : memref<100000x128xf32, #tpu.memory_space<hbm>>) dst(%arg9 : memref<448x128xf32, #tpu.memory_space<vmem>>)
        %scan3A_263 = arith.constant 0 : i32
        %scan3A_264 = arith.constant 0 : i32
        %scan3A_265 = arith.constant 448 : i32
        %scan3A_266 = arith.addi %scan3A_264, %scan3A_265 : i32
        %scan3A_267 = arith.constant 1 : i32
        scf.for %scan3A_283 = %scan3A_264 to %scan3A_266 step %scan3A_267  : i32 {
          %get3A_284 = arith.index_cast %scan3A_283 : i32 to index
          %get3A_285 = arith.constant 0 : index
          %get3A_286 = tpu.vector_load %arg9[%get3A_284, %get3A_285] {strides = array<i32>} : memref<448x128xf32, #tpu.memory_space<vmem>>, vector<1x16xf32>,
          %get3A_287 = vector.shape_cast %get3A_286 : vector<1x16xf32> to vector<16xf32>
          %mul3A_288 = vector.broadcast %squeeze3A : f32 to vector<16xf32>
          %mul3A_289 = arith.mulf %get3A_287, %mul3A_288 : vector<16xf32>
          %swap3A = arith.index_cast %scan3A_283 : i32 to index
          %swap3A_290 = arith.constant 0 : index
          %swap3A_291 = tpu.vector_load %arg9[%swap3A, %swap3A_290] {strides = array<i32>} : memref<448x128xf32, #tpu.memory_space<vmem>>, vector<1x16xf32>,
          %swap3A_292 = vector.shape_cast %swap3A_291 : vector<1x16xf32> to vector<16xf32>
          %swap3A_293 = vector.shape_cast %mul3A_289 : vector<16xf32> to vector<1x16xf32>
          tpu.vector_store %arg9[%swap3A, %swap3A_290], %swap3A_293 {strides = array<i32>} : memref<448x128xf32, #tpu.memory_space<vmem>>, vector<1x16xf32>,
          %get3A_294 = arith.index_cast %scan3A_283 : i32 to index
          %get3A_295 = arith.constant 16 : index
          %get3A_296 = tpu.vector_load %arg9[%get3A_294, %get3A_295] {strides = array<i32>} : memref<448x128xf32, #tpu.memory_space<vmem>>, vector<1x16xf32>,
          %get3A_297 = vector.shape_cast %get3A_296 : vector<1x16xf32> to vector<16xf32>
          %mul3A_298 = vector.broadcast %squeeze3A : f32 to vector<16xf32>
          %mul3A_299 = arith.mulf %get3A_297, %mul3A_298 : vector<16xf32>
          %swap3A_300 = arith.index_cast %scan3A_283 : i32 to index
          %swap3A_301 = arith.constant 16 : index
          %swap3A_302 = tpu.vector_load %arg9[%swap3A_300, %swap3A_301] {strides = array<i32>} : memref<448x128xf32, #tpu.memory_space<vmem>>, vector<1x16xf32>,
          %swap3A_303 = vector.shape_cast %swap3A_302 : vector<1x16xf32> to vector<16xf32>
          %swap3A_304 = vector.shape_cast %mul3A_299 : vector<16xf32> to vector<1x16xf32>
          tpu.vector_store %arg9[%swap3A_300, %swap3A_301], %swap3A_304 {strides = array<i32>} : memref<448x128xf32, #tpu.memory_space<vmem>>, vector<1x16xf32>,
          %get3A_305 = arith.index_cast %scan3A_283 : i32 to index
          %get3A_306 = arith.constant 32 : index
          %get3A_307 = tpu.vector_load %arg9[%get3A_305, %get3A_306] {strides = array<i32>} : memref<448x128xf32, #tpu.memory_space<vmem>>, vector<1x16xf32>,
          %get3A_308 = vector.shape_cast %get3A_307 : vector<1x16xf32> to vector<16xf32>
          %mul3A_309 = vector.broadcast %squeeze3A : f32 to vector<16xf32>
          %mul3A_310 = arith.mulf %get3A_308, %mul3A_309 : vector<16xf32>
          %swap3A_311 = arith.index_cast %scan3A_283 : i32 to index
          %swap3A_312 = arith.constant 32 : index
          %swap3A_313 = tpu.vector_load %arg9[%swap3A_311, %swap3A_312] {strides = array<i32>} : memref<448x128xf32, #tpu.memory_space<vmem>>, vector<1x16xf32>,
          %swap3A_314 = vector.shape_cast %swap3A_313 : vector<1x16xf32> to vector<16xf32>
          %swap3A_315 = vector.shape_cast %mul3A_310 : vector<16xf32> to vector<1x16xf32>
          tpu.vector_store %arg9[%swap3A_311, %swap3A_312], %swap3A_315 {strides = array<i32>} : memref<448x128xf32, #tpu.memory_space<vmem>>, vector<1x16xf32>,
          %get3A_316 = arith.index_cast %scan3A_283 : i32 to index
          %get3A_317 = arith.constant 48 : index
          %get3A_318 = tpu.vector_load %arg9[%get3A_316, %get3A_317] {strides = array<i32>} : memref<448x128xf32, #tpu.memory_space<vmem>>, vector<1x16xf32>,
          %get3A_319 = vector.shape_cast %get3A_318 : vector<1x16xf32> to vector<16xf32>
          %mul3A_320 = vector.broadcast %squeeze3A : f32 to vector<16xf32>
          %mul3A_321 = arith.mulf %get3A_319, %mul3A_320 : vector<16xf32>
          %swap3A_322 = arith.index_cast %scan3A_283 : i32 to index
          %swap3A_323 = arith.constant 48 : index
          %swap3A_324 = tpu.vector_load %arg9[%swap3A_322, %swap3A_323] {strides = array<i32>} : memref<448x128xf32, #tpu.memory_space<vmem>>, vector<1x16xf32>,
          %swap3A_325 = vector.shape_cast %swap3A_324 : vector<1x16xf32> to vector<16xf32>
          %swap3A_326 = vector.shape_cast %mul3A_321 : vector<16xf32> to vector<1x16xf32>
          tpu.vector_store %arg9[%swap3A_322, %swap3A_323], %swap3A_326 {strides = array<i32>} : memref<448x128xf32, #tpu.memory_space<vmem>>, vector<1x16xf32>,
          %get3A_327 = arith.index_cast %scan3A_283 : i32 to index
          %get3A_328 = arith.constant 64 : index
          %get3A_329 = tpu.vector_load %arg9[%get3A_327, %get3A_328] {strides = array<i32>} : memref<448x128xf32, #tpu.memory_space<vmem>>, vector<1x16xf32>,
          %get3A_330 = vector.shape_cast %get3A_329 : vector<1x16xf32> to vector<16xf32>
          %mul3A_331 = vector.broadcast %squeeze3A : f32 to vector<16xf32>
          %mul3A_332 = arith.mulf %get3A_330, %mul3A_331 : vector<16xf32>
          %swap3A_333 = arith.index_cast %scan3A_283 : i32 to index
          %swap3A_334 = arith.constant 64 : index
          %swap3A_335 = tpu.vector_load %arg9[%swap3A_333, %swap3A_334] {strides = array<i32>} : memref<448x128xf32, #tpu.memory_space<vmem>>, vector<1x16xf32>,
          %swap3A_336 = vector.shape_cast %swap3A_335 : vector<1x16xf32> to vector<16xf32>
          %swap3A_337 = vector.shape_cast %mul3A_332 : vector<16xf32> to vector<1x16xf32>
          tpu.vector_store %arg9[%swap3A_333, %swap3A_334], %swap3A_337 {strides = array<i32>} : memref<448x128xf32, #tpu.memory_space<vmem>>, vector<1x16xf32>,
          %get3A_338 = arith.index_cast %scan3A_283 : i32 to index
          %get3A_339 = arith.constant 80 : index
          %get3A_340 = tpu.vector_load %arg9[%get3A_338, %get3A_339] {strides = array<i32>} : memref<448x128xf32, #tpu.memory_space<vmem>>, vector<1x16xf32>,
          %get3A_341 = vector.shape_cast %get3A_340 : vector<1x16xf32> to vector<16xf32>
          %mul3A_342 = vector.broadcast %squeeze3A : f32 to vector<16xf32>
          %mul3A_343 = arith.mulf %get3A_341, %mul3A_342 : vector<16xf32>
          %swap3A_344 = arith.index_cast %scan3A_283 : i32 to index
          %swap3A_345 = arith.constant 80 : index
          %swap3A_346 = tpu.vector_load %arg9[%swap3A_344, %swap3A_345] {strides = array<i32>} : memref<448x128xf32, #tpu.memory_space<vmem>>, vector<1x16xf32>,
          %swap3A_347 = vector.shape_cast %swap3A_346 : vector<1x16xf32> to vector<16xf32>
          %swap3A_348 = vector.shape_cast %mul3A_343 : vector<16xf32> to vector<1x16xf32>
          tpu.vector_store %arg9[%swap3A_344, %swap3A_345], %swap3A_348 {strides = array<i32>} : memref<448x128xf32, #tpu.memory_space<vmem>>, vector<1x16xf32>,
          %get3A_349 = arith.index_cast %scan3A_283 : i32 to index
          %get3A_350 = arith.constant 96 : index
          %get3A_351 = tpu.vector_load %arg9[%get3A_349, %get3A_350] {strides = array<i32>} : memref<448x128xf32, #tpu.memory_space<vmem>>, vector<1x16xf32>,
          %get3A_352 = vector.shape_cast %get3A_351 : vector<1x16xf32> to vector<16xf32>
          %mul3A_353 = vector.broadcast %squeeze3A : f32 to vector<16xf32>
          %mul3A_354 = arith.mulf %get3A_352, %mul3A_353 : vector<16xf32>
          %swap3A_355 = arith.index_cast %scan3A_283 : i32 to index
          %swap3A_356 = arith.constant 96 : index
          %swap3A_357 = tpu.vector_load %arg9[%swap3A_355, %swap3A_356] {strides = array<i32>} : memref<448x128xf32, #tpu.memory_space<vmem>>, vector<1x16xf32>,
          %swap3A_358 = vector.shape_cast %swap3A_357 : vector<1x16xf32> to vector<16xf32>
          %swap3A_359 = vector.shape_cast %mul3A_354 : vector<16xf32> to vector<1x16xf32>
          tpu.vector_store %arg9[%swap3A_355, %swap3A_356], %swap3A_359 {strides = array<i32>} : memref<448x128xf32, #tpu.memory_space<vmem>>, vector<1x16xf32>,
          %get3A_360 = arith.index_cast %scan3A_283 : i32 to index
          %get3A_361 = arith.constant 112 : index
          %get3A_362 = tpu.vector_load %arg9[%get3A_360, %get3A_361] {strides = array<i32>} : memref<448x128xf32, #tpu.memory_space<vmem>>, vector<1x16xf32>,
          %get3A_363 = vector.shape_cast %get3A_362 : vector<1x16xf32> to vector<16xf32>
          %mul3A_364 = vector.broadcast %squeeze3A : f32 to vector<16xf32>
          %mul3A_365 = arith.mulf %get3A_363, %mul3A_364 : vector<16xf32>
          %swap3A_366 = arith.index_cast %scan3A_283 : i32 to index
          %swap3A_367 = arith.constant 112 : index
          %swap3A_368 = tpu.vector_load %arg9[%swap3A_366, %swap3A_367] {strides = array<i32>} : memref<448x128xf32, #tpu.memory_space<vmem>>, vector<1x16xf32>,
          %swap3A_369 = vector.shape_cast %swap3A_368 : vector<1x16xf32> to vector<16xf32>
          %swap3A_370 = vector.shape_cast %mul3A_365 : vector<16xf32> to vector<1x16xf32>
          tpu.vector_store %arg9[%swap3A_366, %swap3A_367], %swap3A_370 {strides = array<i32>} : memref<448x128xf32, #tpu.memory_space<vmem>>, vector<1x16xf32>,
        }
        %scan3A_268 = arith.constant 448 : i32
        %mul3A_269 = arith.constant 448 : i32
        %mul3A_270 = arith.muli %sub3A_217, %mul3A_269 : i32
        %add3A_271 = arith.constant 448 : i32
        %add3A_272 = arith.addi %mul3A_270, %add3A_271 : i32
        %le3A_273 = arith.constant 50000 : i32
        %le3A_274 = arith.cmpi sle, %add3A_272, %le3A_273 : i32
        %convert_element_type3A_275 = arith.extui %le3A_274 : i1 to i32
        %cond3A_276 = arith.constant 0 : i32
        %cond3A_277 = arith.cmpi ne, %convert_element_type3A_275, %cond3A_276 : i32
        scf.if %cond3A_277 {
          "tpu.region"() ({
            %run_scoped3A = tpu.sem_alloc : memref<!tpu.dma_semaphore, #tpu.memory_space<semaphore_mem>>
            %dma_start3A_283 = arith.constant 0 : i32
            %dma_start3A_284 = tpu.memref_slice %arg5[%mul3A_270, %dma_start3A_283] : memref<50000x128xf32, #tpu.memory_space<hbm>> -> memref<448x128xf32, #tpu.memory_space<hbm>>
            %dma_start3A_285 = arith.constant 0 : i32
            %dma_start3A_286 = tpu.memref_slice %arg5[%mul3A_270, %dma_start3A_285] : memref<50000x128xf32, #tpu.memory_space<hbm>> -> memref<448x128xf32, #tpu.memory_space<hbm>>
            tpu.enqueue_dma source(%arg9 : memref<448x128xf32, #tpu.memory_space<vmem>>) target(%dma_start3A_286 : memref<448x128xf32, #tpu.memory_space<hbm>>) target_semaphore(%run_scoped3A : memref<!tpu.dma_semaphore, #tpu.memory_space<semaphore_mem>>)
            %dma_wait3A_287 = arith.constant 0 : i32
            %dma_wait3A_288 = tpu.memref_slice %arg5[%mul3A_270, %dma_wait3A_287] : memref<50000x128xf32, #tpu.memory_space<hbm>> -> memref<448x128xf32, #tpu.memory_space<hbm>>
            %dma_wait3A_289 = arith.constant 0 : i32
            %dma_wait3A_290 = tpu.memref_slice %arg5[%mul3A_270, %dma_wait3A_289] : memref<50000x128xf32, #tpu.memory_space<hbm>> -> memref<448x128xf32, #tpu.memory_space<hbm>>
            tpu.wait_dma2 semaphore(%run_scoped3A : memref<!tpu.dma_semaphore, #tpu.memory_space<semaphore_mem>>) src(%arg9 : memref<448x128xf32, #tpu.memory_space<vmem>>) dst(%dma_wait3A_290 : memref<448x128xf32, #tpu.memory_space<hbm>>)
            tpu.yield
          }) : () -> ()
        } else {
        }
        %eq3A_278 = arith.constant 49728 : i32
        %eq3A_279 = arith.cmpi eq, %mul3A_270, %eq3A_278 : i32
        %convert_element_type3A_280 = arith.extui %eq3A_279 : i1 to i32
        %cond3A_281 = arith.constant 0 : i32
        %cond3A_282 = arith.cmpi ne, %convert_element_type3A_280, %cond3A_281 : i32
        scf.if %cond3A_282 {
          "tpu.region"() ({
            %run_scoped3A = tpu.sem_alloc : memref<!tpu.dma_semaphore, #tpu.memory_space<semaphore_mem>>
            %dma_start3A_283 = arith.constant 0 : i32
            %dma_start3A_284 = arith.constant 0 : i32
            %dma_start3A_285 = tpu.memref_slice %arg9[%dma_start3A_283, %dma_start3A_284] : memref<448x128xf32, #tpu.memory_space<vmem>> -> memref<272x128xf32, #tpu.memory_space<vmem>>
            %dma_start3A_286 = arith.constant 49728 : i32
            %dma_start3A_287 = arith.constant 0 : i32
            %dma_start3A_288 = tpu.memref_slice %arg5[%dma_start3A_286, %dma_start3A_287] : memref<50000x128xf32, #tpu.memory_space<hbm>> -> memref<272x128xf32, #tpu.memory_space<hbm>>
            %dma_start3A_289 = arith.constant 49728 : i32
            %dma_start3A_290 = arith.constant 0 : i32
            %dma_start3A_291 = tpu.memref_slice %arg5[%dma_start3A_289, %dma_start3A_290] : memref<50000x128xf32, #tpu.memory_space<hbm>> -> memref<272x128xf32, #tpu.memory_space<hbm>>
            %dma_start3A_292 = arith.constant 0 : i32
            %dma_start3A_293 = arith.constant 0 : i32
            %dma_start3A_294 = tpu.memref_slice %arg9[%dma_start3A_292, %dma_start3A_293] : memref<448x128xf32, #tpu.memory_space<vmem>> -> memref<272x128xf32, #tpu.memory_space<vmem>>
            tpu.enqueue_dma source(%dma_start3A_294 : memref<272x128xf32, #tpu.memory_space<vmem>>) target(%dma_start3A_291 : memref<272x128xf32, #tpu.memory_space<hbm>>) target_semaphore(%run_scoped3A : memref<!tpu.dma_semaphore, #tpu.memory_space<semaphore_mem>>)
            %dma_wait3A_295 = arith.constant 0 : i32
            %dma_wait3A_296 = arith.constant 0 : i32
            %dma_wait3A_297 = tpu.memref_slice %arg9[%dma_wait3A_295, %dma_wait3A_296] : memref<448x128xf32, #tpu.memory_space<vmem>> -> memref<272x128xf32, #tpu.memory_space<vmem>>
            %dma_wait3A_298 = arith.constant 49728 : i32
            %dma_wait3A_299 = arith.constant 0 : i32
            %dma_wait3A_300 = tpu.memref_slice %arg5[%dma_wait3A_298, %dma_wait3A_299] : memref<50000x128xf32, #tpu.memory_space<hbm>> -> memref<272x128xf32, #tpu.memory_space<hbm>>
            %dma_wait3A_301 = arith.constant 49728 : i32
            %dma_wait3A_302 = arith.constant 0 : i32
            %dma_wait3A_303 = tpu.memref_slice %arg5[%dma_wait3A_301, %dma_wait3A_302] : memref<50000x128xf32, #tpu.memory_space<hbm>> -> memref<272x128xf32, #tpu.memory_space<hbm>>
            %dma_wait3A_304 = arith.constant 0 : i32
            %dma_wait3A_305 = arith.constant 0 : i32
            %dma_wait3A_306 = tpu.memref_slice %arg9[%dma_wait3A_304, %dma_wait3A_305] : memref<448x128xf32, #tpu.memory_space<vmem>> -> memref<272x128xf32, #tpu.memory_space<vmem>>
            tpu.wait_dma2 semaphore(%run_scoped3A : memref<!tpu.dma_semaphore, #tpu.memory_space<semaphore_mem>>) src(%dma_wait3A_306 : memref<272x128xf32, #tpu.memory_space<vmem>>) dst(%dma_wait3A_303 : memref<272x128xf32, #tpu.memory_space<hbm>>)
            tpu.yield
          }) : () -> ()
        } else {
        }
      } else {
      }
      %add3A_149 = arith.addi %select_n3A_21, %select_n3A_11 : i32
      %sub3A_150 = arith.constant 1 : i32
      %sub3A_151 = arith.subi %add3A_149, %sub3A_150 : i32
      %dma_wait3A_152 = arith.constant 448 : i32
      %dma_wait3A_153 = tpu.memref_slice %arg6[%dma_wait3A_152] : memref<4480xi32, #tpu.memory_space<vmem>> -> memref<448xi32, #tpu.memory_space<vmem>>
      %dma_wait3A_154 = arith.constant 0 : i32
      %dma_wait3A_155 = arith.constant 0 : i32
      %dma_wait3A_156 = tpu.memref_slice %arg3[%dma_wait3A_154, %dma_wait3A_155] : memref<100000x128xf32, #tpu.memory_space<hbm>> -> memref<100000x128xf32, #tpu.memory_space<hbm>>
      tpu.wait_indirect_dma semaphore(%arg12 : memref<!tpu.dma_semaphore, #tpu.memory_space<semaphore_mem>>) src(%dma_wait3A_156 : memref<100000x128xf32, #tpu.memory_space<hbm>>) dst(%arg8 : memref<448x128xf32, #tpu.memory_space<vmem>>)
      %dma_wait3A_157 = arith.constant 896 : i32
      %dma_wait3A_158 = tpu.memref_slice %arg6[%dma_wait3A_157] : memref<4480xi32, #tpu.memory_space<vmem>> -> memref<448xi32, #tpu.memory_space<vmem>>
      %dma_wait3A_159 = arith.constant 0 : i32
      %dma_wait3A_160 = arith.constant 0 : i32
      %dma_wait3A_161 = tpu.memref_slice %arg3[%dma_wait3A_159, %dma_wait3A_160] : memref<100000x128xf32, #tpu.memory_space<hbm>> -> memref<100000x128xf32, #tpu.memory_space<hbm>>
      tpu.wait_indirect_dma semaphore(%arg12 : memref<!tpu.dma_semaphore, #tpu.memory_space<semaphore_mem>>) src(%dma_wait3A_161 : memref<100000x128xf32, #tpu.memory_space<hbm>>) dst(%arg8 : memref<448x128xf32, #tpu.memory_space<vmem>>)
      %dma_wait3A_162 = arith.constant 1344 : i32
      %dma_wait3A_163 = tpu.memref_slice %arg6[%dma_wait3A_162] : memref<4480xi32, #tpu.memory_space<vmem>> -> memref<448xi32, #tpu.memory_space<vmem>>
      %dma_wait3A_164 = arith.constant 0 : i32
      %dma_wait3A_165 = arith.constant 0 : i32
      %dma_wait3A_166 = tpu.memref_slice %arg3[%dma_wait3A_164, %dma_wait3A_165] : memref<100000x128xf32, #tpu.memory_space<hbm>> -> memref<100000x128xf32, #tpu.memory_space<hbm>>
      tpu.wait_indirect_dma semaphore(%arg12 : memref<!tpu.dma_semaphore, #tpu.memory_space<semaphore_mem>>) src(%dma_wait3A_166 : memref<100000x128xf32, #tpu.memory_space<hbm>>) dst(%arg8 : memref<448x128xf32, #tpu.memory_space<vmem>>)
      %dma_wait3A_167 = arith.constant 1792 : i32
      %dma_wait3A_168 = tpu.memref_slice %arg6[%dma_wait3A_167] : memref<4480xi32, #tpu.memory_space<vmem>> -> memref<448xi32, #tpu.memory_space<vmem>>
      %dma_wait3A_169 = arith.constant 0 : i32
      %dma_wait3A_170 = arith.constant 0 : i32
      %dma_wait3A_171 = tpu.memref_slice %arg3[%dma_wait3A_169, %dma_wait3A_170] : memref<100000x128xf32, #tpu.memory_space<hbm>> -> memref<100000x128xf32, #tpu.memory_space<hbm>>
      tpu.wait_indirect_dma semaphore(%arg12 : memref<!tpu.dma_semaphore, #tpu.memory_space<semaphore_mem>>) src(%dma_wait3A_171 : memref<100000x128xf32, #tpu.memory_space<hbm>>) dst(%arg8 : memref<448x128xf32, #tpu.memory_space<vmem>>)
      %dma_wait3A_172 = arith.constant 2240 : i32
      %dma_wait3A_173 = tpu.memref_slice %arg6[%dma_wait3A_172] : memref<4480xi32, #tpu.memory_space<vmem>> -> memref<448xi32, #tpu.memory_space<vmem>>
      %dma_wait3A_174 = arith.constant 0 : i32
      %dma_wait3A_175 = arith.constant 0 : i32
      %dma_wait3A_176 = tpu.memref_slice %arg3[%dma_wait3A_174, %dma_wait3A_175] : memref<100000x128xf32, #tpu.memory_space<hbm>> -> memref<100000x128xf32, #tpu.memory_space<hbm>>
      tpu.wait_indirect_dma semaphore(%arg12 : memref<!tpu.dma_semaphore, #tpu.memory_space<semaphore_mem>>) src(%dma_wait3A_176 : memref<100000x128xf32, #tpu.memory_space<hbm>>) dst(%arg8 : memref<448x128xf32, #tpu.memory_space<vmem>>)
      %dma_wait3A_177 = arith.constant 2688 : i32
      %dma_wait3A_178 = tpu.memref_slice %arg6[%dma_wait3A_177] : memref<4480xi32, #tpu.memory_space<vmem>> -> memref<448xi32, #tpu.memory_space<vmem>>
      %dma_wait3A_179 = arith.constant 0 : i32
      %dma_wait3A_180 = arith.constant 0 : i32
      %dma_wait3A_181 = tpu.memref_slice %arg3[%dma_wait3A_179, %dma_wait3A_180] : memref<100000x128xf32, #tpu.memory_space<hbm>> -> memref<100000x128xf32, #tpu.memory_space<hbm>>
      tpu.wait_indirect_dma semaphore(%arg12 : memref<!tpu.dma_semaphore, #tpu.memory_space<semaphore_mem>>) src(%dma_wait3A_181 : memref<100000x128xf32, #tpu.memory_space<hbm>>) dst(%arg8 : memref<448x128xf32, #tpu.memory_space<vmem>>)
      %dma_wait3A_182 = arith.constant 3136 : i32
      %dma_wait3A_183 = tpu.memref_slice %arg6[%dma_wait3A_182] : memref<4480xi32, #tpu.memory_space<vmem>> -> memref<448xi32, #tpu.memory_space<vmem>>
      %dma_wait3A_184 = arith.constant 0 : i32
      %dma_wait3A_185 = arith.constant 0 : i32
      %dma_wait3A_186 = tpu.memref_slice %arg3[%dma_wait3A_184, %dma_wait3A_185] : memref<100000x128xf32, #tpu.memory_space<hbm>> -> memref<100000x128xf32, #tpu.memory_space<hbm>>
      tpu.wait_indirect_dma semaphore(%arg12 : memref<!tpu.dma_semaphore, #tpu.memory_space<semaphore_mem>>) src(%dma_wait3A_186 : memref<100000x128xf32, #tpu.memory_space<hbm>>) dst(%arg8 : memref<448x128xf32, #tpu.memory_space<vmem>>)
      %dma_wait3A_187 = arith.constant 3584 : i32
      %dma_wait3A_188 = tpu.memref_slice %arg6[%dma_wait3A_187] : memref<4480xi32, #tpu.memory_space<vmem>> -> memref<448xi32, #tpu.memory_space<vmem>>
      %dma_wait3A_189 = arith.constant 0 : i32
      %dma_wait3A_190 = arith.constant 0 : i32
      %dma_wait3A_191 = tpu.memref_slice %arg3[%dma_wait3A_189, %dma_wait3A_190] : memref<100000x128xf32, #tpu.memory_space<hbm>> -> memref<100000x128xf32, #tpu.memory_space<hbm>>
      tpu.wait_indirect_dma semaphore(%arg12 : memref<!tpu.dma_semaphore, #tpu.memory_space<semaphore_mem>>) src(%dma_wait3A_191 : memref<100000x128xf32, #tpu.memory_space<hbm>>) dst(%arg8 : memref<448x128xf32, #tpu.memory_space<vmem>>)
      %dma_wait3A_192 = arith.constant 4032 : i32
      %dma_wait3A_193 = tpu.memref_slice %arg6[%dma_wait3A_192] : memref<4480xi32, #tpu.memory_space<vmem>> -> memref<448xi32, #tpu.memory_space<vmem>>
      %dma_wait3A_194 = arith.constant 0 : i32
      %dma_wait3A_195 = arith.constant 0 : i32
      %dma_wait3A_196 = tpu.memref_slice %arg3[%dma_wait3A_194, %dma_wait3A_195] : memref<100000x128xf32, #tpu.memory_space<hbm>> -> memref<100000x128xf32, #tpu.memory_space<hbm>>
      tpu.wait_indirect_dma semaphore(%arg12 : memref<!tpu.dma_semaphore, #tpu.memory_space<semaphore_mem>>) src(%dma_wait3A_196 : memref<100000x128xf32, #tpu.memory_space<hbm>>) dst(%arg8 : memref<448x128xf32, #tpu.memory_space<vmem>>)
      %scan3A = arith.constant 0 : i32
      %scan3A_197 = arith.constant 0 : i32
      %scan3A_198 = arith.constant 448 : i32
      %scan3A_199 = arith.addi %scan3A_197, %scan3A_198 : i32
      %scan3A_200 = arith.constant 1 : i32
      scf.for %scan3A_215 = %scan3A_197 to %scan3A_199 step %scan3A_200  : i32 {
        %get3A_216 = arith.index_cast %scan3A_215 : i32 to index
        %get3A_217 = arith.constant 0 : index
        %get3A_218 = tpu.vector_load %arg8[%get3A_216, %get3A_217] {strides = array<i32>} : memref<448x128xf32, #tpu.memory_space<vmem>>, vector<1x16xf32>,
        %get3A_219 = vector.shape_cast %get3A_218 : vector<1x16xf32> to vector<16xf32>
        %mul3A_220 = vector.broadcast %squeeze3A : f32 to vector<16xf32>
        %mul3A_221 = arith.mulf %get3A_219, %mul3A_220 : vector<16xf32>
        %swap3A = arith.index_cast %scan3A_215 : i32 to index
        %swap3A_222 = arith.constant 0 : index
        %swap3A_223 = tpu.vector_load %arg8[%swap3A, %swap3A_222] {strides = array<i32>} : memref<448x128xf32, #tpu.memory_space<vmem>>, vector<1x16xf32>,
        %swap3A_224 = vector.shape_cast %swap3A_223 : vector<1x16xf32> to vector<16xf32>
        %swap3A_225 = vector.shape_cast %mul3A_221 : vector<16xf32> to vector<1x16xf32>
        tpu.vector_store %arg8[%swap3A, %swap3A_222], %swap3A_225 {strides = array<i32>} : memref<448x128xf32, #tpu.memory_space<vmem>>, vector<1x16xf32>,
        %get3A_226 = arith.index_cast %scan3A_215 : i32 to index
        %get3A_227 = arith.constant 16 : index
        %get3A_228 = tpu.vector_load %arg8[%get3A_226, %get3A_227] {strides = array<i32>} : memref<448x128xf32, #tpu.memory_space<vmem>>, vector<1x16xf32>,
        %get3A_229 = vector.shape_cast %get3A_228 : vector<1x16xf32> to vector<16xf32>
        %mul3A_230 = vector.broadcast %squeeze3A : f32 to vector<16xf32>
        %mul3A_231 = arith.mulf %get3A_229, %mul3A_230 : vector<16xf32>
        %swap3A_232 = arith.index_cast %scan3A_215 : i32 to index
        %swap3A_233 = arith.constant 16 : index
        %swap3A_234 = tpu.vector_load %arg8[%swap3A_232, %swap3A_233] {strides = array<i32>} : memref<448x128xf32, #tpu.memory_space<vmem>>, vector<1x16xf32>,
        %swap3A_235 = vector.shape_cast %swap3A_234 : vector<1x16xf32> to vector<16xf32>
        %swap3A_236 = vector.shape_cast %mul3A_231 : vector<16xf32> to vector<1x16xf32>
        tpu.vector_store %arg8[%swap3A_232, %swap3A_233], %swap3A_236 {strides = array<i32>} : memref<448x128xf32, #tpu.memory_space<vmem>>, vector<1x16xf32>,
        %get3A_237 = arith.index_cast %scan3A_215 : i32 to index
        %get3A_238 = arith.constant 32 : index
        %get3A_239 = tpu.vector_load %arg8[%get3A_237, %get3A_238] {strides = array<i32>} : memref<448x128xf32, #tpu.memory_space<vmem>>, vector<1x16xf32>,
        %get3A_240 = vector.shape_cast %get3A_239 : vector<1x16xf32> to vector<16xf32>
        %mul3A_241 = vector.broadcast %squeeze3A : f32 to vector<16xf32>
        %mul3A_242 = arith.mulf %get3A_240, %mul3A_241 : vector<16xf32>
        %swap3A_243 = arith.index_cast %scan3A_215 : i32 to index
        %swap3A_244 = arith.constant 32 : index
        %swap3A_245 = tpu.vector_load %arg8[%swap3A_243, %swap3A_244] {strides = array<i32>} : memref<448x128xf32, #tpu.memory_space<vmem>>, vector<1x16xf32>,
        %swap3A_246 = vector.shape_cast %swap3A_245 : vector<1x16xf32> to vector<16xf32>
        %swap3A_247 = vector.shape_cast %mul3A_242 : vector<16xf32> to vector<1x16xf32>
        tpu.vector_store %arg8[%swap3A_243, %swap3A_244], %swap3A_247 {strides = array<i32>} : memref<448x128xf32, #tpu.memory_space<vmem>>, vector<1x16xf32>,
        %get3A_248 = arith.index_cast %scan3A_215 : i32 to index
        %get3A_249 = arith.constant 48 : index
        %get3A_250 = tpu.vector_load %arg8[%get3A_248, %get3A_249] {strides = array<i32>} : memref<448x128xf32, #tpu.memory_space<vmem>>, vector<1x16xf32>,
        %get3A_251 = vector.shape_cast %get3A_250 : vector<1x16xf32> to vector<16xf32>
        %mul3A_252 = vector.broadcast %squeeze3A : f32 to vector<16xf32>
        %mul3A_253 = arith.mulf %get3A_251, %mul3A_252 : vector<16xf32>
        %swap3A_254 = arith.index_cast %scan3A_215 : i32 to index
        %swap3A_255 = arith.constant 48 : index
        %swap3A_256 = tpu.vector_load %arg8[%swap3A_254, %swap3A_255] {strides = array<i32>} : memref<448x128xf32, #tpu.memory_space<vmem>>, vector<1x16xf32>,
        %swap3A_257 = vector.shape_cast %swap3A_256 : vector<1x16xf32> to vector<16xf32>
        %swap3A_258 = vector.shape_cast %mul3A_253 : vector<16xf32> to vector<1x16xf32>
        tpu.vector_store %arg8[%swap3A_254, %swap3A_255], %swap3A_258 {strides = array<i32>} : memref<448x128xf32, #tpu.memory_space<vmem>>, vector<1x16xf32>,
        %get3A_259 = arith.index_cast %scan3A_215 : i32 to index
        %get3A_260 = arith.constant 64 : index
        %get3A_261 = tpu.vector_load %arg8[%get3A_259, %get3A_260] {strides = array<i32>} : memref<448x128xf32, #tpu.memory_space<vmem>>, vector<1x16xf32>,
        %get3A_262 = vector.shape_cast %get3A_261 : vector<1x16xf32> to vector<16xf32>
        %mul3A_263 = vector.broadcast %squeeze3A : f32 to vector<16xf32>
        %mul3A_264 = arith.mulf %get3A_262, %mul3A_263 : vector<16xf32>
        %swap3A_265 = arith.index_cast %scan3A_215 : i32 to index
        %swap3A_266 = arith.constant 64 : index
        %swap3A_267 = tpu.vector_load %arg8[%swap3A_265, %swap3A_266] {strides = array<i32>} : memref<448x128xf32, #tpu.memory_space<vmem>>, vector<1x16xf32>,
        %swap3A_268 = vector.shape_cast %swap3A_267 : vector<1x16xf32> to vector<16xf32>
        %swap3A_269 = vector.shape_cast %mul3A_264 : vector<16xf32> to vector<1x16xf32>
        tpu.vector_store %arg8[%swap3A_265, %swap3A_266], %swap3A_269 {strides = array<i32>} : memref<448x128xf32, #tpu.memory_space<vmem>>, vector<1x16xf32>,
        %get3A_270 = arith.index_cast %scan3A_215 : i32 to index
        %get3A_271 = arith.constant 80 : index
        %get3A_272 = tpu.vector_load %arg8[%get3A_270, %get3A_271] {strides = array<i32>} : memref<448x128xf32, #tpu.memory_space<vmem>>, vector<1x16xf32>,
        %get3A_273 = vector.shape_cast %get3A_272 : vector<1x16xf32> to vector<16xf32>
        %mul3A_274 = vector.broadcast %squeeze3A : f32 to vector<16xf32>
        %mul3A_275 = arith.mulf %get3A_273, %mul3A_274 : vector<16xf32>
        %swap3A_276 = arith.index_cast %scan3A_215 : i32 to index
        %swap3A_277 = arith.constant 80 : index
        %swap3A_278 = tpu.vector_load %arg8[%swap3A_276, %swap3A_277] {strides = array<i32>} : memref<448x128xf32, #tpu.memory_space<vmem>>, vector<1x16xf32>,
        %swap3A_279 = vector.shape_cast %swap3A_278 : vector<1x16xf32> to vector<16xf32>
        %swap3A_280 = vector.shape_cast %mul3A_275 : vector<16xf32> to vector<1x16xf32>
        tpu.vector_store %arg8[%swap3A_276, %swap3A_277], %swap3A_280 {strides = array<i32>} : memref<448x128xf32, #tpu.memory_space<vmem>>, vector<1x16xf32>,
        %get3A_281 = arith.index_cast %scan3A_215 : i32 to index
        %get3A_282 = arith.constant 96 : index
        %get3A_283 = tpu.vector_load %arg8[%get3A_281, %get3A_282] {strides = array<i32>} : memref<448x128xf32, #tpu.memory_space<vmem>>, vector<1x16xf32>,
        %get3A_284 = vector.shape_cast %get3A_283 : vector<1x16xf32> to vector<16xf32>
        %mul3A_285 = vector.broadcast %squeeze3A : f32 to vector<16xf32>
        %mul3A_286 = arith.mulf %get3A_284, %mul3A_285 : vector<16xf32>
        %swap3A_287 = arith.index_cast %scan3A_215 : i32 to index
        %swap3A_288 = arith.constant 96 : index
        %swap3A_289 = tpu.vector_load %arg8[%swap3A_287, %swap3A_288] {strides = array<i32>} : memref<448x128xf32, #tpu.memory_space<vmem>>, vector<1x16xf32>,
        %swap3A_290 = vector.shape_cast %swap3A_289 : vector<1x16xf32> to vector<16xf32>
        %swap3A_291 = vector.shape_cast %mul3A_286 : vector<16xf32> to vector<1x16xf32>
        tpu.vector_store %arg8[%swap3A_287, %swap3A_288], %swap3A_291 {strides = array<i32>} : memref<448x128xf32, #tpu.memory_space<vmem>>, vector<1x16xf32>,
        %get3A_292 = arith.index_cast %scan3A_215 : i32 to index
        %get3A_293 = arith.constant 112 : index
        %get3A_294 = tpu.vector_load %arg8[%get3A_292, %get3A_293] {strides = array<i32>} : memref<448x128xf32, #tpu.memory_space<vmem>>, vector<1x16xf32>,
        %get3A_295 = vector.shape_cast %get3A_294 : vector<1x16xf32> to vector<16xf32>
        %mul3A_296 = vector.broadcast %squeeze3A : f32 to vector<16xf32>
        %mul3A_297 = arith.mulf %get3A_295, %mul3A_296 : vector<16xf32>
        %swap3A_298 = arith.index_cast %scan3A_215 : i32 to index
        %swap3A_299 = arith.constant 112 : index
        %swap3A_300 = tpu.vector_load %arg8[%swap3A_298, %swap3A_299] {strides = array<i32>} : memref<448x128xf32, #tpu.memory_space<vmem>>, vector<1x16xf32>,
        %swap3A_301 = vector.shape_cast %swap3A_300 : vector<1x16xf32> to vector<16xf32>
        %swap3A_302 = vector.shape_cast %mul3A_297 : vector<16xf32> to vector<1x16xf32>
        tpu.vector_store %arg8[%swap3A_298, %swap3A_299], %swap3A_302 {strides = array<i32>} : memref<448x128xf32, #tpu.memory_space<vmem>>, vector<1x16xf32>,
      }
      %scan3A_201 = arith.constant 448 : i32
      %mul3A_202 = arith.constant 448 : i32
      %mul3A_203 = arith.muli %sub3A_151, %mul3A_202 : i32
      %add3A_204 = arith.constant 448 : i32
      %add3A_205 = arith.addi %mul3A_203, %add3A_204 : i32
      %le3A = arith.constant 50000 : i32
      %le3A_206 = arith.cmpi sle, %add3A_205, %le3A : i32
      %convert_element_type3A_207 = arith.extui %le3A_206 : i1 to i32
      %cond3A_208 = arith.constant 0 : i32
      %cond3A_209 = arith.cmpi ne, %convert_element_type3A_207, %cond3A_208 : i32
      scf.if %cond3A_209 {
        "tpu.region"() ({
          %run_scoped3A = tpu.sem_alloc : memref<!tpu.dma_semaphore, #tpu.memory_space<semaphore_mem>>
          %dma_start3A_215 = arith.constant 0 : i32
          %dma_start3A_216 = tpu.memref_slice %arg5[%mul3A_203, %dma_start3A_215] : memref<50000x128xf32, #tpu.memory_space<hbm>> -> memref<448x128xf32, #tpu.memory_space<hbm>>
          %dma_start3A_217 = arith.constant 0 : i32
          %dma_start3A_218 = tpu.memref_slice %arg5[%mul3A_203, %dma_start3A_217] : memref<50000x128xf32, #tpu.memory_space<hbm>> -> memref<448x128xf32, #tpu.memory_space<hbm>>
          tpu.enqueue_dma source(%arg8 : memref<448x128xf32, #tpu.memory_space<vmem>>) target(%dma_start3A_218 : memref<448x128xf32, #tpu.memory_space<hbm>>) target_semaphore(%run_scoped3A : memref<!tpu.dma_semaphore, #tpu.memory_space<semaphore_mem>>)
          %dma_wait3A_219 = arith.constant 0 : i32
          %dma_wait3A_220 = tpu.memref_slice %arg5[%mul3A_203, %dma_wait3A_219] : memref<50000x128xf32, #tpu.memory_space<hbm>> -> memref<448x128xf32, #tpu.memory_space<hbm>>
          %dma_wait3A_221 = arith.constant 0 : i32
          %dma_wait3A_222 = tpu.memref_slice %arg5[%mul3A_203, %dma_wait3A_221] : memref<50000x128xf32, #tpu.memory_space<hbm>> -> memref<448x128xf32, #tpu.memory_space<hbm>>
          tpu.wait_dma2 semaphore(%run_scoped3A : memref<!tpu.dma_semaphore, #tpu.memory_space<semaphore_mem>>) src(%arg8 : memref<448x128xf32, #tpu.memory_space<vmem>>) dst(%dma_wait3A_222 : memref<448x128xf32, #tpu.memory_space<hbm>>)
          tpu.yield
        }) : () -> ()
      } else {
      }
      %eq3A_210 = arith.constant 49728 : i32
      %eq3A_211 = arith.cmpi eq, %mul3A_203, %eq3A_210 : i32
      %convert_element_type3A_212 = arith.extui %eq3A_211 : i1 to i32
      %cond3A_213 = arith.constant 0 : i32
      %cond3A_214 = arith.cmpi ne, %convert_element_type3A_212, %cond3A_213 : i32
      scf.if %cond3A_214 {
        "tpu.region"() ({
          %run_scoped3A = tpu.sem_alloc : memref<!tpu.dma_semaphore, #tpu.memory_space<semaphore_mem>>
          %dma_start3A_215 = arith.constant 0 : i32
          %dma_start3A_216 = arith.constant 0 : i32
          %dma_start3A_217 = tpu.memref_slice %arg8[%dma_start3A_215, %dma_start3A_216] : memref<448x128xf32, #tpu.memory_space<vmem>> -> memref<272x128xf32, #tpu.memory_space<vmem>>
          %dma_start3A_218 = arith.constant 49728 : i32
          %dma_start3A_219 = arith.constant 0 : i32
          %dma_start3A_220 = tpu.memref_slice %arg5[%dma_start3A_218, %dma_start3A_219] : memref<50000x128xf32, #tpu.memory_space<hbm>> -> memref<272x128xf32, #tpu.memory_space<hbm>>
          %dma_start3A_221 = arith.constant 49728 : i32
          %dma_start3A_222 = arith.constant 0 : i32
          %dma_start3A_223 = tpu.memref_slice %arg5[%dma_start3A_221, %dma_start3A_222] : memref<50000x128xf32, #tpu.memory_space<hbm>> -> memref<272x128xf32, #tpu.memory_space<hbm>>
          %dma_start3A_224 = arith.constant 0 : i32
          %dma_start3A_225 = arith.constant 0 : i32
          %dma_start3A_226 = tpu.memref_slice %arg8[%dma_start3A_224, %dma_start3A_225] : memref<448x128xf32, #tpu.memory_space<vmem>> -> memref<272x128xf32, #tpu.memory_space<vmem>>
          tpu.enqueue_dma source(%dma_start3A_226 : memref<272x128xf32, #tpu.memory_space<vmem>>) target(%dma_start3A_223 : memref<272x128xf32, #tpu.memory_space<hbm>>) target_semaphore(%run_scoped3A : memref<!tpu.dma_semaphore, #tpu.memory_space<semaphore_mem>>)
          %dma_wait3A_227 = arith.constant 0 : i32
          %dma_wait3A_228 = arith.constant 0 : i32
          %dma_wait3A_229 = tpu.memref_slice %arg8[%dma_wait3A_227, %dma_wait3A_228] : memref<448x128xf32, #tpu.memory_space<vmem>> -> memref<272x128xf32, #tpu.memory_space<vmem>>
          %dma_wait3A_230 = arith.constant 49728 : i32
          %dma_wait3A_231 = arith.constant 0 : i32
          %dma_wait3A_232 = tpu.memref_slice %arg5[%dma_wait3A_230, %dma_wait3A_231] : memref<50000x128xf32, #tpu.memory_space<hbm>> -> memref<272x128xf32, #tpu.memory_space<hbm>>
          %dma_wait3A_233 = arith.constant 49728 : i32
          %dma_wait3A_234 = arith.constant 0 : i32
          %dma_wait3A_235 = tpu.memref_slice %arg5[%dma_wait3A_233, %dma_wait3A_234] : memref<50000x128xf32, #tpu.memory_space<hbm>> -> memref<272x128xf32, #tpu.memory_space<hbm>>
          %dma_wait3A_236 = arith.constant 0 : i32
          %dma_wait3A_237 = arith.constant 0 : i32
          %dma_wait3A_238 = tpu.memref_slice %arg8[%dma_wait3A_236, %dma_wait3A_237] : memref<448x128xf32, #tpu.memory_space<vmem>> -> memref<272x128xf32, #tpu.memory_space<vmem>>
          tpu.wait_dma2 semaphore(%run_scoped3A : memref<!tpu.dma_semaphore, #tpu.memory_space<semaphore_mem>>) src(%dma_wait3A_238 : memref<272x128xf32, #tpu.memory_space<vmem>>) dst(%dma_wait3A_235 : memref<272x128xf32, #tpu.memory_space<hbm>>)
          tpu.yield
        }) : () -> ()
      } else {
      }
    } else {
    }
    %jit3A_72 = arith.constant 2 : i32
    %eq3A_73 = arith.constant 0 : i32
    %eq3A_74 = arith.cmpi eq, %jit3A_72, %eq3A_73 : i32
    %jit3A_75 = arith.constant 1 : i32
    %select_n3A_76 = arith.select %eq3A_74, %jit3A_75, %jit3A_72 : i32
    %rem3A_77 = arith.remsi %select_n3A_11, %select_n3A_76 : i32
    %ne3A_78 = arith.constant 0 : i32
    %ne3A_79 = arith.cmpi ne, %rem3A_77, %ne3A_78 : i32
    %lt3A_80 = arith.constant 0 : i32
    %lt3A_81 = arith.cmpi slt, %rem3A_77, %lt3A_80 : i32
    %lt3A_82 = arith.constant 0 : i32
    %lt3A_83 = arith.cmpi slt, %select_n3A_76, %lt3A_82 : i32
    %ne3A_84 = arith.xori %lt3A_81, %lt3A_83 : i1
    %and3A_85 = arith.andi %ne3A_84, %ne3A_79 : i1
    %add3A_86 = arith.addi %rem3A_77, %select_n3A_76 : i32
    %select_n3A_87 = arith.select %and3A_85, %add3A_86, %rem3A_77 : i32
    %eq3A_88 = arith.constant 0 : i32
    %eq3A_89 = arith.cmpi eq, %select_n3A_87, %eq3A_88 : i32
    %gt3A_90 = arith.constant 0 : i32
    %gt3A_91 = arith.cmpi sgt, %select_n3A_11, %gt3A_90 : i32
    %and3A_92 = arith.andi %eq3A_89, %gt3A_91 : i1
    %convert_element_type3A_93 = arith.extui %and3A_92 : i1 to i32
    %cond3A_94 = arith.constant 0 : i32
    %cond3A_95 = arith.cmpi ne, %convert_element_type3A_93, %cond3A_94 : i32
    scf.if %cond3A_95 {
      %add3A_96 = arith.addi %select_n3A_21, %select_n3A_11 : i32
      %sub3A_97 = arith.constant 1 : i32
      %sub3A_98 = arith.subi %add3A_96, %sub3A_97 : i32
      %dma_wait3A = arith.constant 448 : i32
      %dma_wait3A_99 = tpu.memref_slice %arg7[%dma_wait3A] : memref<4480xi32, #tpu.memory_space<vmem>> -> memref<448xi32, #tpu.memory_space<vmem>>
      %dma_wait3A_100 = arith.constant 0 : i32
      %dma_wait3A_101 = arith.constant 0 : i32
      %dma_wait3A_102 = tpu.memref_slice %arg3[%dma_wait3A_100, %dma_wait3A_101] : memref<100000x128xf32, #tpu.memory_space<hbm>> -> memref<100000x128xf32, #tpu.memory_space<hbm>>
      tpu.wait_indirect_dma semaphore(%arg13 : memref<!tpu.dma_semaphore, #tpu.memory_space<semaphore_mem>>) src(%dma_wait3A_102 : memref<100000x128xf32, #tpu.memory_space<hbm>>) dst(%arg9 : memref<448x128xf32, #tpu.memory_space<vmem>>)
      %dma_wait3A_103 = arith.constant 896 : i32
      %dma_wait3A_104 = tpu.memref_slice %arg7[%dma_wait3A_103] : memref<4480xi32, #tpu.memory_space<vmem>> -> memref<448xi32, #tpu.memory_space<vmem>>
      %dma_wait3A_105 = arith.constant 0 : i32
      %dma_wait3A_106 = arith.constant 0 : i32
      %dma_wait3A_107 = tpu.memref_slice %arg3[%dma_wait3A_105, %dma_wait3A_106] : memref<100000x128xf32, #tpu.memory_space<hbm>> -> memref<100000x128xf32, #tpu.memory_space<hbm>>
      tpu.wait_indirect_dma semaphore(%arg13 : memref<!tpu.dma_semaphore, #tpu.memory_space<semaphore_mem>>) src(%dma_wait3A_107 : memref<100000x128xf32, #tpu.memory_space<hbm>>) dst(%arg9 : memref<448x128xf32, #tpu.memory_space<vmem>>)
      %dma_wait3A_108 = arith.constant 1344 : i32
      %dma_wait3A_109 = tpu.memref_slice %arg7[%dma_wait3A_108] : memref<4480xi32, #tpu.memory_space<vmem>> -> memref<448xi32, #tpu.memory_space<vmem>>
      %dma_wait3A_110 = arith.constant 0 : i32
      %dma_wait3A_111 = arith.constant 0 : i32
      %dma_wait3A_112 = tpu.memref_slice %arg3[%dma_wait3A_110, %dma_wait3A_111] : memref<100000x128xf32, #tpu.memory_space<hbm>> -> memref<100000x128xf32, #tpu.memory_space<hbm>>
      tpu.wait_indirect_dma semaphore(%arg13 : memref<!tpu.dma_semaphore, #tpu.memory_space<semaphore_mem>>) src(%dma_wait3A_112 : memref<100000x128xf32, #tpu.memory_space<hbm>>) dst(%arg9 : memref<448x128xf32, #tpu.memory_space<vmem>>)
      %dma_wait3A_113 = arith.constant 1792 : i32
      %dma_wait3A_114 = tpu.memref_slice %arg7[%dma_wait3A_113] : memref<4480xi32, #tpu.memory_space<vmem>> -> memref<448xi32, #tpu.memory_space<vmem>>
      %dma_wait3A_115 = arith.constant 0 : i32
      %dma_wait3A_116 = arith.constant 0 : i32
      %dma_wait3A_117 = tpu.memref_slice %arg3[%dma_wait3A_115, %dma_wait3A_116] : memref<100000x128xf32, #tpu.memory_space<hbm>> -> memref<100000x128xf32, #tpu.memory_space<hbm>>
      tpu.wait_indirect_dma semaphore(%arg13 : memref<!tpu.dma_semaphore, #tpu.memory_space<semaphore_mem>>) src(%dma_wait3A_117 : memref<100000x128xf32, #tpu.memory_space<hbm>>) dst(%arg9 : memref<448x128xf32, #tpu.memory_space<vmem>>)
      %dma_wait3A_118 = arith.constant 2240 : i32
      %dma_wait3A_119 = tpu.memref_slice %arg7[%dma_wait3A_118] : memref<4480xi32, #tpu.memory_space<vmem>> -> memref<448xi32, #tpu.memory_space<vmem>>
      %dma_wait3A_120 = arith.constant 0 : i32
      %dma_wait3A_121 = arith.constant 0 : i32
      %dma_wait3A_122 = tpu.memref_slice %arg3[%dma_wait3A_120, %dma_wait3A_121] : memref<100000x128xf32, #tpu.memory_space<hbm>> -> memref<100000x128xf32, #tpu.memory_space<hbm>>
      tpu.wait_indirect_dma semaphore(%arg13 : memref<!tpu.dma_semaphore, #tpu.memory_space<semaphore_mem>>) src(%dma_wait3A_122 : memref<100000x128xf32, #tpu.memory_space<hbm>>) dst(%arg9 : memref<448x128xf32, #tpu.memory_space<vmem>>)
      %dma_wait3A_123 = arith.constant 2688 : i32
      %dma_wait3A_124 = tpu.memref_slice %arg7[%dma_wait3A_123] : memref<4480xi32, #tpu.memory_space<vmem>> -> memref<448xi32, #tpu.memory_space<vmem>>
      %dma_wait3A_125 = arith.constant 0 : i32
      %dma_wait3A_126 = arith.constant 0 : i32
      %dma_wait3A_127 = tpu.memref_slice %arg3[%dma_wait3A_125, %dma_wait3A_126] : memref<100000x128xf32, #tpu.memory_space<hbm>> -> memref<100000x128xf32, #tpu.memory_space<hbm>>
      tpu.wait_indirect_dma semaphore(%arg13 : memref<!tpu.dma_semaphore, #tpu.memory_space<semaphore_mem>>) src(%dma_wait3A_127 : memref<100000x128xf32, #tpu.memory_space<hbm>>) dst(%arg9 : memref<448x128xf32, #tpu.memory_space<vmem>>)
      %dma_wait3A_128 = arith.constant 3136 : i32
      %dma_wait3A_129 = tpu.memref_slice %arg7[%dma_wait3A_128] : memref<4480xi32, #tpu.memory_space<vmem>> -> memref<448xi32, #tpu.memory_space<vmem>>
      %dma_wait3A_130 = arith.constant 0 : i32
      %dma_wait3A_131 = arith.constant 0 : i32
      %dma_wait3A_132 = tpu.memref_slice %arg3[%dma_wait3A_130, %dma_wait3A_131] : memref<100000x128xf32, #tpu.memory_space<hbm>> -> memref<100000x128xf32, #tpu.memory_space<hbm>>
      tpu.wait_indirect_dma semaphore(%arg13 : memref<!tpu.dma_semaphore, #tpu.memory_space<semaphore_mem>>) src(%dma_wait3A_132 : memref<100000x128xf32, #tpu.memory_space<hbm>>) dst(%arg9 : memref<448x128xf32, #tpu.memory_space<vmem>>)
      %dma_wait3A_133 = arith.constant 3584 : i32
      %dma_wait3A_134 = tpu.memref_slice %arg7[%dma_wait3A_133] : memref<4480xi32, #tpu.memory_space<vmem>> -> memref<448xi32, #tpu.memory_space<vmem>>
      %dma_wait3A_135 = arith.constant 0 : i32
      %dma_wait3A_136 = arith.constant 0 : i32
      %dma_wait3A_137 = tpu.memref_slice %arg3[%dma_wait3A_135, %dma_wait3A_136] : memref<100000x128xf32, #tpu.memory_space<hbm>> -> memref<100000x128xf32, #tpu.memory_space<hbm>>
      tpu.wait_indirect_dma semaphore(%arg13 : memref<!tpu.dma_semaphore, #tpu.memory_space<semaphore_mem>>) src(%dma_wait3A_137 : memref<100000x128xf32, #tpu.memory_space<hbm>>) dst(%arg9 : memref<448x128xf32, #tpu.memory_space<vmem>>)
      %dma_wait3A_138 = arith.constant 4032 : i32
      %dma_wait3A_139 = tpu.memref_slice %arg7[%dma_wait3A_138] : memref<4480xi32, #tpu.memory_space<vmem>> -> memref<448xi32, #tpu.memory_space<vmem>>
      %dma_wait3A_140 = arith.constant 0 : i32
      %dma_wait3A_141 = arith.constant 0 : i32
      %dma_wait3A_142 = tpu.memref_slice %arg3[%dma_wait3A_140, %dma_wait3A_141] : memref<100000x128xf32, #tpu.memory_space<hbm>> -> memref<100000x128xf32, #tpu.memory_space<hbm>>
      tpu.wait_indirect_dma semaphore(%arg13 : memref<!tpu.dma_semaphore, #tpu.memory_space<semaphore_mem>>) src(%dma_wait3A_142 : memref<100000x128xf32, #tpu.memory_space<hbm>>) dst(%arg9 : memref<448x128xf32, #tpu.memory_space<vmem>>)
      %scan3A = arith.constant 0 : i32
      %scan3A_143 = arith.constant 0 : i32
      %scan3A_144 = arith.constant 448 : i32
      %scan3A_145 = arith.addi %scan3A_143, %scan3A_144 : i32
      %scan3A_146 = arith.constant 1 : i32
      scf.for %scan3A_161 = %scan3A_143 to %scan3A_145 step %scan3A_146  : i32 {
        %get3A_162 = arith.index_cast %scan3A_161 : i32 to index
        %get3A_163 = arith.constant 0 : index
        %get3A_164 = tpu.vector_load %arg9[%get3A_162, %get3A_163] {strides = array<i32>} : memref<448x128xf32, #tpu.memory_space<vmem>>, vector<1x16xf32>,
        %get3A_165 = vector.shape_cast %get3A_164 : vector<1x16xf32> to vector<16xf32>
        %mul3A_166 = vector.broadcast %squeeze3A : f32 to vector<16xf32>
        %mul3A_167 = arith.mulf %get3A_165, %mul3A_166 : vector<16xf32>
        %swap3A = arith.index_cast %scan3A_161 : i32 to index
        %swap3A_168 = arith.constant 0 : index
        %swap3A_169 = tpu.vector_load %arg9[%swap3A, %swap3A_168] {strides = array<i32>} : memref<448x128xf32, #tpu.memory_space<vmem>>, vector<1x16xf32>,
        %swap3A_170 = vector.shape_cast %swap3A_169 : vector<1x16xf32> to vector<16xf32>
        %swap3A_171 = vector.shape_cast %mul3A_167 : vector<16xf32> to vector<1x16xf32>
        tpu.vector_store %arg9[%swap3A, %swap3A_168], %swap3A_171 {strides = array<i32>} : memref<448x128xf32, #tpu.memory_space<vmem>>, vector<1x16xf32>,
        %get3A_172 = arith.index_cast %scan3A_161 : i32 to index
        %get3A_173 = arith.constant 16 : index
        %get3A_174 = tpu.vector_load %arg9[%get3A_172, %get3A_173] {strides = array<i32>} : memref<448x128xf32, #tpu.memory_space<vmem>>, vector<1x16xf32>,
        %get3A_175 = vector.shape_cast %get3A_174 : vector<1x16xf32> to vector<16xf32>
        %mul3A_176 = vector.broadcast %squeeze3A : f32 to vector<16xf32>
        %mul3A_177 = arith.mulf %get3A_175, %mul3A_176 : vector<16xf32>
        %swap3A_178 = arith.index_cast %scan3A_161 : i32 to index
        %swap3A_179 = arith.constant 16 : index
        %swap3A_180 = tpu.vector_load %arg9[%swap3A_178, %swap3A_179] {strides = array<i32>} : memref<448x128xf32, #tpu.memory_space<vmem>>, vector<1x16xf32>,
        %swap3A_181 = vector.shape_cast %swap3A_180 : vector<1x16xf32> to vector<16xf32>
        %swap3A_182 = vector.shape_cast %mul3A_177 : vector<16xf32> to vector<1x16xf32>
        tpu.vector_store %arg9[%swap3A_178, %swap3A_179], %swap3A_182 {strides = array<i32>} : memref<448x128xf32, #tpu.memory_space<vmem>>, vector<1x16xf32>,
        %get3A_183 = arith.index_cast %scan3A_161 : i32 to index
        %get3A_184 = arith.constant 32 : index
        %get3A_185 = tpu.vector_load %arg9[%get3A_183, %get3A_184] {strides = array<i32>} : memref<448x128xf32, #tpu.memory_space<vmem>>, vector<1x16xf32>,
        %get3A_186 = vector.shape_cast %get3A_185 : vector<1x16xf32> to vector<16xf32>
        %mul3A_187 = vector.broadcast %squeeze3A : f32 to vector<16xf32>
        %mul3A_188 = arith.mulf %get3A_186, %mul3A_187 : vector<16xf32>
        %swap3A_189 = arith.index_cast %scan3A_161 : i32 to index
        %swap3A_190 = arith.constant 32 : index
        %swap3A_191 = tpu.vector_load %arg9[%swap3A_189, %swap3A_190] {strides = array<i32>} : memref<448x128xf32, #tpu.memory_space<vmem>>, vector<1x16xf32>,
        %swap3A_192 = vector.shape_cast %swap3A_191 : vector<1x16xf32> to vector<16xf32>
        %swap3A_193 = vector.shape_cast %mul3A_188 : vector<16xf32> to vector<1x16xf32>
        tpu.vector_store %arg9[%swap3A_189, %swap3A_190], %swap3A_193 {strides = array<i32>} : memref<448x128xf32, #tpu.memory_space<vmem>>, vector<1x16xf32>,
        %get3A_194 = arith.index_cast %scan3A_161 : i32 to index
        %get3A_195 = arith.constant 48 : index
        %get3A_196 = tpu.vector_load %arg9[%get3A_194, %get3A_195] {strides = array<i32>} : memref<448x128xf32, #tpu.memory_space<vmem>>, vector<1x16xf32>,
        %get3A_197 = vector.shape_cast %get3A_196 : vector<1x16xf32> to vector<16xf32>
        %mul3A_198 = vector.broadcast %squeeze3A : f32 to vector<16xf32>
        %mul3A_199 = arith.mulf %get3A_197, %mul3A_198 : vector<16xf32>
        %swap3A_200 = arith.index_cast %scan3A_161 : i32 to index
        %swap3A_201 = arith.constant 48 : index
        %swap3A_202 = tpu.vector_load %arg9[%swap3A_200, %swap3A_201] {strides = array<i32>} : memref<448x128xf32, #tpu.memory_space<vmem>>, vector<1x16xf32>,
        %swap3A_203 = vector.shape_cast %swap3A_202 : vector<1x16xf32> to vector<16xf32>
        %swap3A_204 = vector.shape_cast %mul3A_199 : vector<16xf32> to vector<1x16xf32>
        tpu.vector_store %arg9[%swap3A_200, %swap3A_201], %swap3A_204 {strides = array<i32>} : memref<448x128xf32, #tpu.memory_space<vmem>>, vector<1x16xf32>,
        %get3A_205 = arith.index_cast %scan3A_161 : i32 to index
        %get3A_206 = arith.constant 64 : index
        %get3A_207 = tpu.vector_load %arg9[%get3A_205, %get3A_206] {strides = array<i32>} : memref<448x128xf32, #tpu.memory_space<vmem>>, vector<1x16xf32>,
        %get3A_208 = vector.shape_cast %get3A_207 : vector<1x16xf32> to vector<16xf32>
        %mul3A_209 = vector.broadcast %squeeze3A : f32 to vector<16xf32>
        %mul3A_210 = arith.mulf %get3A_208, %mul3A_209 : vector<16xf32>
        %swap3A_211 = arith.index_cast %scan3A_161 : i32 to index
        %swap3A_212 = arith.constant 64 : index
        %swap3A_213 = tpu.vector_load %arg9[%swap3A_211, %swap3A_212] {strides = array<i32>} : memref<448x128xf32, #tpu.memory_space<vmem>>, vector<1x16xf32>,
        %swap3A_214 = vector.shape_cast %swap3A_213 : vector<1x16xf32> to vector<16xf32>
        %swap3A_215 = vector.shape_cast %mul3A_210 : vector<16xf32> to vector<1x16xf32>
        tpu.vector_store %arg9[%swap3A_211, %swap3A_212], %swap3A_215 {strides = array<i32>} : memref<448x128xf32, #tpu.memory_space<vmem>>, vector<1x16xf32>,
        %get3A_216 = arith.index_cast %scan3A_161 : i32 to index
        %get3A_217 = arith.constant 80 : index
        %get3A_218 = tpu.vector_load %arg9[%get3A_216, %get3A_217] {strides = array<i32>} : memref<448x128xf32, #tpu.memory_space<vmem>>, vector<1x16xf32>,
        %get3A_219 = vector.shape_cast %get3A_218 : vector<1x16xf32> to vector<16xf32>
        %mul3A_220 = vector.broadcast %squeeze3A : f32 to vector<16xf32>
        %mul3A_221 = arith.mulf %get3A_219, %mul3A_220 : vector<16xf32>
        %swap3A_222 = arith.index_cast %scan3A_161 : i32 to index
        %swap3A_223 = arith.constant 80 : index
        %swap3A_224 = tpu.vector_load %arg9[%swap3A_222, %swap3A_223] {strides = array<i32>} : memref<448x128xf32, #tpu.memory_space<vmem>>, vector<1x16xf32>,
        %swap3A_225 = vector.shape_cast %swap3A_224 : vector<1x16xf32> to vector<16xf32>
        %swap3A_226 = vector.shape_cast %mul3A_221 : vector<16xf32> to vector<1x16xf32>
        tpu.vector_store %arg9[%swap3A_222, %swap3A_223], %swap3A_226 {strides = array<i32>} : memref<448x128xf32, #tpu.memory_space<vmem>>, vector<1x16xf32>,
        %get3A_227 = arith.index_cast %scan3A_161 : i32 to index
        %get3A_228 = arith.constant 96 : index
        %get3A_229 = tpu.vector_load %arg9[%get3A_227, %get3A_228] {strides = array<i32>} : memref<448x128xf32, #tpu.memory_space<vmem>>, vector<1x16xf32>,
        %get3A_230 = vector.shape_cast %get3A_229 : vector<1x16xf32> to vector<16xf32>
        %mul3A_231 = vector.broadcast %squeeze3A : f32 to vector<16xf32>
        %mul3A_232 = arith.mulf %get3A_230, %mul3A_231 : vector<16xf32>
        %swap3A_233 = arith.index_cast %scan3A_161 : i32 to index
        %swap3A_234 = arith.constant 96 : index
        %swap3A_235 = tpu.vector_load %arg9[%swap3A_233, %swap3A_234] {strides = array<i32>} : memref<448x128xf32, #tpu.memory_space<vmem>>, vector<1x16xf32>,
        %swap3A_236 = vector.shape_cast %swap3A_235 : vector<1x16xf32> to vector<16xf32>
        %swap3A_237 = vector.shape_cast %mul3A_232 : vector<16xf32> to vector<1x16xf32>
        tpu.vector_store %arg9[%swap3A_233, %swap3A_234], %swap3A_237 {strides = array<i32>} : memref<448x128xf32, #tpu.memory_space<vmem>>, vector<1x16xf32>,
        %get3A_238 = arith.index_cast %scan3A_161 : i32 to index
        %get3A_239 = arith.constant 112 : index
        %get3A_240 = tpu.vector_load %arg9[%get3A_238, %get3A_239] {strides = array<i32>} : memref<448x128xf32, #tpu.memory_space<vmem>>, vector<1x16xf32>,
        %get3A_241 = vector.shape_cast %get3A_240 : vector<1x16xf32> to vector<16xf32>
        %mul3A_242 = vector.broadcast %squeeze3A : f32 to vector<16xf32>
        %mul3A_243 = arith.mulf %get3A_241, %mul3A_242 : vector<16xf32>
        %swap3A_244 = arith.index_cast %scan3A_161 : i32 to index
        %swap3A_245 = arith.constant 112 : index
        %swap3A_246 = tpu.vector_load %arg9[%swap3A_244, %swap3A_245] {strides = array<i32>} : memref<448x128xf32, #tpu.memory_space<vmem>>, vector<1x16xf32>,
        %swap3A_247 = vector.shape_cast %swap3A_246 : vector<1x16xf32> to vector<16xf32>
        %swap3A_248 = vector.shape_cast %mul3A_243 : vector<16xf32> to vector<1x16xf32>
        tpu.vector_store %arg9[%swap3A_244, %swap3A_245], %swap3A_248 {strides = array<i32>} : memref<448x128xf32, #tpu.memory_space<vmem>>, vector<1x16xf32>,
      }
      %scan3A_147 = arith.constant 448 : i32
      %mul3A_148 = arith.constant 448 : i32
      %mul3A_149 = arith.muli %sub3A_98, %mul3A_148 : i32
      %add3A_150 = arith.constant 448 : i32
      %add3A_151 = arith.addi %mul3A_149, %add3A_150 : i32
      %le3A = arith.constant 50000 : i32
      %le3A_152 = arith.cmpi sle, %add3A_151, %le3A : i32
      %convert_element_type3A_153 = arith.extui %le3A_152 : i1 to i32
      %cond3A_154 = arith.constant 0 : i32
      %cond3A_155 = arith.cmpi ne, %convert_element_type3A_153, %cond3A_154 : i32
      scf.if %cond3A_155 {
        "tpu.region"() ({
          %run_scoped3A = tpu.sem_alloc : memref<!tpu.dma_semaphore, #tpu.memory_space<semaphore_mem>>
          %dma_start3A = arith.constant 0 : i32
          %dma_start3A_161 = tpu.memref_slice %arg5[%mul3A_149, %dma_start3A] : memref<50000x128xf32, #tpu.memory_space<hbm>> -> memref<448x128xf32, #tpu.memory_space<hbm>>
          %dma_start3A_162 = arith.constant 0 : i32
          %dma_start3A_163 = tpu.memref_slice %arg5[%mul3A_149, %dma_start3A_162] : memref<50000x128xf32, #tpu.memory_space<hbm>> -> memref<448x128xf32, #tpu.memory_space<hbm>>
          tpu.enqueue_dma source(%arg9 : memref<448x128xf32, #tpu.memory_space<vmem>>) target(%dma_start3A_163 : memref<448x128xf32, #tpu.memory_space<hbm>>) target_semaphore(%run_scoped3A : memref<!tpu.dma_semaphore, #tpu.memory_space<semaphore_mem>>)
          %dma_wait3A_164 = arith.constant 0 : i32
          %dma_wait3A_165 = tpu.memref_slice %arg5[%mul3A_149, %dma_wait3A_164] : memref<50000x128xf32, #tpu.memory_space<hbm>> -> memref<448x128xf32, #tpu.memory_space<hbm>>
          %dma_wait3A_166 = arith.constant 0 : i32
          %dma_wait3A_167 = tpu.memref_slice %arg5[%mul3A_149, %dma_wait3A_166] : memref<50000x128xf32, #tpu.memory_space<hbm>> -> memref<448x128xf32, #tpu.memory_space<hbm>>
          tpu.wait_dma2 semaphore(%run_scoped3A : memref<!tpu.dma_semaphore, #tpu.memory_space<semaphore_mem>>) src(%arg9 : memref<448x128xf32, #tpu.memory_space<vmem>>) dst(%dma_wait3A_167 : memref<448x128xf32, #tpu.memory_space<hbm>>)
          tpu.yield
        }) : () -> ()
      } else {
      }
      %eq3A_156 = arith.constant 49728 : i32
      %eq3A_157 = arith.cmpi eq, %mul3A_149, %eq3A_156 : i32
      %convert_element_type3A_158 = arith.extui %eq3A_157 : i1 to i32
      %cond3A_159 = arith.constant 0 : i32
      %cond3A_160 = arith.cmpi ne, %convert_element_type3A_158, %cond3A_159 : i32
      scf.if %cond3A_160 {
        "tpu.region"() ({
          %run_scoped3A = tpu.sem_alloc : memref<!tpu.dma_semaphore, #tpu.memory_space<semaphore_mem>>
          %dma_start3A = arith.constant 0 : i32
          %dma_start3A_161 = arith.constant 0 : i32
          %dma_start3A_162 = tpu.memref_slice %arg9[%dma_start3A, %dma_start3A_161] : memref<448x128xf32, #tpu.memory_space<vmem>> -> memref<272x128xf32, #tpu.memory_space<vmem>>
          %dma_start3A_163 = arith.constant 49728 : i32
          %dma_start3A_164 = arith.constant 0 : i32
          %dma_start3A_165 = tpu.memref_slice %arg5[%dma_start3A_163, %dma_start3A_164] : memref<50000x128xf32, #tpu.memory_space<hbm>> -> memref<272x128xf32, #tpu.memory_space<hbm>>
          %dma_start3A_166 = arith.constant 49728 : i32
          %dma_start3A_167 = arith.constant 0 : i32
          %dma_start3A_168 = tpu.memref_slice %arg5[%dma_start3A_166, %dma_start3A_167] : memref<50000x128xf32, #tpu.memory_space<hbm>> -> memref<272x128xf32, #tpu.memory_space<hbm>>
          %dma_start3A_169 = arith.constant 0 : i32
          %dma_start3A_170 = arith.constant 0 : i32
          %dma_start3A_171 = tpu.memref_slice %arg9[%dma_start3A_169, %dma_start3A_170] : memref<448x128xf32, #tpu.memory_space<vmem>> -> memref<272x128xf32, #tpu.memory_space<vmem>>
          tpu.enqueue_dma source(%dma_start3A_171 : memref<272x128xf32, #tpu.memory_space<vmem>>) target(%dma_start3A_168 : memref<272x128xf32, #tpu.memory_space<hbm>>) target_semaphore(%run_scoped3A : memref<!tpu.dma_semaphore, #tpu.memory_space<semaphore_mem>>)
          %dma_wait3A_172 = arith.constant 0 : i32
          %dma_wait3A_173 = arith.constant 0 : i32
          %dma_wait3A_174 = tpu.memref_slice %arg9[%dma_wait3A_172, %dma_wait3A_173] : memref<448x128xf32, #tpu.memory_space<vmem>> -> memref<272x128xf32, #tpu.memory_space<vmem>>
          %dma_wait3A_175 = arith.constant 49728 : i32
          %dma_wait3A_176 = arith.constant 0 : i32
          %dma_wait3A_177 = tpu.memref_slice %arg5[%dma_wait3A_175, %dma_wait3A_176] : memref<50000x128xf32, #tpu.memory_space<hbm>> -> memref<272x128xf32, #tpu.memory_space<hbm>>
          %dma_wait3A_178 = arith.constant 49728 : i32
          %dma_wait3A_179 = arith.constant 0 : i32
          %dma_wait3A_180 = tpu.memref_slice %arg5[%dma_wait3A_178, %dma_wait3A_179] : memref<50000x128xf32, #tpu.memory_space<hbm>> -> memref<272x128xf32, #tpu.memory_space<hbm>>
          %dma_wait3A_181 = arith.constant 0 : i32
          %dma_wait3A_182 = arith.constant 0 : i32
          %dma_wait3A_183 = tpu.memref_slice %arg9[%dma_wait3A_181, %dma_wait3A_182] : memref<448x128xf32, #tpu.memory_space<vmem>> -> memref<272x128xf32, #tpu.memory_space<vmem>>
          tpu.wait_dma2 semaphore(%run_scoped3A : memref<!tpu.dma_semaphore, #tpu.memory_space<semaphore_mem>>) src(%dma_wait3A_183 : memref<272x128xf32, #tpu.memory_space<vmem>>) dst(%dma_wait3A_180 : memref<272x128xf32, #tpu.memory_space<hbm>>)
          tpu.yield
        }) : () -> ()
      } else {
      }
    } else {
    }
    return
  }
}

</mosaic_0001>

<sc_bundles>
// kernel: _gather_mean.3.cloned.1.call-start
scs
__scs_entry_jumppad:
0x0: {  	(pc) =	sbr.rel $0x88, $3  }
0x1: {  	(tag) =	ssettag $0x0;
	lr =	simm.s32 $0x1  }
0x2: {  	[smem:$0x3F9F] =	sst lr;
	_ =	strace $0xD0000000  }
0x3: {  	_ = 	snop  }
0x4: {  	_ = 	snop  }
0x5: {  	_ = 	snop  }
0x6: {  	_ = 	snop  }
0x7: {  	_ = 	snop  }
__scs_overlays_trampoline_lowered:
0x8: {  	[smem:$0x3FAE] =	sst s0  }
0x9: {  	[smem:$0x3FAF] =	sst s1  }
0xa: {  	[smem:$0x3FB0] =	sst s2  }
0xb: {  	[smem:$0x3FB1] =	sst s3  }
0xc: {  	[smem:$0x3FB2] =	sst s4  }
0xd: {  	[smem:$0x3FB3] =	sst s5  }
0xe: {  	[smem:$0x3FB4] =	sst s6  }
0xf: {  	[smem:$0x3FB5] =	sst s7  }
0x10: {  	[smem:$0x3FB6] =	sst s8  }
0x11: {  	[smem:$0x3FB7] =	sst s9;
	s0 =	simm.s32 @!p0 $0x0  }
0x12: {  	s1 =	sld [smem:$0x3F9D];
	s0 =	simm.s32 @p0 $0x1  }
0x13: {  	[smem:$0x3FB8] =	sst s0;
	s0 =	simm.s32 @!p1 $0x0  }
0x14: {  	s2 =	sld [smem:$0x3F9C];
	s0 =	simm.s32 @p1 $0x1  }
0x15: {  	[smem:$0x3FB9] =	sst s0;
	s0 =	simm.s32 @!p2 $0x0  }
0x16: {  	s3 =	sld [smem:$0x3FDB];
	s0 =	simm.s32 @p2 $0x1  }
0x17: {  	s4 =	simm.s32 $0x1BF5;
	[smem:$0x3FBB] =	sst s0  }
0x18: {  	s0 =	sld [smem:$0x3F9E];
	_ =	swait.ge [sflag:s4], $0x0  }
0x19: {  	s7 =	sld [smem:$0x3F9F]  }
0x1a: {  	s8 =	sadd.s32 $0xFFFFE003, lr  }
0x1b: {  	s9 =	sadd.s32 $0xFFFFFEF7, lr;
	s5 =	simm.s32 $0xFFFFFFFF;
	p2 =	slt.u32 s8, $0xFFFFF086  }
0x1c: {  	p1 =	slt.u32 s9, $0xF7A;
	s5 =	simm.s32 @!p2 $0x0  }
0x1d: {  	s5 =	simm.s32 @p1 $0x1;
	p0 =	seq.s32 s7, s2  }
0x1e: {  	s7 =	smul.u32 @!p0 $0xF7A, s2;
	p2 =	seq.s32 @!p0 s5, $0x0  }
0x1f: {  	s9 =	smul.u32 $0xF7A, s1;
	s8 =	simm.s32 @!p0 $0x1BF5;
	p2 =	por !p2, p0  }
0x20: {  	[sflag:s8] =	ssyncset.s32 @!p0 $0xFFFFF086;
	s6 =	sadd.s32 @!p0 s3, s7;
	s7 =	simm.s32 @!p0 $0x108  }
0x21: {  	s3 =	sadd.s32 s3, s9;
	s6 =	sadd.s32 @!p0 $0x88, s6;
	s7 =	simm.s32 @p2 $0x1082  }
0x22: {  	[simem:s7], [sflag:s8] =	dma.local @!p0 [hbm:s6], $0xF7A  }
0x23: {  	s9 =	sor.u32 $0xD0000000, s2;
	s6 =	simm.s32 $0x108;
	_ =	swait.ge @!p0 [sflag:s8], $0x0  }
0x24: {  	s3 =	sadd.s32 $0x88, s3;
	s6 =	simm.s32 @!p1 $0x1082;
	[sflag:s4] =	ssyncset.s32 $0xFFFFF086  }
0x25: {  	[simem:s6], [sflag:s4] =	dma.local [hbm:s3], $0xF7A  }
0x26: {  	[smem:$0x3F9F] =	sst s1;
	(tag) =	ssettag s2;
	_ =	strace s9  }
0x27: {  	s1 =	sld [smem:$0x3FAF]  }
0x28: {  	s2 =	sld [smem:$0x3FB0]  }
0x29: {  	s4 =	sld [smem:$0x3FB2]  }
0x2a: {  	p0 =	seq.s32 s5, $0x0;
	s5 =	sld [smem:$0x3FB3]  }
0x2b: {  	s6 =	sld [smem:$0x3FB4]  }
0x2c: {  	s7 =	sld [smem:$0x3FB5]  }
0x2d: {  	s3 =	simm.s32 $0x108;
	s8 =	sld [smem:$0x3FB6]  }
0x2e: {  	s3 =	simm.s32 @!p0 $0x1082;
	s9 =	sld [smem:$0x3FB7]  }
0x2f: {  	lr =	sadd.s32 s0, s3;
	s0 =	sld [smem:$0x3FAE]  }
0x30: {  	s3 =	sld [smem:$0x3FB1]  }
0x31: {  	[smem:$0x3FBA] =	sst s10  }
0x32: {  	s10 =	sld [smem:$0x3FB8];
	_ =	sdelay $0x3  }
0x33: {  	p0 =	seq.s32 s10, $0x1;
	s10 =	sld [smem:$0x3FBA];
	_ =	sdelay $0x3  }
0x34: {  	[smem:$0x3FBA] =	sst s10  }
0x35: {  	s10 =	sld [smem:$0x3FB9];
	_ =	sdelay $0x3  }
0x36: {  	p1 =	seq.s32 s10, $0x1;
	s10 =	sld [smem:$0x3FBA];
	_ =	sdelay $0x3  }
0x37: {  	[smem:$0x3FBA] =	sst s10  }
0x38: {  	s10 =	sld [smem:$0x3FBB]  }
0x39: {  	_ = 	snop;
	(pc) =	sbr.ind lr, $3  }
0x3a: {  	_ = 	snop  }
0x3b: {  	_ = 	snop  }
0x3c: {  	p2 =	seq.s32 s10, $0x1;
	s10 =	sld [smem:$0x3FBA]  }
0x3d: {  	_ =	shalt  }
0x3e: {  	_ =	shalt  }
0x3f: {  	_ =	shalt  }
0x40: {  	_ =	shalt  }
0x41: {  	_ =	shalt  }
0x42: {  	_ =	shalt  }
0x43: {  	_ =	shalt  }
0x44: {  	_ =	shalt  }
0x45: {  	_ =	shalt  }
0x46: {  	_ =	shalt  }
0x47: {  	_ =	shalt  }
0x48: {  	_ =	shalt  }
0x49: {  	_ =	shalt  }
0x4a: {  	_ =	shalt  }
0x4b: {  	_ =	shalt  }
0x4c: {  	_ =	shalt  }
0x4d: {  	_ =	shalt  }
0x4e: {  	_ =	shalt  }
0x4f: {  	_ =	shalt  }
0x50: {  	_ =	shalt  }
0x51: {  	_ =	shalt  }
0x52: {  	_ =	shalt  }
0x53: {  	_ =	shalt  }
0x54: {  	_ =	shalt  }
0x55: {  	_ =	shalt  }
0x56: {  	_ =	shalt  }
0x57: {  	_ =	shalt  }
0x58: {  	_ =	shalt  }
0x59: {  	_ =	shalt  }
0x5a: {  	_ =	shalt  }
0x5b: {  	_ =	shalt  }
0x5c: {  	_ =	shalt  }
0x5d: {  	_ =	shalt  }
0x5e: {  	_ =	shalt  }
0x5f: {  	_ =	shalt  }
0x60: {  	_ =	shalt  }
0x61: {  	_ =	shalt  }
0x62: {  	_ =	shalt  }
0x63: {  	_ =	shalt  }
0x64: {  	_ =	shalt  }
0x65: {  	_ =	shalt  }
0x66: {  	_ =	shalt  }
0x67: {  	_ =	shalt  }
0x68: {  	_ =	shalt  }
0x69: {  	_ =	shalt  }
0x6a: {  	_ =	shalt  }
0x6b: {  	_ =	shalt  }
0x6c: {  	_ =	shalt  }
0x6d: {  	_ =	shalt  }
0x6e: {  	_ =	shalt  }
0x6f: {  	_ =	shalt  }
0x70: {  	_ =	shalt  }
0x71: {  	_ =	shalt  }
0x72: {  	_ =	shalt  }
0x73: {  	_ =	shalt  }
0x74: {  	_ =	shalt  }
0x75: {  	_ =	shalt  }
0x76: {  	_ =	shalt  }
0x77: {  	_ =	shalt  }
0x78: {  	_ =	shalt  }
0x79: {  	_ =	shalt  }
0x7a: {  	_ =	shalt  }
0x7b: {  	_ =	shalt  }
0x7c: {  	_ =	shalt  }
0x7d: {  	_ =	shalt  }
0x7e: {  	_ =	shalt  }
0x7f: {  	_ =	shalt  }
0x80: {  	_ =	shalt  }
0x81: {  	_ =	shalt  }
0x82: {  	_ =	shalt  }
0x83: {  	_ =	shalt  }
0x84: {  	_ =	shalt  }
0x85: {  	_ =	shalt  }
0x86: {  	_ =	shalt  }
0x87: {  	_ =	shalt  }
.Lfunc_end0:
.L_simem_size_0:
called_computation_lowered:
.L_overlay_start_0:
0x88: {  	s2 =	sld [smem:$0x3FD9]  }
0x89: {  	s3 =	sld [smem:$0x3FFE];
	_ =	sdelay $0x1  }
0x8a: {  	s1 =	srdreg.scid  }
0x8b: {  	s0 =	sand.u32 $0x1, s1  }
0x8c: {  	s17 =	sshll.u32 s0, $0xA;
	s2 =	sadd.s32 s3, s2  }
0x8d: {  	s2 =	sadd.s32 s2, s17  }
0x8e: {  	[smem:$0x3FC6] =	sst s2  }
0x8f: {  	_ = 	snop  }
0x90: {  	s2 =	sld [smem:$0x3FC9]  }
0x91: {  	s18 =	sld [smem:$0x3FC8]  }
0x92: {  	s4 =	sld [smem:$0x3FD0];
	(tm) =	ssettm $0x1  }
0x93: {  	s5 =	sld [smem:$0x3FFB];
	_ =	sdelay $0x3  }
0x94: {  	_ =	strace s5  }
0x95: {  	s5 =	sld [smem:$0x3FFC];
	_ =	sdelay $0x3  }
0x96: {  	_ =	strace s5  }
0x97: {  	s5 =	sld [smem:$0x3FFD];
	_ =	sdelay $0x3  }
0x98: {  	_ =	strace s5  }
0x99: {  	_ =	strace $0x8FFFFFFF  }
0x9a: {  	s19 =	sld [smem:$0x3FDB];
	_ =	sdelay $0x1  }
0x9b: {  	s6 =	simm.s32 $_scs_section_size  }
0x9c: {  	s7 =	simm.s32 $_size__tile_overlayer_lowered;
	s8 =	simm.s32 $_tile_overlayer_lowered  }
0x9d: {  	s22 =	simm.s32 $0x1BFF;
	s21 =	sshll.u32 s8, $0x1;
	s5 =	sadd.s32 s6, s19  }
0x9e: {  	s9 =	simm.s32 $0x0;
	s20 =	sshll.u32 s7, $0x1;
	s7 =	sadd.s32 s21, s5  }
0x9f: {  	[timem:s9], [sflag:s22] =	dma.local [hbm:s7], s20  }
0xa0: {  	_ =	swait.ge [sflag:s22], s20  }
0xa1: {  	s6 =	ssub.s32 $0x0, s20;
	[sflag:s22] =	ssyncset.done $0x0  }
0xa2: {  	[sflag:s22] =	ssyncadd.s32 s6;
	_ =	sdelay $0x1  }
0xa3: {  	s23 =	simm.s32 $0x1B8B  }
0xa4: {  	_ =	swait.ge [sflag:s23], $0x1  }
0xa5: {  	[sflag:s23] =	ssyncset.done $0x0  }
0xa6: {  	s25 =	simm.s32 $0x1B8E;
	s24 =	sld [smem:$0x3FFE];
	[sflag:s23] =	ssyncadd.s32 $0xFFFFFFFF  }
0xa7: {  	s26 =	simm.s32 $execute0_lowered;
	[smem:$0x3FD2] =	sst s25  }
0xa8: {  	s7 =	sshll.u32 s26, $0x1;
	_ =	strace $0x80000046;
	[dreg:$0x1] =	wrdreg $0xFFFFFFFF  }
0xa9: {  	s28 =	simm.s32 $_size_execute0_lowered;
	s5 =	sadd.s32 s5, s7;
	[dreg:$0x0] =	wrdreg $0x0  }
0xaa: {  	s7 =	sshll.u32 s28, $0x1;
	[dreg:$0x2] =	wrdreg s5  }
0xab: {  	[dreg:$0x3] =	wrdreg s7  }
0xac: {  	[dreg:$0x4] =	wrdreg $0xC0  }
0xad: {  	_ =	task [dreg:s9], $0x5FFFF  }
0xae: {  	[dreg:$0x1] =	wrdreg $0xFFFFFFFF  }
0xaf: {  	[dreg:$0x0] =	wrdreg $0x60  }
0xb0: {  	[dreg:$0x2] =	wrdreg s2  }
0xb1: {  	[dreg:$0x3] =	wrdreg s18  }
0xb2: {  	[dreg:$0x4] =	wrdreg s24  }
0xb3: {  	[dreg:$0x5] =	wrdreg s4  }
0xb4: {  	[dreg:$0x6] =	wrdreg $0x9  }
0xb5: {  	_ =	task.clear_ibuf [dreg:s9], $0x7FFFF;
	_ =	strace $0x90000046  }
0xb6: {  	s29 =	simm.s32 $0x9;
	_ =	strace $0x80000048  }
0xb7: {  	_ =	swait.ge [sflag:s29], $0x1  }
0xb8: {  	[sflag:s29] =	ssyncadd.s32 $0xFFFFFFFF  }
0xb9: {  	_ =	strace $0x90000048  }
0xba: {  	_ =	sfence  }
0xbb: {  	s30 =	sld [smem:$0x0];
	_ =	sdelay $0x2  }
0xbc: {  	s31 =	sshll.u32 s1, $0xD;
	s1 =	sshrl.u32 s1, $0x2  }
0xbd: {  	s3 =	sand.u32 $0x4000, s31;
	s1 =	sadd.s32 s1, s30  }
0xbe: {  	s0 =	sor.u32 s3, s0;
	s1 =	sshll.u32 s1, $0x11  }
0xbf: {  	s0 =	sor.u32 s1, s0  }
0xc0: {  	s0 =	sadd.s32 $0x8F2B, s0  }
0xc1: {  	[sflag:s0] =	ssyncadd.remote.s32 $0x1  }
0xc2: {  	_ =	sfence.sel $0xFFFF  }
0xc3: {  	[dreg:$0x0] =	wrdreg $0xFFFFFFFF;
	(pc) =	sbr.abs _section_cstart, $3  }
0xc4: {  	[dreg:$0x1] =	wrdreg $0xFFFFFFFF  }
0xc5: {  	_ =	task.clear_ibuf [dreg:s9], $0x2FFFF;
	_ =	strace $0x9FFFFFFF  }
0xc6: {  	(tm) =	ssettm $0x7FFFFFFF  }
0xc7: {  	_ =	shalt  }
tec
execute0_lowered:
.L_overlay_start_1:
0x0: {  	(tag) =	ssettag $0x1  }
0x1: {  	s1 =	rddreg [dreg:$0x0]  }
0x2: {  	s2 =	rddreg [dreg:$0x1]  }
0x3: {  	s0 =	rddreg [dreg:$0x2]  }
0x4: {  	s3 =	rddreg [dreg:$0x3];
	s4 =	simm.s32 $0x0  }
0x5: {  	s17 =	srdreg.scid;
	s9 =	stileid.u32;
	s8 =	simm.s32 $0x6  }
0x6: {  	s16 =	simm.s32 $0x5;
	s28 =	simm.s32 $0xE00;
	s29 =	simm.s32 $0xFC0  }
0x7: {  	s30 =	simm.s32 $0x10300;
	s31 =	simm.s32 $0x3;
	s12 =	simm.s32 $0x1F80  }
0x8: {  	s15 =	simm.s32 $0x2140;
	s13 =	simm.s32 $0x0;
	[smem:$0x7FF] =	sst s4  }
0x9: {  	s0 =	sadd.s32 $0x400, s0;
	s18 =	sand.u32 $0x1, s17;
	s4 =	smul.u32 $0x6, s9  }
0xa: {  	s21 =	sor.u32 $0x60, s9;
	s23 =	smul.u32 $0xA800, s9;
	s11 =	sadd.s32 $0xC2400, s3  }
0xb: {  	s17 =	simm.s32 $0x1C0;
	_ =	strace $0x80000047;
	[dreg:$0x5] =	wrdreg s0  }
0xc: {  	s5 =	ssub.s32 $0x2, s18;
	p0 =	seq.s32 s18, $0x0;
	s18 =	simm.s32 $0x2300  }
0xd: {  	s21 =	smov.u32 @p0 s4;
	s0 =	sadd.s32 $0x6, s4;
	s4 =	sadd.s32 $0x61, s9  }
0xe: {  	s6 =	sshrl.u32 s5, $0x1;
	s8 =	simm.s32 @!p0 $0x1;
	s7 =	smul.u32 $0x230, s21  }
0xf: {  	s4 =	smov.u32 @p0 s0;
	s19 =	ssub.s32 s5, s6;
	s10 =	sshrl.u32 s8, $0x1  }
0x10: {  	s24 =	sand.u32 $0x1, s8;
	s6 =	sadd.s32 s23, s3;
	s20 =	smul.u32 $0x1C0, s4  }
0x11: {  	s6 =	sadd.s32 $0x7000, s6;
	s0 =	smax.u32 s19, $0x1;
	p1 =	seq.s32 s10, $0x0  }
0x12: {  	p2 =	seq.s32 s24, $0x0;
	s19 =	simm.s32 $0x4;
	[dreg:$0x7] =	wrdreg s6  }
0x13: {  	p3 =	sgt.u32 s4, $0x6F;
	s22 =	sadd.s32 s1, s7;
	[dreg:$0x9] =	wrdreg s0  }
0x14: {  	s24 =	simm.s32 $0x8C0;
	s4 =	simm.s32 $0x2;
	[dreg:$0x6] =	wrdreg s22  }
.Ltmp0:
0x15: {  	s5 =	sadd.s32 $0xFFFFFE40, s20;
	s20 =	simm.s32 $0x1;
	(pc) =	sbr.rel .LBB2_1-.Ltmp0, $4  }
0x16: {  	s25 =	sshll.u32 s5, $0x4;
	p4 =	sne.s32 s5, $0xC240;
	p5 =	seq.s32 s5, $0xC240  }
0x17: {  	s5 =	simm.s32 $0x1DC0;
	s26 =	sadd.s32 s3, s25;
	s0 =	simm.s32 @!p4 $0x0  }
0x18: {  	s25 =	simm.s32 $0xA80;
	[dreg:$0x8] =	wrdreg s26;
	s0 =	simm.s32 @p4 $0x1  }
0x19: {  	s26 =	simm.s32 $0xC40;
	[smem:$0x7FD] =	sst s0;
	s0 =	simm.s32 $0x1180  }
.LBB2_22:
0x1a: {  	s7 =	simm.s32 $0x0  }
0x1b: {  	[hbm4b:s11+s7] =	stream.linear.scatter [tilespmem:s6], [sflag:$0x5], $0x8800, $0x38;
	[tilespmem:$0x1E380] =	vst v63  }
0x1c: {  	_ =	swait.ge [sflag:s16], $0x8800  }
0x1d: {  	[sflag:s16] =	ssyncset.done $0x0  }
0x1e: {  	[sflag:s16] =	ssyncadd.s32 $0xFFFF7800  }
.LBB2_23:
0x1f: {  	s13 =	sadd.s32 $0x1, s13;
	s6 =	rddreg [dreg:$0x9]  }
0x20: {  	p4 =	sne.s32 s13, s6  }
.Ltmp1:
0x21: {  	_ = 	snop;
	(pc) =	sbr.rel @!p4 .LBB2_24-.Ltmp1, $1  }
0x22: {  	_ =	sdelay $0x3  }
.LBB2_1:
0x23: {  	[dreg:$0xa] =	wrdreg s13  }
0x24: {  	s6 =	simm.s32 $0x0;
	s7 =	rddreg [dreg:$0x5];
	s9 =	simm.s32 $0x1E300  }
0x25: {  	[tilespmem:s9], [sflag:$0x5] =	stream.linear.gather [hbm4b:s7+s6], $0x1, $0x38;
	[tilespmem:$0x1E380] =	vst v63  }
0x26: {  	_ =	swait.ge [sflag:s16], $0x1  }
0x27: {  	[sflag:s16] =	ssyncset.done $0x0  }
0x28: {  	s23 =	rddreg [dreg:$0x6];
	[sflag:s16] =	ssyncadd.s32 $0xFFFFFFFF  }
0x29: {  	v0 =	vld [tilespmem:$0x1E300];
	[tilespmem:s6], [sflag:$0x5] =	stream.linear.gather [hbm4b:s23+s6], $0x1180, $0x38  }
.Ltmp2:
0x2a: {  	_ = 	snop;
	(pc) =	sbr.rel @p1 .LBB2_10-.Ltmp2, $4  }
0x2b: {  	_ =	swait.ge [sflag:s16], $0x1180  }
0x2c: {  	[sflag:s16] =	ssyncset.done $0x0  }
0x2d: {  	[sflag:s16] =	ssyncadd.s32 $0xFFFFEE80  }
0x2e: {  	[tilespmem:s18], [sflag:$0x1] =	stream.indirect.gather [hbm4b:s2+s17], $0x80, s6, s17, $0xb8;
	[tilespmem:$0x1E380] =	vst v63  }
0x2f: {  	v1 =	vbroadcast v0, $0x0  }
0x30: {  	s6 =	simm.s32 $0x0  }
.LBB2_3:
0x31: {  	_ =	swait.ge [sflag:s20], $0xE000  }
0x32: {  	[sflag:s20] =	ssyncset.done $0x0  }
0x33: {  	[sflag:s20] =	ssyncadd.s32 $0xFFFF2000  }
0x34: {  	[tilespmem:s18], [sflag:$0x3] =	stream.indirect.gather.add.f32 [hbm:s2], $0x80, s17, s17, $0xb8;
	[tilespmem:$0x1E380] =	vst v63  }
0x35: {  	s7 =	simm.s32 $0x380  }
0x36: {  	[tilespmem:s18], [sflag:$0x3] =	stream.indirect.gather.add.f32 [hbm:s2], $0x80, s7, s17, $0xb8;
	[tilespmem:$0x1E380] =	vst v63  }
0x37: {  	s22 =	simm.s32 $0x540  }
0x38: {  	[tilespmem:s18], [sflag:$0x3] =	stream.indirect.gather.add.f32 [hbm:s2], $0x80, s22, s17, $0xb8;
	[tilespmem:$0x1E380] =	vst v63  }
0x39: {  	s23 =	simm.s32 $0x700  }
0x3a: {  	[tilespmem:s18], [sflag:$0x3] =	stream.indirect.gather.add.f32 [hbm:s2], $0x80, s23, s17, $0xb8;
	[tilespmem:$0x1E380] =	vst v63  }
0x3b: {  	_ = 	snop  }
0x3c: {  	[tilespmem:s18], [sflag:$0x3] =	stream.indirect.gather.add.f32 [hbm:s2], $0x80, s24, s17, $0xb8;
	[tilespmem:$0x1E380] =	vst v63  }
0x3d: {  	_ = 	snop  }
0x3e: {  	[tilespmem:s18], [sflag:$0x3] =	stream.indirect.gather.add.f32 [hbm:s2], $0x80, s25, s17, $0xb8;
	[tilespmem:$0x1E380] =	vst v63  }
0x3f: {  	p4 =	seq.s32 s6, $0x0  }
0x40: {  	[tilespmem:s18], [sflag:$0x3] =	stream.indirect.gather.add.f32 [hbm:s2], $0x80, s26, s17, $0xb8;
	[tilespmem:$0x1E380] =	vst v63  }
.Ltmp3:
0x41: {  	_ = 	snop;
	(pc) =	sbr.rel @p4 .LBB2_7-.Ltmp3, $4  }
0x42: {  	_ = 	snop  }
0x43: {  	[tilespmem:s18], [sflag:$0x3] =	stream.indirect.gather.add.f32 [hbm:s2], $0x80, s28, s17, $0xb8;
	[tilespmem:$0x1E380] =	vst v63  }
0x44: {  	s9 =	sshll.u32 s6, $0x1;
	s7 =	smov.u32 s21  }
0x45: {  	[tilespmem:s18], [sflag:$0x3] =	stream.indirect.gather.add.f32 [hbm:s2], $0x80, s29, s17, $0xb8;
	[tilespmem:$0x1E380] =	vst v63  }
0x46: {  	_ =	swait.ge [sflag:s19], $0xE000  }
0x47: {  	[sflag:s19] =	ssyncset.done $0x0  }
0x48: {  	[sflag:s19] =	ssyncadd.s32 $0xFFFF2000  }
0x49: {  	_ =	swait.ge [sflag:s19], $0xE000  }
0x4a: {  	[sflag:s19] =	ssyncset.done $0x0  }
0x4b: {  	[sflag:s19] =	ssyncadd.s32 $0xFFFF2000  }
0x4c: {  	_ =	swait.ge [sflag:s19], $0xE000  }
0x4d: {  	[sflag:s19] =	ssyncset.done $0x0  }
0x4e: {  	[sflag:s19] =	ssyncadd.s32 $0xFFFF2000  }
0x4f: {  	_ =	swait.ge [sflag:s19], $0xE000  }
0x50: {  	[sflag:s19] =	ssyncset.done $0x0  }
0x51: {  	[sflag:s19] =	ssyncadd.s32 $0xFFFF2000  }
0x52: {  	_ =	swait.ge [sflag:s19], $0xE000  }
0x53: {  	[sflag:s19] =	ssyncset.done $0x0  }
0x54: {  	[sflag:s19] =	ssyncadd.s32 $0xFFFF2000  }
0x55: {  	_ =	swait.ge [sflag:s19], $0xE000  }
0x56: {  	[sflag:s19] =	ssyncset.done $0x0  }
0x57: {  	[sflag:s19] =	ssyncadd.s32 $0xFFFF2000  }
0x58: {  	_ =	swait.ge [sflag:s19], $0xE000  }
0x59: {  	[sflag:s19] =	ssyncset.done $0x0  }
0x5a: {  	[sflag:s19] =	ssyncadd.s32 $0xFFFF2000  }
0x5b: {  	_ =	swait.ge [sflag:s19], $0xE000  }
0x5c: {  	[sflag:s19] =	ssyncset.done $0x0  }
0x5d: {  	[sflag:s19] =	ssyncadd.s32 $0xFFFF2000  }
0x5e: {  	_ =	swait.ge [sflag:s19], $0xE000  }
0x5f: {  	[sflag:s19] =	ssyncset.done $0x0  }
0x60: {  	s13 =	simm.s32 $0x0;
	[sflag:s19] =	ssyncadd.s32 $0xFFFF2000  }
0x61: {  	v4 =	vld [tilespmem:s13+$0x10300]  }
0x62: {  	v7 =	vld [tilespmem:s13+$0x10310]  }
0x63: {  	v6 =	vld [tilespmem:s13+$0x10320]  }
0x64: {  	v5 =	vld [tilespmem:s13+$0x10330]  }
0x65: {  	v3 =	vld [tilespmem:s13+$0x10340]  }
0x66: {  	v2 =	vld [tilespmem:s13+$0x10350];
	v8 =	vmul.f32 v4, v1  }
0x67: {  	s7 =	simm.s32 $0x200;
	v7 =	vmul.f32 v7, v1;
	v4 =	vld [tilespmem:s13+$0x10360]  }
.LBB2_5:
0x68: {  	s14 =	sshra.s32 s7, $0x2;
	p6 =	sne.s32 s7, $0x37E00;
	[tilespmem:s13+$0x10300] =	vst v8;
	v6 =	vmul.f32 v6, v1;
	v8 =	vld [tilespmem:s13+$0x10370]  }
0x69: {  	v9 =	vld [tilespmem:s14+$0x10300];
	[tilespmem:s13+$0x10310] =	vst v7;
	v5 =	vmul.f32 v5, v1  }
0x6a: {  	v7 =	vld [tilespmem:s14+$0x10310];
	[tilespmem:s13+$0x10320] =	vst v6;
	v3 =	vmul.f32 v3, v1  }
.Ltmp4:
0x6b: {  	v6 =	vld [tilespmem:s14+$0x10320];
	[tilespmem:s13+$0x10330] =	vst v5;
	v2 =	vmul.f32 v2, v1;
	(pc) =	sbr.rel @p6 .LBB2_5-.Ltmp4, $4  }
0x6c: {  	v5 =	vld [tilespmem:s14+$0x10330];
	[tilespmem:s13+$0x10340] =	vst v3;
	v4 =	vmul.f32 v4, v1  }
0x6d: {  	v3 =	vld [tilespmem:s14+$0x10340];
	[tilespmem:s13+$0x10350] =	vst v2;
	v10 =	vmul.f32 v8, v1  }
0x6e: {  	v8 =	vmul.f32 v9, v1;
	v2 =	vld [tilespmem:s14+$0x10350];
	[tilespmem:s13+$0x10360] =	vst v4  }
0x6f: {  	s7 =	sadd.s32 $0x200, s7;
	v7 =	vmul.f32 v7, v1;
	v4 =	vld [tilespmem:s14+$0x10360];
	[tilespmem:s13+$0x10370] =	vst v10;
	s13 =	smov.u32 s14  }
0x70: {  	[tilespmem:s13+$0x10300] =	vst v8;
	v6 =	vmul.f32 v6, v1;
	v63 =	vld [tilespmem:s13+$0x10370]  }
0x71: {  	s7 =	sadd.s32 s21, s9;
	[tilespmem:s13+$0x10310] =	vst v7;
	v5 =	vmul.f32 v5, v1  }
0x72: {  	s14 =	smul.u32 $0x1C0, s7;
	[tilespmem:s13+$0x10320] =	vst v6;
	v3 =	vmul.f32 v3, v1  }
0x73: {  	[tilespmem:s13+$0x10330] =	vst v5;
	v2 =	vmul.f32 v2, v1  }
0x74: {  	p6 =	sgt.u32 s7, $0x6F;
	s14 =	sadd.s32 $0xFFFFFE40, s14;
	[tilespmem:s13+$0x10340] =	vst v3;
	v3 =	vmul.f32 v4, v1  }
0x75: {  	p4 =	sne.s32 @p6 s14, $0xC240;
	[tilespmem:s13+$0x10350] =	vst v2;
	v2 =	vmul.f32 v63, v1  }
0x76: {  	p4 =	por p4, !p6;
	[tilespmem:s13+$0x10360] =	vst v3  }
0x77: {  	s22 =	simm.s32 @!p4 $0x10300;
	[tilespmem:s13+$0x10370] =	vst v2;
	s13 =	simm.s32 @!p4 $0x0  }
0x78: {  	[hbm4b:s11+s13] =	stream.linear.scatter @!p4 [tilespmem:s22], [sflag:$0x5], $0x8800, $0x38;
	[tilespmem:$0x1E380] =	vst v63  }
0x79: {  	s13 =	simm.s32 @!p4 $0x5  }
0x7a: {  	_ =	swait.ge @!p4 [sflag:s13], $0x8800  }
0x7b: {  	[sflag:s13] =	ssyncset.done @!p4 $0x0  }
0x7c: {  	[sflag:s13] =	ssyncadd.s32 @!p4 $0xFFFF7800;
	s13 =	sshll.u32 @!p6 s14, $0x4  }
0x7d: {  	s22 =	simm.s32 @!p6 $0x10300;
	s14 =	simm.s32 @!p6 $0x0;
	s13 =	sadd.s32 @!p6 s3, s13  }
0x7e: {  	[hbm4b:s13+s14] =	stream.linear.scatter @!p6 [tilespmem:s22], [sflag:$0x5], $0xE000, $0x38;
	[tilespmem:$0x1E380] =	vst v63  }
0x7f: {  	s13 =	simm.s32 @!p6 $0x5  }
0x80: {  	_ =	swait.ge @!p6 [sflag:s13], $0xE000  }
0x81: {  	[sflag:s13] =	ssyncset.done @!p6 $0x0  }
0x82: {  	[sflag:s13] =	ssyncadd.s32 @!p6 $0xFFFF2000  }
.LBB2_7:
0x83: {  	s13 =	smul.u32 $0x1180, s7;
	_ =	sdelay $0x1  }
0x84: {  	s14 =	sshrl.u32 s13, $0x3  }
0x85: {  	s14 =	sadd.s32 s1, s14  }
0x86: {  	s22 =	simm.s32 $0x0;
	s14 =	sadd.s32 $0x230, s14  }
0x87: {  	[tilespmem:s0], [sflag:$0x5] =	stream.linear.gather [hbm4b:s14+s22], $0x1180, $0x38;
	[tilespmem:$0x1E380] =	vst v63  }
0x88: {  	_ =	swait.ge [sflag:s16], $0x1180  }
0x89: {  	[sflag:s16] =	ssyncset.done $0x0  }
0x8a: {  	[sflag:s16] =	ssyncadd.s32 $0xFFFFEE80  }
0x8b: {  	[tilespmem:s30], [sflag:$0x2] =	stream.indirect.gather [hbm4b:s2+s17], $0x80, s0, s17, $0xb8;
	[tilespmem:$0x1E380] =	vst v63  }
0x8c: {  	_ =	swait.ge [sflag:s4], $0xE000  }
0x8d: {  	[sflag:s4] =	ssyncset.done $0x0  }
0x8e: {  	s22 =	simm.s32 $0x1340;
	[sflag:s4] =	ssyncadd.s32 $0xFFFF2000  }
0x8f: {  	[tilespmem:s30], [sflag:$0x4] =	stream.indirect.gather.add.f32 [hbm:s2], $0x80, s22, s17, $0xb8;
	[tilespmem:$0x1E380] =	vst v63  }
0x90: {  	s23 =	simm.s32 $0x1500  }
0x91: {  	[tilespmem:s30], [sflag:$0x4] =	stream.indirect.gather.add.f32 [hbm:s2], $0x80, s23, s17, $0xb8;
	[tilespmem:$0x1E380] =	vst v63  }
0x92: {  	s22 =	simm.s32 $0x16C0  }
0x93: {  	[tilespmem:s30], [sflag:$0x4] =	stream.indirect.gather.add.f32 [hbm:s2], $0x80, s22, s17, $0xb8;
	[tilespmem:$0x1E380] =	vst v63  }
0x94: {  	s23 =	simm.s32 $0x1880  }
0x95: {  	[tilespmem:s30], [sflag:$0x4] =	stream.indirect.gather.add.f32 [hbm:s2], $0x80, s23, s17, $0xb8;
	[tilespmem:$0x1E380] =	vst v63  }
0x96: {  	s22 =	simm.s32 $0x1A40  }
0x97: {  	[tilespmem:s30], [sflag:$0x4] =	stream.indirect.gather.add.f32 [hbm:s2], $0x80, s22, s17, $0xb8;
	[tilespmem:$0x1E380] =	vst v63  }
0x98: {  	s23 =	simm.s32 $0x1C00  }
0x99: {  	[tilespmem:s30], [sflag:$0x4] =	stream.indirect.gather.add.f32 [hbm:s2], $0x80, s23, s17, $0xb8;
	[tilespmem:$0x1E380] =	vst v63  }
0x9a: {  	_ = 	snop  }
0x9b: {  	[tilespmem:s30], [sflag:$0x4] =	stream.indirect.gather.add.f32 [hbm:s2], $0x80, s5, s17, $0xb8;
	[tilespmem:$0x1E380] =	vst v63  }
0x9c: {  	_ = 	snop  }
0x9d: {  	[tilespmem:s30], [sflag:$0x4] =	stream.indirect.gather.add.f32 [hbm:s2], $0x80, s12, s17, $0xb8;
	[tilespmem:$0x1E380] =	vst v63  }
0x9e: {  	_ = 	snop  }
0x9f: {  	[tilespmem:s30], [sflag:$0x4] =	stream.indirect.gather.add.f32 [hbm:s2], $0x80, s15, s17, $0xb8;
	[tilespmem:$0x1E380] =	vst v63  }
0xa0: {  	_ =	swait.ge [sflag:s31], $0xE000  }
0xa1: {  	[sflag:s31] =	ssyncset.done $0x0  }
0xa2: {  	[sflag:s31] =	ssyncadd.s32 $0xFFFF2000  }
0xa3: {  	_ =	swait.ge [sflag:s31], $0xE000  }
0xa4: {  	[sflag:s31] =	ssyncset.done $0x0  }
0xa5: {  	[sflag:s31] =	ssyncadd.s32 $0xFFFF2000  }
0xa6: {  	_ =	swait.ge [sflag:s31], $0xE000  }
0xa7: {  	[sflag:s31] =	ssyncset.done $0x0  }
0xa8: {  	[sflag:s31] =	ssyncadd.s32 $0xFFFF2000  }
0xa9: {  	_ =	swait.ge [sflag:s31], $0xE000  }
0xaa: {  	[sflag:s31] =	ssyncset.done $0x0  }
0xab: {  	[sflag:s31] =	ssyncadd.s32 $0xFFFF2000  }
0xac: {  	_ =	swait.ge [sflag:s31], $0xE000  }
0xad: {  	[sflag:s31] =	ssyncset.done $0x0  }
0xae: {  	[sflag:s31] =	ssyncadd.s32 $0xFFFF2000  }
0xaf: {  	_ =	swait.ge [sflag:s31], $0xE000  }
0xb0: {  	[sflag:s31] =	ssyncset.done $0x0  }
0xb1: {  	[sflag:s31] =	ssyncadd.s32 $0xFFFF2000  }
0xb2: {  	_ =	swait.ge [sflag:s31], $0xE000  }
0xb3: {  	[sflag:s31] =	ssyncset.done $0x0  }
0xb4: {  	[sflag:s31] =	ssyncadd.s32 $0xFFFF2000  }
0xb5: {  	_ =	swait.ge [sflag:s31], $0xE000  }
0xb6: {  	[sflag:s31] =	ssyncset.done $0x0  }
0xb7: {  	[sflag:s31] =	ssyncadd.s32 $0xFFFF2000  }
0xb8: {  	_ =	swait.ge [sflag:s31], $0xE000  }
0xb9: {  	[sflag:s31] =	ssyncset.done $0x0  }
0xba: {  	s22 =	simm.s32 $0x0;
	[sflag:s31] =	ssyncadd.s32 $0xFFFF2000  }
0xbb: {  	v5 =	vld [tilespmem:s22+$0x2300]  }
0xbc: {  	v7 =	vld [tilespmem:s22+$0x2310]  }
0xbd: {  	v6 =	vld [tilespmem:s22+$0x2320]  }
0xbe: {  	v4 =	vld [tilespmem:s22+$0x2330]  }
0xbf: {  	v2 =	vld [tilespmem:s22+$0x2340]  }
0xc0: {  	v3 =	vld [tilespmem:s22+$0x2350];
	v8 =	vmul.f32 v5, v1  }
0xc1: {  	s14 =	simm.s32 $0x200;
	v7 =	vmul.f32 v7, v1;
	v5 =	vld [tilespmem:s22+$0x2360]  }
.LBB2_8:
0xc2: {  	s23 =	sshra.s32 s14, $0x2;
	p6 =	sne.s32 s14, $0x37E00;
	[tilespmem:s22+$0x2300] =	vst v8;
	v6 =	vmul.f32 v6, v1;
	v8 =	vld [tilespmem:s22+$0x2370]  }
0xc3: {  	v9 =	vld [tilespmem:s23+$0x2300];
	[tilespmem:s22+$0x2310] =	vst v7;
	v4 =	vmul.f32 v4, v1  }
0xc4: {  	v7 =	vld [tilespmem:s23+$0x2310];
	[tilespmem:s22+$0x2320] =	vst v6;
	v2 =	vmul.f32 v2, v1  }
.Ltmp5:
0xc5: {  	v6 =	vld [tilespmem:s23+$0x2320];
	[tilespmem:s22+$0x2330] =	vst v4;
	v3 =	vmul.f32 v3, v1;
	(pc) =	sbr.rel @p6 .LBB2_8-.Ltmp5, $4  }
0xc6: {  	v4 =	vld [tilespmem:s23+$0x2330];
	[tilespmem:s22+$0x2340] =	vst v2;
	v5 =	vmul.f32 v5, v1  }
0xc7: {  	v2 =	vld [tilespmem:s23+$0x2340];
	[tilespmem:s22+$0x2350] =	vst v3;
	v10 =	vmul.f32 v8, v1  }
0xc8: {  	v8 =	vmul.f32 v9, v1;
	v3 =	vld [tilespmem:s23+$0x2350];
	[tilespmem:s22+$0x2360] =	vst v5  }
0xc9: {  	s14 =	sadd.s32 $0x200, s14;
	v7 =	vmul.f32 v7, v1;
	v5 =	vld [tilespmem:s23+$0x2360];
	[tilespmem:s22+$0x2370] =	vst v10;
	s22 =	smov.u32 s23  }
0xca: {  	[tilespmem:s22+$0x2300] =	vst v8;
	v6 =	vmul.f32 v6, v1;
	v63 =	vld [tilespmem:s22+$0x2370]  }
0xcb: {  	[tilespmem:s22+$0x2310] =	vst v7;
	v4 =	vmul.f32 v4, v1  }
0xcc: {  	[tilespmem:s22+$0x2320] =	vst v6;
	v2 =	vmul.f32 v2, v1  }
0xcd: {  	[tilespmem:s22+$0x2330] =	vst v4;
	v3 =	vmul.f32 v3, v1  }
0xce: {  	p6 =	sgt.u32 s7, $0x6E;
	[tilespmem:s22+$0x2340] =	vst v2;
	v2 =	vmul.f32 v5, v1  }
0xcf: {  	p4 =	sne.s32 @p6 s7, $0x6F;
	[tilespmem:s22+$0x2350] =	vst v3;
	v3 =	vmul.f32 v63, v1  }
0xd0: {  	p4 =	por p4, !p6;
	[tilespmem:s22+$0x2360] =	vst v2  }
0xd1: {  	s14 =	simm.s32 @!p4 $0x0;
	[tilespmem:s22+$0x2370] =	vst v3;
	s22 =	simm.s32 @!p4 $0x2300  }
0xd2: {  	[hbm4b:s11+s14] =	stream.linear.scatter @!p4 [tilespmem:s22], [sflag:$0x5], $0x8800, $0x38;
	[tilespmem:$0x1E380] =	vst v63  }
0xd3: {  	s7 =	smul.u32 @!p6 $0x1C00, s7;
	s14 =	simm.s32 @!p4 $0x5  }
0xd4: {  	s23 =	sadd.s32 $0x2, s9;
	s9 =	simm.s32 @!p6 $0x5;
	_ =	swait.ge @!p4 [sflag:s14], $0x8800  }
0xd5: {  	s7 =	sadd.s32 @!p6 s3, s7;
	s22 =	simm.s32 @!p6 $0x2300;
	[sflag:s14] =	ssyncset.done @!p4 $0x0  }
0xd6: {  	[sflag:s14] =	ssyncadd.s32 @!p4 $0xFFFF7800;
	s14 =	simm.s32 @!p6 $0x0;
	p4 =	sge.u32 s23, s8  }
0xd7: {  	[hbm4b:s7+s14] =	stream.linear.scatter @!p6 [tilespmem:s22], [sflag:$0x5], $0xE000, $0x38;
	[tilespmem:$0x1E380] =	vst v63  }
0xd8: {  	s7 =	sshrl.u32 @!p4 s13, $0x3;
	_ =	swait.ge @!p6 [sflag:s9], $0xE000  }
0xd9: {  	s7 =	sadd.s32 @!p4 s1, s7;
	[sflag:s9] =	ssyncset.done @!p6 $0x0  }
0xda: {  	s7 =	sadd.s32 @!p4 $0x460, s7;
	[sflag:s9] =	ssyncadd.s32 @!p6 $0xFFFF2000;
	s9 =	simm.s32 @!p4 $0x0  }
0xdb: {  	[tilespmem:s9], [sflag:$0x5] =	stream.linear.gather @!p4 [hbm4b:s7+s9], $0x1180, $0x38;
	[tilespmem:$0x1E380] =	vst v63  }
0xdc: {  	s7 =	simm.s32 @!p4 $0x5  }
0xdd: {  	_ =	swait.ge @!p4 [sflag:s7], $0x1180  }
0xde: {  	s6 =	sadd.s32 $0x1, s6;
	[sflag:s7] =	ssyncset.done @!p4 $0x0  }
0xdf: {  	s13 =	simm.s32 @!p4 $0x2300;
	[sflag:s7] =	ssyncadd.s32 @!p4 $0xFFFFEE80;
	s7 =	simm.s32 @!p4 $0x1C0  }
0xe0: {  	[tilespmem:s13], [sflag:$0x1] =	stream.indirect.gather @!p4 [hbm4b:s2+s7], $0x80, s9, s7, $0xb8;
	[tilespmem:$0x1E380] =	vst v63  }
0xe1: {  	p4 =	sne.s32 s6, s10  }
.Ltmp6:
0xe2: {  	_ = 	snop;
	(pc) =	sbr.rel @p4 .LBB2_3-.Ltmp6, $1  }
0xe3: {  	_ =	sdelay $0x3  }
.LBB2_10:
.Ltmp7:
0xe4: {  	(pc) =	sbr.rel @!p2 .LBB2_11-.Ltmp7, $1  }
0xe5: {  	_ =	sdelay $0x3  }
0xe6: {  	_ =	swait.ge [sflag:s19], $0xE000  }
0xe7: {  	[sflag:s19] =	ssyncset.done $0x0  }
0xe8: {  	[sflag:s19] =	ssyncadd.s32 $0xFFFF2000  }
0xe9: {  	_ =	swait.ge [sflag:s19], $0xE000  }
0xea: {  	[sflag:s19] =	ssyncset.done $0x0  }
0xeb: {  	[sflag:s19] =	ssyncadd.s32 $0xFFFF2000  }
0xec: {  	_ =	swait.ge [sflag:s19], $0xE000  }
0xed: {  	[sflag:s19] =	ssyncset.done $0x0  }
0xee: {  	[sflag:s19] =	ssyncadd.s32 $0xFFFF2000  }
0xef: {  	_ =	swait.ge [sflag:s19], $0xE000  }
0xf0: {  	[sflag:s19] =	ssyncset.done $0x0  }
0xf1: {  	[sflag:s19] =	ssyncadd.s32 $0xFFFF2000  }
0xf2: {  	_ =	swait.ge [sflag:s19], $0xE000  }
0xf3: {  	[sflag:s19] =	ssyncset.done $0x0  }
0xf4: {  	[sflag:s19] =	ssyncadd.s32 $0xFFFF2000  }
0xf5: {  	_ =	swait.ge [sflag:s19], $0xE000  }
0xf6: {  	[sflag:s19] =	ssyncset.done $0x0  }
0xf7: {  	[sflag:s19] =	ssyncadd.s32 $0xFFFF2000  }
0xf8: {  	_ =	swait.ge [sflag:s19], $0xE000  }
0xf9: {  	[sflag:s19] =	ssyncset.done $0x0  }
0xfa: {  	[sflag:s19] =	ssyncadd.s32 $0xFFFF2000  }
0xfb: {  	_ =	swait.ge [sflag:s19], $0xE000  }
0xfc: {  	[sflag:s19] =	ssyncset.done $0x0  }
0xfd: {  	[sflag:s19] =	ssyncadd.s32 $0xFFFF2000  }
0xfe: {  	_ =	swait.ge [sflag:s19], $0xE000  }
0xff: {  	[sflag:s19] =	ssyncset.done $0x0  }
0x100: {  	s6 =	simm.s32 $0x0;
	[sflag:s19] =	ssyncadd.s32 $0xFFFF2000  }
0x101: {  	v4 =	vld [tilespmem:s6+$0x10300]  }
0x102: {  	v6 =	vld [tilespmem:s6+$0x10310]  }
0x103: {  	v5 =	vld [tilespmem:s6+$0x10320]  }
0x104: {  	v0 =	vbroadcast v0, $0x0;
	v1 =	vld [tilespmem:s6+$0x10330]  }
0x105: {  	v2 =	vld [tilespmem:s6+$0x10340]  }
0x106: {  	v3 =	vld [tilespmem:s6+$0x10350];
	v7 =	vmul.f32 v4, v0  }
0x107: {  	s7 =	simm.s32 $0x200;
	s13 =	rddreg [dreg:$0xa];
	v6 =	vmul.f32 v6, v0;
	v4 =	vld [tilespmem:s6+$0x10360]  }
.LBB2_20:
0x108: {  	s9 =	sshra.s32 s7, $0x2;
	p6 =	sne.s32 s7, $0x37E00;
	[tilespmem:s6+$0x10300] =	vst v7;
	v5 =	vmul.f32 v5, v0;
	v7 =	vld [tilespmem:s6+$0x10370]  }
0x109: {  	v8 =	vld [tilespmem:s9+$0x10300];
	[tilespmem:s6+$0x10310] =	vst v6;
	v1 =	vmul.f32 v1, v0  }
0x10a: {  	v6 =	vld [tilespmem:s9+$0x10310];
	[tilespmem:s6+$0x10320] =	vst v5;
	v2 =	vmul.f32 v2, v0  }
.Ltmp8:
0x10b: {  	v5 =	vld [tilespmem:s9+$0x10320];
	[tilespmem:s6+$0x10330] =	vst v1;
	v3 =	vmul.f32 v3, v0;
	(pc) =	sbr.rel @p6 .LBB2_20-.Ltmp8, $4  }
0x10c: {  	v1 =	vld [tilespmem:s9+$0x10330];
	[tilespmem:s6+$0x10340] =	vst v2;
	v4 =	vmul.f32 v4, v0  }
0x10d: {  	v2 =	vld [tilespmem:s9+$0x10340];
	[tilespmem:s6+$0x10350] =	vst v3;
	v9 =	vmul.f32 v7, v0  }
0x10e: {  	v7 =	vmul.f32 v8, v0;
	v3 =	vld [tilespmem:s9+$0x10350];
	[tilespmem:s6+$0x10360] =	vst v4  }
0x10f: {  	s7 =	sadd.s32 $0x200, s7;
	v6 =	vmul.f32 v6, v0;
	v4 =	vld [tilespmem:s9+$0x10360];
	[tilespmem:s6+$0x10370] =	vst v9;
	s6 =	smov.u32 s9  }
0x110: {  	[tilespmem:s6+$0x10300] =	vst v7;
	v5 =	vmul.f32 v5, v0;
	v60 =	vld [tilespmem:s6+$0x10370]  }
0x111: {  	[tilespmem:s6+$0x10310] =	vst v6;
	v1 =	vmul.f32 v1, v0  }
0x112: {  	[tilespmem:s6+$0x10320] =	vst v5;
	v2 =	vmul.f32 v2, v0  }
0x113: {  	[tilespmem:s6+$0x10330] =	vst v1;
	v61 =	vmul.f32 v3, v0  }
0x114: {  	[tilespmem:s6+$0x10340] =	vst v2;
	v62 =	vmul.f32 v4, v0  }
0x115: {  	[tilespmem:s6+$0x10350] =	vst v61;
	v63 =	vmul.f32 v60, v0  }
0x116: {  	[tilespmem:s6+$0x10360] =	vst v62  }
0x117: {  	s7 =	simm.s32 @!p3 $0x10300;
	s9 =	rddreg [dreg:$0x8];
	[tilespmem:s6+$0x10370] =	vst v63;
	s6 =	simm.s32 @!p3 $0x0  }
0x118: {  	[hbm4b:s9+s6] =	stream.linear.scatter @!p3 [tilespmem:s7], [sflag:$0x5], $0xE000, $0x38;
	[tilespmem:$0x1E380] =	vst v63  }
0x119: {  	s6 =	simm.s32 @!p3 $0x5  }
0x11a: {  	_ =	swait.ge @!p3 [sflag:s6], $0xE000  }
0x11b: {  	s23 =	sld [smem:$0x7FD];
	_ =	sdelay $0x2  }
0x11c: {  	p4 =	seq.s32 s23, $0x1  }
.Ltmp9:
0x11d: {  	_ = 	snop;
	(pc) =	sbr.rel @p4 .LBB2_23-.Ltmp9, $4  }
.Ltmp10:
0x11e: {  	_ = 	snop;
	(pc) =	sbr.rel @!p4 .LBB2_22-.Ltmp10, $4  }
0x11f: {  	_ = 	snop  }
0x120: {  	[sflag:s6] =	ssyncset.done @!p3 $0x0  }
0x121: {  	[sflag:s6] =	ssyncadd.s32 @!p3 $0xFFFF2000;
	s6 =	simm.s32 $0x10300  }
0x122: {  	_ = 	snop  }
.LBB2_11:
0x123: {  	_ =	swait.ge [sflag:s20], $0xE000  }
0x124: {  	[sflag:s20] =	ssyncset.done $0x0  }
0x125: {  	[sflag:s20] =	ssyncadd.s32 $0xFFFF2000  }
0x126: {  	[tilespmem:s18], [sflag:$0x3] =	stream.indirect.gather.add.f32 [hbm:s2], $0x80, s17, s17, $0xb8;
	[tilespmem:$0x1E380] =	vst v63  }
0x127: {  	s6 =	simm.s32 $0x380  }
0x128: {  	[tilespmem:s18], [sflag:$0x3] =	stream.indirect.gather.add.f32 [hbm:s2], $0x80, s6, s17, $0xb8;
	[tilespmem:$0x1E380] =	vst v63  }
0x129: {  	s22 =	simm.s32 $0x540  }
0x12a: {  	[tilespmem:s18], [sflag:$0x3] =	stream.indirect.gather.add.f32 [hbm:s2], $0x80, s22, s17, $0xb8;
	[tilespmem:$0x1E380] =	vst v63  }
0x12b: {  	s23 =	simm.s32 $0x700  }
0x12c: {  	[tilespmem:s18], [sflag:$0x3] =	stream.indirect.gather.add.f32 [hbm:s2], $0x80, s23, s17, $0xb8;
	[tilespmem:$0x1E380] =	vst v63  }
0x12d: {  	_ = 	snop  }
0x12e: {  	[tilespmem:s18], [sflag:$0x3] =	stream.indirect.gather.add.f32 [hbm:s2], $0x80, s24, s17, $0xb8;
	[tilespmem:$0x1E380] =	vst v63  }
0x12f: {  	_ = 	snop  }
0x130: {  	[tilespmem:s18], [sflag:$0x3] =	stream.indirect.gather.add.f32 [hbm:s2], $0x80, s25, s17, $0xb8;
	[tilespmem:$0x1E380] =	vst v63  }
0x131: {  	_ = 	snop  }
0x132: {  	[tilespmem:s18], [sflag:$0x3] =	stream.indirect.gather.add.f32 [hbm:s2], $0x80, s26, s17, $0xb8;
	[tilespmem:$0x1E380] =	vst v63  }
.Ltmp11:
0x133: {  	_ = 	snop;
	(pc) =	sbr.rel @!p0 .LBB2_12-.Ltmp11, $4  }
0x134: {  	_ = 	snop  }
0x135: {  	[tilespmem:s18], [sflag:$0x3] =	stream.indirect.gather.add.f32 [hbm:s2], $0x80, s28, s17, $0xb8;
	[tilespmem:$0x1E380] =	vst v63  }
0x136: {  	s13 =	rddreg [dreg:$0xa]  }
0x137: {  	[tilespmem:s18], [sflag:$0x3] =	stream.indirect.gather.add.f32 [hbm:s2], $0x80, s29, s17, $0xb8;
	[tilespmem:$0x1E380] =	vst v63  }
0x138: {  	_ =	swait.ge [sflag:s19], $0xE000  }
0x139: {  	[sflag:s19] =	ssyncset.done $0x0  }
0x13a: {  	[sflag:s19] =	ssyncadd.s32 $0xFFFF2000  }
0x13b: {  	_ =	swait.ge [sflag:s19], $0xE000  }
0x13c: {  	[sflag:s19] =	ssyncset.done $0x0  }
0x13d: {  	[sflag:s19] =	ssyncadd.s32 $0xFFFF2000  }
0x13e: {  	_ =	swait.ge [sflag:s19], $0xE000  }
0x13f: {  	[sflag:s19] =	ssyncset.done $0x0  }
0x140: {  	[sflag:s19] =	ssyncadd.s32 $0xFFFF2000  }
0x141: {  	_ =	swait.ge [sflag:s19], $0xE000  }
0x142: {  	[sflag:s19] =	ssyncset.done $0x0  }
0x143: {  	[sflag:s19] =	ssyncadd.s32 $0xFFFF2000  }
0x144: {  	_ =	swait.ge [sflag:s19], $0xE000  }
0x145: {  	[sflag:s19] =	ssyncset.done $0x0  }
0x146: {  	[sflag:s19] =	ssyncadd.s32 $0xFFFF2000  }
0x147: {  	_ =	swait.ge [sflag:s19], $0xE000  }
0x148: {  	[sflag:s19] =	ssyncset.done $0x0  }
0x149: {  	[sflag:s19] =	ssyncadd.s32 $0xFFFF2000  }
0x14a: {  	_ =	swait.ge [sflag:s19], $0xE000  }
0x14b: {  	[sflag:s19] =	ssyncset.done $0x0  }
0x14c: {  	[sflag:s19] =	ssyncadd.s32 $0xFFFF2000  }
0x14d: {  	_ =	swait.ge [sflag:s19], $0xE000  }
0x14e: {  	[sflag:s19] =	ssyncset.done $0x0  }
0x14f: {  	[sflag:s19] =	ssyncadd.s32 $0xFFFF2000  }
0x150: {  	_ =	swait.ge [sflag:s19], $0xE000  }
0x151: {  	[sflag:s19] =	ssyncset.done $0x0  }
0x152: {  	s6 =	simm.s32 $0x0;
	[sflag:s19] =	ssyncadd.s32 $0xFFFF2000  }
0x153: {  	v4 =	vld [tilespmem:s6+$0x10300]  }
0x154: {  	v6 =	vld [tilespmem:s6+$0x10310]  }
0x155: {  	v5 =	vld [tilespmem:s6+$0x10320]  }
0x156: {  	v0 =	vbroadcast v0, $0x0;
	v1 =	vld [tilespmem:s6+$0x10330]  }
0x157: {  	v2 =	vld [tilespmem:s6+$0x10340]  }
0x158: {  	v3 =	vld [tilespmem:s6+$0x10350];
	v7 =	vmul.f32 v4, v0  }
0x159: {  	s7 =	simm.s32 $0x200;
	v6 =	vmul.f32 v6, v0;
	v4 =	vld [tilespmem:s6+$0x10360]  }
.LBB2_14:
0x15a: {  	s9 =	sshra.s32 s7, $0x2;
	p6 =	sne.s32 s7, $0x37E00;
	[tilespmem:s6+$0x10300] =	vst v7;
	v5 =	vmul.f32 v5, v0;
	v7 =	vld [tilespmem:s6+$0x10370]  }
0x15b: {  	v8 =	vld [tilespmem:s9+$0x10300];
	[tilespmem:s6+$0x10310] =	vst v6;
	v1 =	vmul.f32 v1, v0  }
0x15c: {  	v6 =	vld [tilespmem:s9+$0x10310];
	[tilespmem:s6+$0x10320] =	vst v5;
	v2 =	vmul.f32 v2, v0  }
.Ltmp12:
0x15d: {  	v5 =	vld [tilespmem:s9+$0x10320];
	[tilespmem:s6+$0x10330] =	vst v1;
	v3 =	vmul.f32 v3, v0;
	(pc) =	sbr.rel @p6 .LBB2_14-.Ltmp12, $4  }
0x15e: {  	v1 =	vld [tilespmem:s9+$0x10330];
	[tilespmem:s6+$0x10340] =	vst v2;
	v4 =	vmul.f32 v4, v0  }
0x15f: {  	v2 =	vld [tilespmem:s9+$0x10340];
	[tilespmem:s6+$0x10350] =	vst v3;
	v9 =	vmul.f32 v7, v0  }
0x160: {  	v7 =	vmul.f32 v8, v0;
	v3 =	vld [tilespmem:s9+$0x10350];
	[tilespmem:s6+$0x10360] =	vst v4  }
0x161: {  	s7 =	sadd.s32 $0x200, s7;
	v6 =	vmul.f32 v6, v0;
	v4 =	vld [tilespmem:s9+$0x10360];
	[tilespmem:s6+$0x10370] =	vst v9;
	s6 =	smov.u32 s9  }
0x162: {  	[tilespmem:s6+$0x10300] =	vst v7;
	v5 =	vmul.f32 v5, v0;
	v63 =	vld [tilespmem:s6+$0x10370]  }
0x163: {  	[tilespmem:s6+$0x10310] =	vst v6;
	v1 =	vmul.f32 v1, v0  }
0x164: {  	[tilespmem:s6+$0x10320] =	vst v5;
	v2 =	vmul.f32 v2, v0  }
0x165: {  	[tilespmem:s6+$0x10330] =	vst v1;
	v1 =	vmul.f32 v3, v0  }
0x166: {  	[tilespmem:s6+$0x10340] =	vst v2;
	v2 =	vmul.f32 v4, v0  }
0x167: {  	[tilespmem:s6+$0x10350] =	vst v1;
	v1 =	vmul.f32 v63, v0  }
0x168: {  	[tilespmem:s6+$0x10360] =	vst v2  }
.Ltmp13:
0x169: {  	s23 =	simm.s32 $0x0;
	s7 =	rddreg [dreg:$0x7];
	[tilespmem:s6+$0x10370] =	vst v1;
	(pc) =	sbr.rel .LBB2_16-.Ltmp13, $4  }
0x16a: {  	[hbm4b:s7+s23] =	stream.linear.scatter [tilespmem:s30], [sflag:$0x5], $0xE000, $0x38;
	[tilespmem:$0x1E380] =	vst v63  }
0x16b: {  	_ =	swait.ge [sflag:s16], $0xE000  }
0x16c: {  	[sflag:s16] =	ssyncset.done $0x0  }
0x16d: {  	[sflag:s16] =	ssyncadd.s32 $0xFFFF2000  }
.LBB2_12:
0x16e: {  	v0 =	vbroadcast v0, $0x0  }
.LBB2_16:
0x16f: {  	_ =	swait.ge [sflag:s31], $0xE000  }
0x170: {  	[sflag:s31] =	ssyncset.done $0x0  }
0x171: {  	[sflag:s31] =	ssyncadd.s32 $0xFFFF2000  }
0x172: {  	_ =	swait.ge [sflag:s31], $0xE000  }
0x173: {  	[sflag:s31] =	ssyncset.done $0x0  }
0x174: {  	[sflag:s31] =	ssyncadd.s32 $0xFFFF2000  }
0x175: {  	_ =	swait.ge [sflag:s31], $0xE000  }
0x176: {  	[sflag:s31] =	ssyncset.done $0x0  }
0x177: {  	[sflag:s31] =	ssyncadd.s32 $0xFFFF2000  }
0x178: {  	_ =	swait.ge [sflag:s31], $0xE000  }
0x179: {  	[sflag:s31] =	ssyncset.done $0x0  }
0x17a: {  	[sflag:s31] =	ssyncadd.s32 $0xFFFF2000  }
0x17b: {  	_ =	swait.ge [sflag:s31], $0xE000  }
0x17c: {  	[sflag:s31] =	ssyncset.done $0x0  }
0x17d: {  	[sflag:s31] =	ssyncadd.s32 $0xFFFF2000  }
0x17e: {  	_ =	swait.ge [sflag:s31], $0xE000  }
0x17f: {  	[sflag:s31] =	ssyncset.done $0x0  }
0x180: {  	[sflag:s31] =	ssyncadd.s32 $0xFFFF2000  }
0x181: {  	_ =	swait.ge [sflag:s31], $0xE000  }
0x182: {  	[sflag:s31] =	ssyncset.done $0x0  }
0x183: {  	[sflag:s31] =	ssyncadd.s32 $0xFFFF2000  }
0x184: {  	_ =	swait.ge [sflag:s31], $0xE000  }
0x185: {  	[sflag:s31] =	ssyncset.done $0x0  }
0x186: {  	[sflag:s31] =	ssyncadd.s32 $0xFFFF2000  }
0x187: {  	_ =	swait.ge [sflag:s31], $0xE000  }
0x188: {  	[sflag:s31] =	ssyncset.done $0x0  }
0x189: {  	s6 =	simm.s32 $0x0;
	[sflag:s31] =	ssyncadd.s32 $0xFFFF2000  }
0x18a: {  	v4 =	vld [tilespmem:s6+$0x2300]  }
0x18b: {  	v6 =	vld [tilespmem:s6+$0x2310]  }
0x18c: {  	v5 =	vld [tilespmem:s6+$0x2320]  }
0x18d: {  	v3 =	vld [tilespmem:s6+$0x2330]  }
0x18e: {  	v1 =	vld [tilespmem:s6+$0x2340]  }
0x18f: {  	v2 =	vld [tilespmem:s6+$0x2350];
	v7 =	vmul.f32 v4, v0  }
0x190: {  	s7 =	simm.s32 $0x200;
	v6 =	vmul.f32 v6, v0;
	v4 =	vld [tilespmem:s6+$0x2360]  }
.LBB2_17:
0x191: {  	s9 =	sshra.s32 s7, $0x2;
	p6 =	sne.s32 s7, $0x37E00;
	[tilespmem:s6+$0x2300] =	vst v7;
	v5 =	vmul.f32 v5, v0;
	v7 =	vld [tilespmem:s6+$0x2370]  }
0x192: {  	v8 =	vld [tilespmem:s9+$0x2300];
	[tilespmem:s6+$0x2310] =	vst v6;
	v3 =	vmul.f32 v3, v0  }
0x193: {  	v6 =	vld [tilespmem:s9+$0x2310];
	[tilespmem:s6+$0x2320] =	vst v5;
	v1 =	vmul.f32 v1, v0  }
.Ltmp14:
0x194: {  	v5 =	vld [tilespmem:s9+$0x2320];
	[tilespmem:s6+$0x2330] =	vst v3;
	v2 =	vmul.f32 v2, v0;
	(pc) =	sbr.rel @p6 .LBB2_17-.Ltmp14, $4  }
0x195: {  	v3 =	vld [tilespmem:s9+$0x2330];
	[tilespmem:s6+$0x2340] =	vst v1;
	v4 =	vmul.f32 v4, v0  }
0x196: {  	v1 =	vld [tilespmem:s9+$0x2340];
	[tilespmem:s6+$0x2350] =	vst v2;
	v9 =	vmul.f32 v7, v0  }
0x197: {  	v7 =	vmul.f32 v8, v0;
	v2 =	vld [tilespmem:s9+$0x2350];
	[tilespmem:s6+$0x2360] =	vst v4  }
0x198: {  	s7 =	sadd.s32 $0x200, s7;
	v6 =	vmul.f32 v6, v0;
	v4 =	vld [tilespmem:s9+$0x2360];
	[tilespmem:s6+$0x2370] =	vst v9;
	s6 =	smov.u32 s9  }
0x199: {  	[tilespmem:s6+$0x2300] =	vst v7;
	v5 =	vmul.f32 v5, v0;
	v61 =	vld [tilespmem:s6+$0x2370]  }
0x19a: {  	[tilespmem:s6+$0x2310] =	vst v6;
	v3 =	vmul.f32 v3, v0  }
0x19b: {  	[tilespmem:s6+$0x2320] =	vst v5;
	v1 =	vmul.f32 v1, v0  }
0x19c: {  	[tilespmem:s6+$0x2330] =	vst v3;
	v2 =	vmul.f32 v2, v0  }
0x19d: {  	[tilespmem:s6+$0x2340] =	vst v1;
	v62 =	vmul.f32 v4, v0  }
0x19e: {  	[tilespmem:s6+$0x2350] =	vst v2;
	v63 =	vmul.f32 v61, v0  }
0x19f: {  	[tilespmem:s6+$0x2360] =	vst v62  }
0x1a0: {  	s7 =	simm.s32 @!p3 $0x2300;
	s9 =	rddreg [dreg:$0x8];
	[tilespmem:s6+$0x2370] =	vst v63;
	s6 =	simm.s32 @!p3 $0x0  }
0x1a1: {  	[hbm4b:s9+s6] =	stream.linear.scatter @!p3 [tilespmem:s7], [sflag:$0x5], $0xE000, $0x38;
	[tilespmem:$0x1E380] =	vst v63  }
.Ltmp15:
0x1a2: {  	_ = 	snop;
	(pc) =	sbr.rel @p5 .LBB2_22-.Ltmp15, $4  }
.Ltmp16:
0x1a3: {  	s6 =	simm.s32 @!p3 $0x5;
	(pc) =	sbr.rel @!p5 .LBB2_23-.Ltmp16, $4  }
0x1a4: {  	_ =	swait.ge @!p3 [sflag:s6], $0xE000  }
0x1a5: {  	[sflag:s6] =	ssyncset.done @!p3 $0x0  }
0x1a6: {  	[sflag:s6] =	ssyncadd.s32 @!p3 $0xFFFF2000;
	s6 =	simm.s32 $0x2300  }
0x1a7: {  	_ = 	snop  }
.LBB2_24:
0x1a8: {  	_ =	sfence.sel $0x180000  }
0x1a9: {  	[bflag:$0x0] =	sbarrier.arrive $0xFFFF  }
0x1aa: {  	_ =	strace $0x90000047  }
0x1ab: {  	s0 =	stileid.u32;
	[bflag:$0x2] =	sbarrier.arrive $0xFFFF  }
0x1ac: {  	p0 =	sne.s32 s0, $0x0;
	s0 =	rddreg [dreg:$0x4]  }
0x1ad: {  	s0 =	sadd.s32 @!p0 $0x100000, s0  }
0x1ae: {  	[sflag:s0] =	ssyncadd.tile.s32 @!p0 $0x1;
	_ =	shalt  }
.Lfunc_end2:
_tile_overlayer_lowered:
.L_overlay_start_2:
0x1af: {  	(tag) =	ssettag $0x2  }
0x1b0: {  	s0 =	rddreg [dreg:$0x0];
	s2 =	stileid.u32  }
0x1b1: {  	s1 =	rddreg [dreg:$0x1];
	p0 =	sne.s32 s2, $0x0  }
0x1b2: {  	s3 =	rddreg [dreg:$0x2];
	[bflag:$0x3] =	sbarrier.arrive $0xFFFF;
	s2 =	simm.s32 @!p0 $0x1C05  }
0x1b3: {  	[timem:s3], [sflag:s2] =	dma.local @!p0 [hbm:s0], s1  }
0x1b4: {  	s0 =	simm.s32 @!p0 $0x5  }
0x1b5: {  	_ =	swait.ge @!p0 [sflag:s0], s1  }
0x1b6: {  	s1 =	ssub.s32 @!p0 $0x0, s1;
	[sflag:s0] =	ssyncset.done @!p0 $0x0  }
0x1b7: {  	[sflag:s0] =	ssyncadd.s32 @!p0 s1  }
0x1b8: {  	[bflag:$0x3] =	sbarrier.arrive $0xFFFF  }
0x1b9: {  	_ =	shalt  }

</sc_bundles>
